<compile_context>
chip_gen: v7x
topology: tpu7x:2x2x1
jax: 0.10.2.dev20260603
libtpu: 0.0.44.dev20260713+nightly
codegen_flags: <defaults>
</compile_context>

<pallas_src>
import functools

import jax
import jax.numpy as jnp
from jax import lax
from jax.experimental import pallas as pl
from jax.experimental.pallas import tpu as pltpu
from jax.experimental.pallas import tpu_sc as plsc

_D = 64
_DPAD = 128
_NW = 32
_CHUNK = 640
_SLAB = 128
_NSLAB = _CHUNK // _SLAB


def _make_kernel(n_rows):
    rows_per_w = n_rows // _NW
    n_chunks = rows_per_w // _CHUNK
    assert n_chunks % 2 == 0
    mesh = plsc.VectorSubcoreMesh(core_axis_name="c", subcore_axis_name="s")

    @functools.partial(
        pl.kernel,
        mesh=mesh,
        out_type=jax.ShapeDtypeStruct((n_rows, _DPAD), jnp.float32),
        scratch_types=[
            pltpu.VMEM((_CHUNK,), jnp.int32),
            pltpu.VMEM((_CHUNK,), jnp.int32),
            pltpu.VMEM((_CHUNK, _D), jnp.float32),
            pltpu.VMEM((_CHUNK, _D), jnp.float32),
            pltpu.VMEM((4, _D), jnp.float32),
            pltpu.SemaphoreType.DMA,
            pltpu.SemaphoreType.DMA,
            pltpu.SemaphoreType.DMA,
            pltpu.SemaphoreType.DMA,
        ],
        compiler_params=pltpu.CompilerParams(use_tc_tiling_on_sc=False),
    )
    def k(ids_hbm, table_hbm, spec_hbm, out_hbm, idx0, idx1, rows0, rows1,
          spec_v, gs0, gs1, os0, os1):
        idx = (idx0, idx1)
        rows = (rows0, rows1)
        gsem = (gs0, gs1)
        osem = (os0, os1)
        wid = lax.axis_index("s") * 2 + lax.axis_index("c")
        base = wid * rows_per_w
        pltpu.sync_copy(spec_hbm, spec_v)

        def load_and_fire(g, b):
            cb = base + g * _CHUNK
            pltpu.sync_copy(ids_hbm.at[pl.ds(cb, _CHUNK)], idx[b])
            for j in range(_NSLAB):
                pltpu.async_copy(
                    table_hbm.at[idx[b].at[pl.ds(j * _SLAB, _SLAB)]],
                    rows[b].at[pl.ds(j * _SLAB, _SLAB)],
                    gsem[b],
                )

        def drain_gather(b):
            for j in range(_NSLAB):
                pltpu.make_async_copy(
                    table_hbm.at[idx[b].at[pl.ds(j * _SLAB, _SLAB)]],
                    rows[b].at[pl.ds(j * _SLAB, _SLAB)],
                    gsem[b],
                ).wait()

        def fire_writeback(g, b):
            cb = base + g * _CHUNK
            pltpu.async_copy(
                rows[b], out_hbm.at[pl.ds(cb, _CHUNK), pl.ds(0, _D)],
                osem[b])

        def drain_writeback(b):
            pltpu.make_async_copy(
                rows[b], out_hbm.at[pl.ds(base, _CHUNK), pl.ds(0, _D)],
                osem[b]).wait()

        def detect(b):
            def det(t, a):
                ids = idx[b][pl.ds(t * 16, 16)]
                return a | jnp.where(ids < 3, 1, 0)

            acc = lax.fori_loop(0, _CHUNK // 16, det,
                                jnp.zeros((16,), jnp.int32))
            flag = acc[0]
            for i in range(1, 16):
                flag = flag | acc[i]
            return flag

        def patch(b, flag):
            @pl.when(flag > 0)
            def _fix():
                def fix_group(t, carry1):
                    ids = idx[b][pl.ds(t * 16, 16)]
                    for lane in range(16):
                        id_s = ids[lane]

                        @pl.when(id_s < 3)
                        def _one():
                            p = t * 16 + lane
                            for q in range(_D // 16):
                                rows[b][p, pl.ds(q * 16, 16)] = (
                                    spec_v[id_s, pl.ds(q * 16, 16)])

                    return carry1

                lax.fori_loop(0, _CHUNK // 16, fix_group, 0)

        load_and_fire(0, 0)

        def pair_body(p, carry0):
            for b in (0, 1):
                g = 2 * p + b

                @pl.when(g + 1 < n_chunks)
                def _prefetch():
                    @pl.when(g >= 1)
                    def _reuse():
                        drain_writeback(1 - b)

                    load_and_fire(g + 1, 1 - b)

                flag = detect(b)
                drain_gather(b)
                patch(b, flag)
                fire_writeback(g, b)
            return carry0

        lax.fori_loop(0, n_chunks // 2, pair_body, 0)
        drain_writeback(0)
        drain_writeback(1)

    return k


def kernel(road_ids, road_geo_data, table, unk_emb, pad_emb, mask_emb):
    del road_geo_data
    n_rows = road_ids.shape[0] * road_ids.shape[1]
    ids_flat = road_ids.reshape(n_rows)
    tpad = table
    spec = jnp.stack(
        [pad_emb, mask_emb, unk_emb, jnp.zeros_like(pad_emb)], axis=0)
    outp = _make_kernel(n_rows)(ids_flat, tpad, spec)
    return outp[:, :_D].reshape(road_ids.shape[0], road_ids.shape[1], _D)

# --- scband reference (transcript-rebuilt; emitter-appended) ---
"""Pipeline reference for scband-traj-embedding-84670985273928 (READ-ONLY COPY).

The authoritative reference and input builder live on the scoring server;
editing this copy changes nothing except your own understanding.
"""

import jax, jax.numpy as jnp
import numpy as np

VOCAB = 1000000
EMB_DIM = 64
PAD, MASK, UNK = 0, 1, 2


def setup_inputs(seed: int = 0) -> dict:
    key = jax.random.key(seed)
    k1, k2, k3, k4 = jax.random.split(key, 4)
    road_ids = jax.random.randint(k1, (4096, 200), 0, VOCAB, dtype=jnp.int32)
    road_geo_data = jnp.zeros((1,), dtype=jnp.int32)
    table = jax.random.normal(k2, (VOCAB, EMB_DIM), dtype=jnp.float32)
    unk_emb = jax.random.normal(k3, (EMB_DIM,), dtype=jnp.float32)
    pad_emb = jnp.zeros((EMB_DIM,), dtype=jnp.float32)
    mask_emb = jax.random.normal(k4, (EMB_DIM,), dtype=jnp.float32)
    return {
        "road_ids": road_ids,
        "road_geo_data": road_geo_data,
        "table": table,
        "unk_emb": unk_emb,
        "pad_emb": pad_emb,
        "mask_emb": mask_emb,
    }


def reference(road_ids, road_geo_data, table, unk_emb, pad_emb, mask_emb):
    # TrajEmbedding.forward with tokens=['roadnet'], plain nn.Embedding (is_gnn=False).
    pad_pos = road_ids == PAD
    mask_pos = road_ids == MASK
    special_pos = pad_pos | mask_pos
    # RoadnetEmbedding._embed
    unk_pos = road_ids == UNK
    x_idx = jnp.where(special_pos | unk_pos, 0, road_ids)
    x = jnp.take(table, x_idx, axis=0)  # [B, L, D] embedding gather
    x = jnp.where(unk_pos[..., None], unk_emb, x)  # x[unk_pos] = unk_emb
    # back in TrajEmbedding.forward (single token, so sum == x)
    x = jnp.where(pad_pos[..., None], pad_emb, x)
    x = jnp.where(mask_pos[..., None], mask_emb, x)
    return x

if __name__ == "__main__":
    import jax
    _d = setup_inputs()
    print(jax.jit(kernel)(*tuple(_d.values())))

</pallas_src>

<mosaic_0001>
#map = affine_map<(d0, d1) -> (0)>
#map1 = affine_map<(d0, d1) -> (0, 0)>
module attributes {stable_mosaic.version = 14 : i64} {
  func.func @k(%arg0: i32, %arg1: i32, %arg2: memref<819200xi32, #tpu.memory_space<hbm>>, %arg3: memref<1000000x64xf32, #tpu.memory_space<hbm>>, %arg4: memref<4x64xf32, #tpu.memory_space<hbm>>, %arg5: memref<819200x128xf32, #tpu.memory_space<hbm>>, %arg6: memref<640xi32, #tpu.memory_space<vmem>>, %arg7: memref<640xi32, #tpu.memory_space<vmem>>, %arg8: memref<640x64xf32, #tpu.memory_space<vmem>>, %arg9: memref<640x64xf32, #tpu.memory_space<vmem>>, %arg10: memref<4x64xf32, #tpu.memory_space<vmem>>, %arg11: memref<!tpu.dma_semaphore, #tpu.memory_space<semaphore_mem>>, %arg12: memref<!tpu.dma_semaphore, #tpu.memory_space<semaphore_mem>>, %arg13: memref<!tpu.dma_semaphore, #tpu.memory_space<semaphore_mem>>, %arg14: memref<!tpu.dma_semaphore, #tpu.memory_space<semaphore_mem>>) attributes {dimension_semantics = [#tpu.dimension_semantics<core_parallel>, #tpu.dimension_semantics<subcore_parallel>], iteration_bounds = array<i64: 2, 16>, scalar_prefetch = 0 : i64, scratch_operands = 9 : i64, tpu.core_type = #tpu.core_type<sc_vector_subcore>, window_params = [{transform_indices = #map}, {transform_indices = #map1}, {transform_indices = #map1}, {transform_indices = #map1}]} {
    %mul3A = arith.constant 2 : i32
    %mul3A_0 = arith.muli %arg1, %mul3A : i32
    %add3A = arith.addi %mul3A_0, %arg0 : i32
    %mul3A_1 = arith.constant 25600 : i32
    %mul3A_2 = arith.muli %add3A, %mul3A_1 : i32
    "tpu.region"() ({
      %run_scoped3A = tpu.sem_alloc : memref<!tpu.dma_semaphore, #tpu.memory_space<semaphore_mem>>
      tpu.enqueue_dma source(%arg4 : memref<4x64xf32, #tpu.memory_space<hbm>>) target(%arg10 : memref<4x64xf32, #tpu.memory_space<vmem>>) target_semaphore(%run_scoped3A : memref<!tpu.dma_semaphore, #tpu.memory_space<semaphore_mem>>)
      tpu.wait_dma2 semaphore(%run_scoped3A : memref<!tpu.dma_semaphore, #tpu.memory_space<semaphore_mem>>) src(%arg4 : memref<4x64xf32, #tpu.memory_space<hbm>>) dst(%arg10 : memref<4x64xf32, #tpu.memory_space<vmem>>)
      tpu.yield
    }) : () -> ()
    %add3A_3 = arith.constant 0 : i32
    %add3A_4 = arith.addi %mul3A_2, %add3A_3 : i32
    "tpu.region"() ({
      %run_scoped3A = tpu.sem_alloc : memref<!tpu.dma_semaphore, #tpu.memory_space<semaphore_mem>>
      %dma_start3A_56 = tpu.memref_slice %arg2[%add3A_4] : memref<819200xi32, #tpu.memory_space<hbm>> -> memref<640xi32, #tpu.memory_space<hbm>>
      %dma_start3A_57 = tpu.memref_slice %arg2[%add3A_4] : memref<819200xi32, #tpu.memory_space<hbm>> -> memref<640xi32, #tpu.memory_space<hbm>>
      tpu.enqueue_dma source(%dma_start3A_57 : memref<640xi32, #tpu.memory_space<hbm>>) target(%arg6 : memref<640xi32, #tpu.memory_space<vmem>>) target_semaphore(%run_scoped3A : memref<!tpu.dma_semaphore, #tpu.memory_space<semaphore_mem>>)
      %dma_wait3A_58 = tpu.memref_slice %arg2[%add3A_4] : memref<819200xi32, #tpu.memory_space<hbm>> -> memref<640xi32, #tpu.memory_space<hbm>>
      %dma_wait3A_59 = tpu.memref_slice %arg2[%add3A_4] : memref<819200xi32, #tpu.memory_space<hbm>> -> memref<640xi32, #tpu.memory_space<hbm>>
      tpu.wait_dma2 semaphore(%run_scoped3A : memref<!tpu.dma_semaphore, #tpu.memory_space<semaphore_mem>>) src(%dma_wait3A_59 : memref<640xi32, #tpu.memory_space<hbm>>) dst(%arg6 : memref<640xi32, #tpu.memory_space<vmem>>)
      tpu.yield
    }) : () -> ()
    %dma_start3A = arith.constant 0 : i32
    %dma_start3A_5 = arith.constant 0 : i32
    %dma_start3A_6 = tpu.memref_slice %arg8[%dma_start3A, %dma_start3A_5] : memref<640x64xf32, #tpu.memory_space<vmem>> -> memref<128x64xf32, #tpu.memory_space<vmem>>
    %dma_start3A_7 = arith.constant 0 : i32
    %dma_start3A_8 = tpu.memref_slice %arg6[%dma_start3A_7] : memref<640xi32, #tpu.memory_space<vmem>> -> memref<128xi32, #tpu.memory_space<vmem>>
    %dma_start3A_9 = arith.constant 0 : i32
    %dma_start3A_10 = arith.constant 0 : i32
    %dma_start3A_11 = tpu.memref_slice %arg3[%dma_start3A_9, %dma_start3A_10] : memref<1000000x64xf32, #tpu.memory_space<hbm>> -> memref<1000000x64xf32, #tpu.memory_space<hbm>>
    tpu.enqueue_indirect_dma source(%dma_start3A_11 : memref<1000000x64xf32, #tpu.memory_space<hbm>>) target(%dma_start3A_6 : memref<128x64xf32, #tpu.memory_space<vmem>>) offsets(%dma_start3A_8 : memref<128xi32, #tpu.memory_space<vmem>>) semaphore(%arg11 : memref<!tpu.dma_semaphore, #tpu.memory_space<semaphore_mem>>)
    %dma_start3A_12 = arith.constant 128 : i32
    %dma_start3A_13 = arith.constant 0 : i32
    %dma_start3A_14 = tpu.memref_slice %arg8[%dma_start3A_12, %dma_start3A_13] : memref<640x64xf32, #tpu.memory_space<vmem>> -> memref<128x64xf32, #tpu.memory_space<vmem>>
    %dma_start3A_15 = arith.constant 128 : i32
    %dma_start3A_16 = tpu.memref_slice %arg6[%dma_start3A_15] : memref<640xi32, #tpu.memory_space<vmem>> -> memref<128xi32, #tpu.memory_space<vmem>>
    %dma_start3A_17 = arith.constant 0 : i32
    %dma_start3A_18 = arith.constant 0 : i32
    %dma_start3A_19 = tpu.memref_slice %arg3[%dma_start3A_17, %dma_start3A_18] : memref<1000000x64xf32, #tpu.memory_space<hbm>> -> memref<1000000x64xf32, #tpu.memory_space<hbm>>
    tpu.enqueue_indirect_dma source(%dma_start3A_19 : memref<1000000x64xf32, #tpu.memory_space<hbm>>) target(%dma_start3A_14 : memref<128x64xf32, #tpu.memory_space<vmem>>) offsets(%dma_start3A_16 : memref<128xi32, #tpu.memory_space<vmem>>) semaphore(%arg11 : memref<!tpu.dma_semaphore, #tpu.memory_space<semaphore_mem>>)
    %dma_start3A_20 = arith.constant 256 : i32
    %dma_start3A_21 = arith.constant 0 : i32
    %dma_start3A_22 = tpu.memref_slice %arg8[%dma_start3A_20, %dma_start3A_21] : memref<640x64xf32, #tpu.memory_space<vmem>> -> memref<128x64xf32, #tpu.memory_space<vmem>>
    %dma_start3A_23 = arith.constant 256 : i32
    %dma_start3A_24 = tpu.memref_slice %arg6[%dma_start3A_23] : memref<640xi32, #tpu.memory_space<vmem>> -> memref<128xi32, #tpu.memory_space<vmem>>
    %dma_start3A_25 = arith.constant 0 : i32
    %dma_start3A_26 = arith.constant 0 : i32
    %dma_start3A_27 = tpu.memref_slice %arg3[%dma_start3A_25, %dma_start3A_26] : memref<1000000x64xf32, #tpu.memory_space<hbm>> -> memref<1000000x64xf32, #tpu.memory_space<hbm>>
    tpu.enqueue_indirect_dma source(%dma_start3A_27 : memref<1000000x64xf32, #tpu.memory_space<hbm>>) target(%dma_start3A_22 : memref<128x64xf32, #tpu.memory_space<vmem>>) offsets(%dma_start3A_24 : memref<128xi32, #tpu.memory_space<vmem>>) semaphore(%arg11 : memref<!tpu.dma_semaphore, #tpu.memory_space<semaphore_mem>>)
    %dma_start3A_28 = arith.constant 384 : i32
    %dma_start3A_29 = arith.constant 0 : i32
    %dma_start3A_30 = tpu.memref_slice %arg8[%dma_start3A_28, %dma_start3A_29] : memref<640x64xf32, #tpu.memory_space<vmem>> -> memref<128x64xf32, #tpu.memory_space<vmem>>
    %dma_start3A_31 = arith.constant 384 : i32
    %dma_start3A_32 = tpu.memref_slice %arg6[%dma_start3A_31] : memref<640xi32, #tpu.memory_space<vmem>> -> memref<128xi32, #tpu.memory_space<vmem>>
    %dma_start3A_33 = arith.constant 0 : i32
    %dma_start3A_34 = arith.constant 0 : i32
    %dma_start3A_35 = tpu.memref_slice %arg3[%dma_start3A_33, %dma_start3A_34] : memref<1000000x64xf32, #tpu.memory_space<hbm>> -> memref<1000000x64xf32, #tpu.memory_space<hbm>>
    tpu.enqueue_indirect_dma source(%dma_start3A_35 : memref<1000000x64xf32, #tpu.memory_space<hbm>>) target(%dma_start3A_30 : memref<128x64xf32, #tpu.memory_space<vmem>>) offsets(%dma_start3A_32 : memref<128xi32, #tpu.memory_space<vmem>>) semaphore(%arg11 : memref<!tpu.dma_semaphore, #tpu.memory_space<semaphore_mem>>)
    %dma_start3A_36 = arith.constant 512 : i32
    %dma_start3A_37 = arith.constant 0 : i32
    %dma_start3A_38 = tpu.memref_slice %arg8[%dma_start3A_36, %dma_start3A_37] : memref<640x64xf32, #tpu.memory_space<vmem>> -> memref<128x64xf32, #tpu.memory_space<vmem>>
    %dma_start3A_39 = arith.constant 512 : i32
    %dma_start3A_40 = tpu.memref_slice %arg6[%dma_start3A_39] : memref<640xi32, #tpu.memory_space<vmem>> -> memref<128xi32, #tpu.memory_space<vmem>>
    %dma_start3A_41 = arith.constant 0 : i32
    %dma_start3A_42 = arith.constant 0 : i32
    %dma_start3A_43 = tpu.memref_slice %arg3[%dma_start3A_41, %dma_start3A_42] : memref<1000000x64xf32, #tpu.memory_space<hbm>> -> memref<1000000x64xf32, #tpu.memory_space<hbm>>
    tpu.enqueue_indirect_dma source(%dma_start3A_43 : memref<1000000x64xf32, #tpu.memory_space<hbm>>) target(%dma_start3A_38 : memref<128x64xf32, #tpu.memory_space<vmem>>) offsets(%dma_start3A_40 : memref<128xi32, #tpu.memory_space<vmem>>) semaphore(%arg11 : memref<!tpu.dma_semaphore, #tpu.memory_space<semaphore_mem>>)
    %scan3A = arith.constant 0 : i32
    %scan3A_44 = arith.constant 0 : i32
    %scan3A_45 = arith.constant 20 : i32
    %scan3A_46 = arith.addi %scan3A_44, %scan3A_45 : i32
    %scan3A_47 = arith.constant 1 : i32
    scf.for %scan3A_56 = %scan3A_44 to %scan3A_46 step %scan3A_47  : i32 {
      %mul3A_57 = arith.constant 2 : i32
      %mul3A_58 = arith.muli %mul3A_57, %scan3A_56 : i32
      %add3A_59 = arith.constant 0 : i32
      %add3A_60 = arith.addi %mul3A_58, %add3A_59 : i32
      %add3A_61 = arith.constant 1 : i32
      %add3A_62 = arith.addi %add3A_60, %add3A_61 : i32
      %lt3A = arith.constant 40 : i32
      %lt3A_63 = arith.cmpi slt, %add3A_62, %lt3A : i32
      %convert_element_type3A = arith.extui %lt3A_63 : i1 to i32
      %cond3A = arith.constant 0 : i32
      %cond3A_64 = arith.cmpi ne, %convert_element_type3A, %cond3A : i32
      scf.if %cond3A_64 {
        %ge3A = arith.constant 1 : i32
        %ge3A_285 = arith.cmpi sge, %add3A_60, %ge3A : i32
        %convert_element_type3A_286 = arith.extui %ge3A_285 : i1 to i32
        %cond3A_287 = arith.constant 0 : i32
        %cond3A_288 = arith.cmpi ne, %convert_element_type3A_286, %cond3A_287 : i32
        scf.if %cond3A_288 {
          %dma_wait3A_334 = arith.constant 0 : i32
          %dma_wait3A_335 = tpu.memref_slice %arg5[%mul3A_2, %dma_wait3A_334] : memref<819200x128xf32, #tpu.memory_space<hbm>> -> memref<640x64xf32, #tpu.memory_space<hbm>>
          %dma_wait3A_336 = arith.constant 0 : i32
          %dma_wait3A_337 = tpu.memref_slice %arg5[%mul3A_2, %dma_wait3A_336] : memref<819200x128xf32, #tpu.memory_space<hbm>> -> memref<640x64xf32, #tpu.memory_space<hbm>>
          tpu.wait_dma2 semaphore(%arg14 : memref<!tpu.dma_semaphore, #tpu.memory_space<semaphore_mem>>) src(%arg9 : memref<640x64xf32, #tpu.memory_space<vmem>>) dst(%dma_wait3A_337 : memref<640x64xf32, #tpu.memory_space<hbm>>)
        } else {
        }
        %add3A_289 = arith.constant 1 : i32
        %add3A_290 = arith.addi %add3A_60, %add3A_289 : i32
        %mul3A_291 = arith.constant 640 : i32
        %mul3A_292 = arith.muli %add3A_290, %mul3A_291 : i32
        %add3A_293 = arith.addi %mul3A_2, %mul3A_292 : i32
        "tpu.region"() ({
          %run_scoped3A = tpu.sem_alloc : memref<!tpu.dma_semaphore, #tpu.memory_space<semaphore_mem>>
          %dma_start3A_334 = tpu.memref_slice %arg2[%add3A_293] : memref<819200xi32, #tpu.memory_space<hbm>> -> memref<640xi32, #tpu.memory_space<hbm>>
          %dma_start3A_335 = tpu.memref_slice %arg2[%add3A_293] : memref<819200xi32, #tpu.memory_space<hbm>> -> memref<640xi32, #tpu.memory_space<hbm>>
          tpu.enqueue_dma source(%dma_start3A_335 : memref<640xi32, #tpu.memory_space<hbm>>) target(%arg7 : memref<640xi32, #tpu.memory_space<vmem>>) target_semaphore(%run_scoped3A : memref<!tpu.dma_semaphore, #tpu.memory_space<semaphore_mem>>)
          %dma_wait3A_336 = tpu.memref_slice %arg2[%add3A_293] : memref<819200xi32, #tpu.memory_space<hbm>> -> memref<640xi32, #tpu.memory_space<hbm>>
          %dma_wait3A_337 = tpu.memref_slice %arg2[%add3A_293] : memref<819200xi32, #tpu.memory_space<hbm>> -> memref<640xi32, #tpu.memory_space<hbm>>
          tpu.wait_dma2 semaphore(%run_scoped3A : memref<!tpu.dma_semaphore, #tpu.memory_space<semaphore_mem>>) src(%dma_wait3A_337 : memref<640xi32, #tpu.memory_space<hbm>>) dst(%arg7 : memref<640xi32, #tpu.memory_space<vmem>>)
          tpu.yield
        }) : () -> ()
        %dma_start3A_294 = arith.constant 0 : i32
        %dma_start3A_295 = arith.constant 0 : i32
        %dma_start3A_296 = tpu.memref_slice %arg9[%dma_start3A_294, %dma_start3A_295] : memref<640x64xf32, #tpu.memory_space<vmem>> -> memref<128x64xf32, #tpu.memory_space<vmem>>
        %dma_start3A_297 = arith.constant 0 : i32
        %dma_start3A_298 = tpu.memref_slice %arg7[%dma_start3A_297] : memref<640xi32, #tpu.memory_space<vmem>> -> memref<128xi32, #tpu.memory_space<vmem>>
        %dma_start3A_299 = arith.constant 0 : i32
        %dma_start3A_300 = arith.constant 0 : i32
        %dma_start3A_301 = tpu.memref_slice %arg3[%dma_start3A_299, %dma_start3A_300] : memref<1000000x64xf32, #tpu.memory_space<hbm>> -> memref<1000000x64xf32, #tpu.memory_space<hbm>>
        tpu.enqueue_indirect_dma source(%dma_start3A_301 : memref<1000000x64xf32, #tpu.memory_space<hbm>>) target(%dma_start3A_296 : memref<128x64xf32, #tpu.memory_space<vmem>>) offsets(%dma_start3A_298 : memref<128xi32, #tpu.memory_space<vmem>>) semaphore(%arg12 : memref<!tpu.dma_semaphore, #tpu.memory_space<semaphore_mem>>)
        %dma_start3A_302 = arith.constant 128 : i32
        %dma_start3A_303 = arith.constant 0 : i32
        %dma_start3A_304 = tpu.memref_slice %arg9[%dma_start3A_302, %dma_start3A_303] : memref<640x64xf32, #tpu.memory_space<vmem>> -> memref<128x64xf32, #tpu.memory_space<vmem>>
        %dma_start3A_305 = arith.constant 128 : i32
        %dma_start3A_306 = tpu.memref_slice %arg7[%dma_start3A_305] : memref<640xi32, #tpu.memory_space<vmem>> -> memref<128xi32, #tpu.memory_space<vmem>>
        %dma_start3A_307 = arith.constant 0 : i32
        %dma_start3A_308 = arith.constant 0 : i32
        %dma_start3A_309 = tpu.memref_slice %arg3[%dma_start3A_307, %dma_start3A_308] : memref<1000000x64xf32, #tpu.memory_space<hbm>> -> memref<1000000x64xf32, #tpu.memory_space<hbm>>
        tpu.enqueue_indirect_dma source(%dma_start3A_309 : memref<1000000x64xf32, #tpu.memory_space<hbm>>) target(%dma_start3A_304 : memref<128x64xf32, #tpu.memory_space<vmem>>) offsets(%dma_start3A_306 : memref<128xi32, #tpu.memory_space<vmem>>) semaphore(%arg12 : memref<!tpu.dma_semaphore, #tpu.memory_space<semaphore_mem>>)
        %dma_start3A_310 = arith.constant 256 : i32
        %dma_start3A_311 = arith.constant 0 : i32
        %dma_start3A_312 = tpu.memref_slice %arg9[%dma_start3A_310, %dma_start3A_311] : memref<640x64xf32, #tpu.memory_space<vmem>> -> memref<128x64xf32, #tpu.memory_space<vmem>>
        %dma_start3A_313 = arith.constant 256 : i32
        %dma_start3A_314 = tpu.memref_slice %arg7[%dma_start3A_313] : memref<640xi32, #tpu.memory_space<vmem>> -> memref<128xi32, #tpu.memory_space<vmem>>
        %dma_start3A_315 = arith.constant 0 : i32
        %dma_start3A_316 = arith.constant 0 : i32
        %dma_start3A_317 = tpu.memref_slice %arg3[%dma_start3A_315, %dma_start3A_316] : memref<1000000x64xf32, #tpu.memory_space<hbm>> -> memref<1000000x64xf32, #tpu.memory_space<hbm>>
        tpu.enqueue_indirect_dma source(%dma_start3A_317 : memref<1000000x64xf32, #tpu.memory_space<hbm>>) target(%dma_start3A_312 : memref<128x64xf32, #tpu.memory_space<vmem>>) offsets(%dma_start3A_314 : memref<128xi32, #tpu.memory_space<vmem>>) semaphore(%arg12 : memref<!tpu.dma_semaphore, #tpu.memory_space<semaphore_mem>>)
        %dma_start3A_318 = arith.constant 384 : i32
        %dma_start3A_319 = arith.constant 0 : i32
        %dma_start3A_320 = tpu.memref_slice %arg9[%dma_start3A_318, %dma_start3A_319] : memref<640x64xf32, #tpu.memory_space<vmem>> -> memref<128x64xf32, #tpu.memory_space<vmem>>
        %dma_start3A_321 = arith.constant 384 : i32
        %dma_start3A_322 = tpu.memref_slice %arg7[%dma_start3A_321] : memref<640xi32, #tpu.memory_space<vmem>> -> memref<128xi32, #tpu.memory_space<vmem>>
        %dma_start3A_323 = arith.constant 0 : i32
        %dma_start3A_324 = arith.constant 0 : i32
        %dma_start3A_325 = tpu.memref_slice %arg3[%dma_start3A_323, %dma_start3A_324] : memref<1000000x64xf32, #tpu.memory_space<hbm>> -> memref<1000000x64xf32, #tpu.memory_space<hbm>>
        tpu.enqueue_indirect_dma source(%dma_start3A_325 : memref<1000000x64xf32, #tpu.memory_space<hbm>>) target(%dma_start3A_320 : memref<128x64xf32, #tpu.memory_space<vmem>>) offsets(%dma_start3A_322 : memref<128xi32, #tpu.memory_space<vmem>>) semaphore(%arg12 : memref<!tpu.dma_semaphore, #tpu.memory_space<semaphore_mem>>)
        %dma_start3A_326 = arith.constant 512 : i32
        %dma_start3A_327 = arith.constant 0 : i32
        %dma_start3A_328 = tpu.memref_slice %arg9[%dma_start3A_326, %dma_start3A_327] : memref<640x64xf32, #tpu.memory_space<vmem>> -> memref<128x64xf32, #tpu.memory_space<vmem>>
        %dma_start3A_329 = arith.constant 512 : i32
        %dma_start3A_330 = tpu.memref_slice %arg7[%dma_start3A_329] : memref<640xi32, #tpu.memory_space<vmem>> -> memref<128xi32, #tpu.memory_space<vmem>>
        %dma_start3A_331 = arith.constant 0 : i32
        %dma_start3A_332 = arith.constant 0 : i32
        %dma_start3A_333 = tpu.memref_slice %arg3[%dma_start3A_331, %dma_start3A_332] : memref<1000000x64xf32, #tpu.memory_space<hbm>> -> memref<1000000x64xf32, #tpu.memory_space<hbm>>
        tpu.enqueue_indirect_dma source(%dma_start3A_333 : memref<1000000x64xf32, #tpu.memory_space<hbm>>) target(%dma_start3A_328 : memref<128x64xf32, #tpu.memory_space<vmem>>) offsets(%dma_start3A_330 : memref<128xi32, #tpu.memory_space<vmem>>) semaphore(%arg12 : memref<!tpu.dma_semaphore, #tpu.memory_space<semaphore_mem>>)
      } else {
      }
      %broadcast_in_dim3A = arith.constant 0 : i32
      %broadcast_in_dim3A_65 = vector.broadcast %broadcast_in_dim3A : i32 to vector<16xi32>
      %scan3A_66 = arith.constant 0 : i32
      %scan3A_67 = arith.constant 40 : i32
      %scan3A_68 = arith.addi %scan3A_66, %scan3A_67 : i32
      %scan3A_69 = arith.constant 1 : i32
      %scan3A_70 = scf.for %scan3A_285 = %scan3A_66 to %scan3A_68 step %scan3A_69 iter_args(%scan3A_286 = %broadcast_in_dim3A_65) -> (vector<16xi32>)  : i32 {
        %mul3A_287 = arith.constant 16 : i32
        %mul3A_288 = arith.muli %scan3A_285, %mul3A_287 : i32
        %get3A = arith.index_cast %mul3A_288 : i32 to index
        %get3A_289 = tpu.vector_load %arg6[%get3A] {strides = array<i32>} : memref<640xi32, #tpu.memory_space<vmem>>, vector<16xi32>,
        %get3A_290 = vector.shape_cast %get3A_289 : vector<16xi32> to vector<16xi32>
        %lt3A_291 = arith.constant 3 : i32
        %lt3A_292 = vector.broadcast %lt3A_291 : i32 to vector<16xi32>
        %lt3A_293 = arith.cmpi slt, %get3A_290, %lt3A_292 : vector<16xi32>
        %jit3A = arith.constant 1 : i32
        %jit3A_294 = arith.constant 0 : i32
        %broadcast_in_dim3A_295 = vector.broadcast %jit3A : i32 to vector<16xi32>
        %broadcast_in_dim3A_296 = vector.broadcast %jit3A_294 : i32 to vector<16xi32>
        %select_n3A = arith.select %lt3A_293, %broadcast_in_dim3A_295, %broadcast_in_dim3A_296 : vector<16xi1>, vector<16xi32>
        %or3A_297 = arith.ori %scan3A_286, %select_n3A : vector<16xi32>
        scf.yield %or3A_297 : vector<16xi32>
      }
      %scan3A_71 = arith.constant 40 : i32
      %slice3A = vector.extract_strided_slice %scan3A_70 {offsets = [0], sizes = [1], strides = [1]} : vector<16xi32> to vector<1xi32>
      %squeeze3A = vector.extract %slice3A[0] : i32 from vector<1xi32>
      %slice3A_72 = vector.extract_strided_slice %scan3A_70 {offsets = [1], sizes = [1], strides = [1]} : vector<16xi32> to vector<1xi32>
      %squeeze3A_73 = vector.extract %slice3A_72[0] : i32 from vector<1xi32>
      %or3A = arith.ori %squeeze3A, %squeeze3A_73 : i32
      %slice3A_74 = vector.extract_strided_slice %scan3A_70 {offsets = [2], sizes = [1], strides = [1]} : vector<16xi32> to vector<1xi32>
      %squeeze3A_75 = vector.extract %slice3A_74[0] : i32 from vector<1xi32>
      %or3A_76 = arith.ori %or3A, %squeeze3A_75 : i32
      %slice3A_77 = vector.extract_strided_slice %scan3A_70 {offsets = [3], sizes = [1], strides = [1]} : vector<16xi32> to vector<1xi32>
      %squeeze3A_78 = vector.extract %slice3A_77[0] : i32 from vector<1xi32>
      %or3A_79 = arith.ori %or3A_76, %squeeze3A_78 : i32
      %slice3A_80 = vector.extract_strided_slice %scan3A_70 {offsets = [4], sizes = [1], strides = [1]} : vector<16xi32> to vector<1xi32>
      %squeeze3A_81 = vector.extract %slice3A_80[0] : i32 from vector<1xi32>
      %or3A_82 = arith.ori %or3A_79, %squeeze3A_81 : i32
      %slice3A_83 = vector.extract_strided_slice %scan3A_70 {offsets = [5], sizes = [1], strides = [1]} : vector<16xi32> to vector<1xi32>
      %squeeze3A_84 = vector.extract %slice3A_83[0] : i32 from vector<1xi32>
      %or3A_85 = arith.ori %or3A_82, %squeeze3A_84 : i32
      %slice3A_86 = vector.extract_strided_slice %scan3A_70 {offsets = [6], sizes = [1], strides = [1]} : vector<16xi32> to vector<1xi32>
      %squeeze3A_87 = vector.extract %slice3A_86[0] : i32 from vector<1xi32>
      %or3A_88 = arith.ori %or3A_85, %squeeze3A_87 : i32
      %slice3A_89 = vector.extract_strided_slice %scan3A_70 {offsets = [7], sizes = [1], strides = [1]} : vector<16xi32> to vector<1xi32>
      %squeeze3A_90 = vector.extract %slice3A_89[0] : i32 from vector<1xi32>
      %or3A_91 = arith.ori %or3A_88, %squeeze3A_90 : i32
      %slice3A_92 = vector.extract_strided_slice %scan3A_70 {offsets = [8], sizes = [1], strides = [1]} : vector<16xi32> to vector<1xi32>
      %squeeze3A_93 = vector.extract %slice3A_92[0] : i32 from vector<1xi32>
      %or3A_94 = arith.ori %or3A_91, %squeeze3A_93 : i32
      %slice3A_95 = vector.extract_strided_slice %scan3A_70 {offsets = [9], sizes = [1], strides = [1]} : vector<16xi32> to vector<1xi32>
      %squeeze3A_96 = vector.extract %slice3A_95[0] : i32 from vector<1xi32>
      %or3A_97 = arith.ori %or3A_94, %squeeze3A_96 : i32
      %slice3A_98 = vector.extract_strided_slice %scan3A_70 {offsets = [10], sizes = [1], strides = [1]} : vector<16xi32> to vector<1xi32>
      %squeeze3A_99 = vector.extract %slice3A_98[0] : i32 from vector<1xi32>
      %or3A_100 = arith.ori %or3A_97, %squeeze3A_99 : i32
      %slice3A_101 = vector.extract_strided_slice %scan3A_70 {offsets = [11], sizes = [1], strides = [1]} : vector<16xi32> to vector<1xi32>
      %squeeze3A_102 = vector.extract %slice3A_101[0] : i32 from vector<1xi32>
      %or3A_103 = arith.ori %or3A_100, %squeeze3A_102 : i32
      %slice3A_104 = vector.extract_strided_slice %scan3A_70 {offsets = [12], sizes = [1], strides = [1]} : vector<16xi32> to vector<1xi32>
      %squeeze3A_105 = vector.extract %slice3A_104[0] : i32 from vector<1xi32>
      %or3A_106 = arith.ori %or3A_103, %squeeze3A_105 : i32
      %slice3A_107 = vector.extract_strided_slice %scan3A_70 {offsets = [13], sizes = [1], strides = [1]} : vector<16xi32> to vector<1xi32>
      %squeeze3A_108 = vector.extract %slice3A_107[0] : i32 from vector<1xi32>
      %or3A_109 = arith.ori %or3A_106, %squeeze3A_108 : i32
      %slice3A_110 = vector.extract_strided_slice %scan3A_70 {offsets = [14], sizes = [1], strides = [1]} : vector<16xi32> to vector<1xi32>
      %squeeze3A_111 = vector.extract %slice3A_110[0] : i32 from vector<1xi32>
      %or3A_112 = arith.ori %or3A_109, %squeeze3A_111 : i32
      %slice3A_113 = vector.extract_strided_slice %scan3A_70 {offsets = [15], sizes = [1], strides = [1]} : vector<16xi32> to vector<1xi32>
      %squeeze3A_114 = vector.extract %slice3A_113[0] : i32 from vector<1xi32>
      %or3A_115 = arith.ori %or3A_112, %squeeze3A_114 : i32
      %dma_wait3A_116 = arith.constant 0 : i32
      %dma_wait3A_117 = arith.constant 0 : i32
      %dma_wait3A_118 = tpu.memref_slice %arg8[%dma_wait3A_116, %dma_wait3A_117] : memref<640x64xf32, #tpu.memory_space<vmem>> -> memref<128x64xf32, #tpu.memory_space<vmem>>
      %dma_wait3A_119 = arith.constant 0 : i32
      %dma_wait3A_120 = tpu.memref_slice %arg6[%dma_wait3A_119] : memref<640xi32, #tpu.memory_space<vmem>> -> memref<128xi32, #tpu.memory_space<vmem>>
      %dma_wait3A_121 = arith.constant 0 : i32
      %dma_wait3A_122 = arith.constant 0 : i32
      %dma_wait3A_123 = tpu.memref_slice %arg3[%dma_wait3A_121, %dma_wait3A_122] : memref<1000000x64xf32, #tpu.memory_space<hbm>> -> memref<1000000x64xf32, #tpu.memory_space<hbm>>
      tpu.wait_indirect_dma semaphore(%arg11 : memref<!tpu.dma_semaphore, #tpu.memory_space<semaphore_mem>>) src(%dma_wait3A_123 : memref<1000000x64xf32, #tpu.memory_space<hbm>>) dst(%dma_wait3A_118 : memref<128x64xf32, #tpu.memory_space<vmem>>)
      %dma_wait3A_124 = arith.constant 128 : i32
      %dma_wait3A_125 = arith.constant 0 : i32
      %dma_wait3A_126 = tpu.memref_slice %arg8[%dma_wait3A_124, %dma_wait3A_125] : memref<640x64xf32, #tpu.memory_space<vmem>> -> memref<128x64xf32, #tpu.memory_space<vmem>>
      %dma_wait3A_127 = arith.constant 128 : i32
      %dma_wait3A_128 = tpu.memref_slice %arg6[%dma_wait3A_127] : memref<640xi32, #tpu.memory_space<vmem>> -> memref<128xi32, #tpu.memory_space<vmem>>
      %dma_wait3A_129 = arith.constant 0 : i32
      %dma_wait3A_130 = arith.constant 0 : i32
      %dma_wait3A_131 = tpu.memref_slice %arg3[%dma_wait3A_129, %dma_wait3A_130] : memref<1000000x64xf32, #tpu.memory_space<hbm>> -> memref<1000000x64xf32, #tpu.memory_space<hbm>>
      tpu.wait_indirect_dma semaphore(%arg11 : memref<!tpu.dma_semaphore, #tpu.memory_space<semaphore_mem>>) src(%dma_wait3A_131 : memref<1000000x64xf32, #tpu.memory_space<hbm>>) dst(%dma_wait3A_126 : memref<128x64xf32, #tpu.memory_space<vmem>>)
      %dma_wait3A_132 = arith.constant 256 : i32
      %dma_wait3A_133 = arith.constant 0 : i32
      %dma_wait3A_134 = tpu.memref_slice %arg8[%dma_wait3A_132, %dma_wait3A_133] : memref<640x64xf32, #tpu.memory_space<vmem>> -> memref<128x64xf32, #tpu.memory_space<vmem>>
      %dma_wait3A_135 = arith.constant 256 : i32
      %dma_wait3A_136 = tpu.memref_slice %arg6[%dma_wait3A_135] : memref<640xi32, #tpu.memory_space<vmem>> -> memref<128xi32, #tpu.memory_space<vmem>>
      %dma_wait3A_137 = arith.constant 0 : i32
      %dma_wait3A_138 = arith.constant 0 : i32
      %dma_wait3A_139 = tpu.memref_slice %arg3[%dma_wait3A_137, %dma_wait3A_138] : memref<1000000x64xf32, #tpu.memory_space<hbm>> -> memref<1000000x64xf32, #tpu.memory_space<hbm>>
      tpu.wait_indirect_dma semaphore(%arg11 : memref<!tpu.dma_semaphore, #tpu.memory_space<semaphore_mem>>) src(%dma_wait3A_139 : memref<1000000x64xf32, #tpu.memory_space<hbm>>) dst(%dma_wait3A_134 : memref<128x64xf32, #tpu.memory_space<vmem>>)
      %dma_wait3A_140 = arith.constant 384 : i32
      %dma_wait3A_141 = arith.constant 0 : i32
      %dma_wait3A_142 = tpu.memref_slice %arg8[%dma_wait3A_140, %dma_wait3A_141] : memref<640x64xf32, #tpu.memory_space<vmem>> -> memref<128x64xf32, #tpu.memory_space<vmem>>
      %dma_wait3A_143 = arith.constant 384 : i32
      %dma_wait3A_144 = tpu.memref_slice %arg6[%dma_wait3A_143] : memref<640xi32, #tpu.memory_space<vmem>> -> memref<128xi32, #tpu.memory_space<vmem>>
      %dma_wait3A_145 = arith.constant 0 : i32
      %dma_wait3A_146 = arith.constant 0 : i32
      %dma_wait3A_147 = tpu.memref_slice %arg3[%dma_wait3A_145, %dma_wait3A_146] : memref<1000000x64xf32, #tpu.memory_space<hbm>> -> memref<1000000x64xf32, #tpu.memory_space<hbm>>
      tpu.wait_indirect_dma semaphore(%arg11 : memref<!tpu.dma_semaphore, #tpu.memory_space<semaphore_mem>>) src(%dma_wait3A_147 : memref<1000000x64xf32, #tpu.memory_space<hbm>>) dst(%dma_wait3A_142 : memref<128x64xf32, #tpu.memory_space<vmem>>)
      %dma_wait3A_148 = arith.constant 512 : i32
      %dma_wait3A_149 = arith.constant 0 : i32
      %dma_wait3A_150 = tpu.memref_slice %arg8[%dma_wait3A_148, %dma_wait3A_149] : memref<640x64xf32, #tpu.memory_space<vmem>> -> memref<128x64xf32, #tpu.memory_space<vmem>>
      %dma_wait3A_151 = arith.constant 512 : i32
      %dma_wait3A_152 = tpu.memref_slice %arg6[%dma_wait3A_151] : memref<640xi32, #tpu.memory_space<vmem>> -> memref<128xi32, #tpu.memory_space<vmem>>
      %dma_wait3A_153 = arith.constant 0 : i32
      %dma_wait3A_154 = arith.constant 0 : i32
      %dma_wait3A_155 = tpu.memref_slice %arg3[%dma_wait3A_153, %dma_wait3A_154] : memref<1000000x64xf32, #tpu.memory_space<hbm>> -> memref<1000000x64xf32, #tpu.memory_space<hbm>>
      tpu.wait_indirect_dma semaphore(%arg11 : memref<!tpu.dma_semaphore, #tpu.memory_space<semaphore_mem>>) src(%dma_wait3A_155 : memref<1000000x64xf32, #tpu.memory_space<hbm>>) dst(%dma_wait3A_150 : memref<128x64xf32, #tpu.memory_space<vmem>>)
      %gt3A = arith.constant 0 : i32
      %gt3A_156 = arith.cmpi sgt, %or3A_115, %gt3A : i32
      %convert_element_type3A_157 = arith.extui %gt3A_156 : i1 to i32
      %cond3A_158 = arith.constant 0 : i32
      %cond3A_159 = arith.cmpi ne, %convert_element_type3A_157, %cond3A_158 : i32
      scf.if %cond3A_159 {
        %scan3A_285 = arith.constant 0 : i32
        %scan3A_286 = arith.constant 0 : i32
        %scan3A_287 = arith.constant 40 : i32
        %scan3A_288 = arith.addi %scan3A_286, %scan3A_287 : i32
        %scan3A_289 = arith.constant 1 : i32
        scf.for %scan3A_291 = %scan3A_286 to %scan3A_288 step %scan3A_289  : i32 {
          %mul3A_292 = arith.constant 16 : i32
          %mul3A_293 = arith.muli %scan3A_291, %mul3A_292 : i32
          %get3A = arith.index_cast %mul3A_293 : i32 to index
          %get3A_294 = tpu.vector_load %arg6[%get3A] {strides = array<i32>} : memref<640xi32, #tpu.memory_space<vmem>>, vector<16xi32>,
          %get3A_295 = vector.shape_cast %get3A_294 : vector<16xi32> to vector<16xi32>
          %slice3A_296 = vector.extract_strided_slice %get3A_295 {offsets = [0], sizes = [1], strides = [1]} : vector<16xi32> to vector<1xi32>
          %squeeze3A_297 = vector.extract %slice3A_296[0] : i32 from vector<1xi32>
          %lt3A_298 = arith.constant 3 : i32
          %lt3A_299 = arith.cmpi slt, %squeeze3A_297, %lt3A_298 : i32
          %convert_element_type3A_300 = arith.extui %lt3A_299 : i1 to i32
          %cond3A_301 = arith.constant 0 : i32
          %cond3A_302 = arith.cmpi ne, %convert_element_type3A_300, %cond3A_301 : i32
          scf.if %cond3A_302 {
            %mul3A_408 = arith.constant 16 : i32
            %mul3A_409 = arith.muli %scan3A_291, %mul3A_408 : i32
            %add3A_410 = arith.constant 0 : i32
            %add3A_411 = arith.addi %mul3A_409, %add3A_410 : i32
            %get3A_412 = arith.index_cast %squeeze3A_297 : i32 to index
            %get3A_413 = arith.constant 0 : index
            %get3A_414 = tpu.vector_load %arg10[%get3A_412, %get3A_413] {strides = array<i32>} : memref<4x64xf32, #tpu.memory_space<vmem>>, vector<1x16xf32>,
            %get3A_415 = vector.shape_cast %get3A_414 : vector<1x16xf32> to vector<16xf32>
            %swap3A = arith.index_cast %add3A_411 : i32 to index
            %swap3A_416 = arith.constant 0 : index
            %swap3A_417 = tpu.vector_load %arg8[%swap3A, %swap3A_416] {strides = array<i32>} : memref<640x64xf32, #tpu.memory_space<vmem>>, vector<1x16xf32>,
            %swap3A_418 = vector.shape_cast %swap3A_417 : vector<1x16xf32> to vector<16xf32>
            %swap3A_419 = vector.shape_cast %get3A_415 : vector<16xf32> to vector<1x16xf32>
            tpu.vector_store %arg8[%swap3A, %swap3A_416], %swap3A_419 {strides = array<i32>} : memref<640x64xf32, #tpu.memory_space<vmem>>, vector<1x16xf32>,
            %get3A_420 = arith.index_cast %squeeze3A_297 : i32 to index
            %get3A_421 = arith.constant 16 : index
            %get3A_422 = tpu.vector_load %arg10[%get3A_420, %get3A_421] {strides = array<i32>} : memref<4x64xf32, #tpu.memory_space<vmem>>, vector<1x16xf32>,
            %get3A_423 = vector.shape_cast %get3A_422 : vector<1x16xf32> to vector<16xf32>
            %swap3A_424 = arith.index_cast %add3A_411 : i32 to index
            %swap3A_425 = arith.constant 16 : index
            %swap3A_426 = tpu.vector_load %arg8[%swap3A_424, %swap3A_425] {strides = array<i32>} : memref<640x64xf32, #tpu.memory_space<vmem>>, vector<1x16xf32>,
            %swap3A_427 = vector.shape_cast %swap3A_426 : vector<1x16xf32> to vector<16xf32>
            %swap3A_428 = vector.shape_cast %get3A_423 : vector<16xf32> to vector<1x16xf32>
            tpu.vector_store %arg8[%swap3A_424, %swap3A_425], %swap3A_428 {strides = array<i32>} : memref<640x64xf32, #tpu.memory_space<vmem>>, vector<1x16xf32>,
            %get3A_429 = arith.index_cast %squeeze3A_297 : i32 to index
            %get3A_430 = arith.constant 32 : index
            %get3A_431 = tpu.vector_load %arg10[%get3A_429, %get3A_430] {strides = array<i32>} : memref<4x64xf32, #tpu.memory_space<vmem>>, vector<1x16xf32>,
            %get3A_432 = vector.shape_cast %get3A_431 : vector<1x16xf32> to vector<16xf32>
            %swap3A_433 = arith.index_cast %add3A_411 : i32 to index
            %swap3A_434 = arith.constant 32 : index
            %swap3A_435 = tpu.vector_load %arg8[%swap3A_433, %swap3A_434] {strides = array<i32>} : memref<640x64xf32, #tpu.memory_space<vmem>>, vector<1x16xf32>,
            %swap3A_436 = vector.shape_cast %swap3A_435 : vector<1x16xf32> to vector<16xf32>
            %swap3A_437 = vector.shape_cast %get3A_432 : vector<16xf32> to vector<1x16xf32>
            tpu.vector_store %arg8[%swap3A_433, %swap3A_434], %swap3A_437 {strides = array<i32>} : memref<640x64xf32, #tpu.memory_space<vmem>>, vector<1x16xf32>,
            %get3A_438 = arith.index_cast %squeeze3A_297 : i32 to index
            %get3A_439 = arith.constant 48 : index
            %get3A_440 = tpu.vector_load %arg10[%get3A_438, %get3A_439] {strides = array<i32>} : memref<4x64xf32, #tpu.memory_space<vmem>>, vector<1x16xf32>,
            %get3A_441 = vector.shape_cast %get3A_440 : vector<1x16xf32> to vector<16xf32>
            %swap3A_442 = arith.index_cast %add3A_411 : i32 to index
            %swap3A_443 = arith.constant 48 : index
            %swap3A_444 = tpu.vector_load %arg8[%swap3A_442, %swap3A_443] {strides = array<i32>} : memref<640x64xf32, #tpu.memory_space<vmem>>, vector<1x16xf32>,
            %swap3A_445 = vector.shape_cast %swap3A_444 : vector<1x16xf32> to vector<16xf32>
            %swap3A_446 = vector.shape_cast %get3A_441 : vector<16xf32> to vector<1x16xf32>
            tpu.vector_store %arg8[%swap3A_442, %swap3A_443], %swap3A_446 {strides = array<i32>} : memref<640x64xf32, #tpu.memory_space<vmem>>, vector<1x16xf32>,
          } else {
          }
          %slice3A_303 = vector.extract_strided_slice %get3A_295 {offsets = [1], sizes = [1], strides = [1]} : vector<16xi32> to vector<1xi32>
          %squeeze3A_304 = vector.extract %slice3A_303[0] : i32 from vector<1xi32>
          %lt3A_305 = arith.constant 3 : i32
          %lt3A_306 = arith.cmpi slt, %squeeze3A_304, %lt3A_305 : i32
          %convert_element_type3A_307 = arith.extui %lt3A_306 : i1 to i32
          %cond3A_308 = arith.constant 0 : i32
          %cond3A_309 = arith.cmpi ne, %convert_element_type3A_307, %cond3A_308 : i32
          scf.if %cond3A_309 {
            %mul3A_408 = arith.constant 16 : i32
            %mul3A_409 = arith.muli %scan3A_291, %mul3A_408 : i32
            %add3A_410 = arith.constant 1 : i32
            %add3A_411 = arith.addi %mul3A_409, %add3A_410 : i32
            %get3A_412 = arith.index_cast %squeeze3A_304 : i32 to index
            %get3A_413 = arith.constant 0 : index
            %get3A_414 = tpu.vector_load %arg10[%get3A_412, %get3A_413] {strides = array<i32>} : memref<4x64xf32, #tpu.memory_space<vmem>>, vector<1x16xf32>,
            %get3A_415 = vector.shape_cast %get3A_414 : vector<1x16xf32> to vector<16xf32>
            %swap3A = arith.index_cast %add3A_411 : i32 to index
            %swap3A_416 = arith.constant 0 : index
            %swap3A_417 = tpu.vector_load %arg8[%swap3A, %swap3A_416] {strides = array<i32>} : memref<640x64xf32, #tpu.memory_space<vmem>>, vector<1x16xf32>,
            %swap3A_418 = vector.shape_cast %swap3A_417 : vector<1x16xf32> to vector<16xf32>
            %swap3A_419 = vector.shape_cast %get3A_415 : vector<16xf32> to vector<1x16xf32>
            tpu.vector_store %arg8[%swap3A, %swap3A_416], %swap3A_419 {strides = array<i32>} : memref<640x64xf32, #tpu.memory_space<vmem>>, vector<1x16xf32>,
            %get3A_420 = arith.index_cast %squeeze3A_304 : i32 to index
            %get3A_421 = arith.constant 16 : index
            %get3A_422 = tpu.vector_load %arg10[%get3A_420, %get3A_421] {strides = array<i32>} : memref<4x64xf32, #tpu.memory_space<vmem>>, vector<1x16xf32>,
            %get3A_423 = vector.shape_cast %get3A_422 : vector<1x16xf32> to vector<16xf32>
            %swap3A_424 = arith.index_cast %add3A_411 : i32 to index
            %swap3A_425 = arith.constant 16 : index
            %swap3A_426 = tpu.vector_load %arg8[%swap3A_424, %swap3A_425] {strides = array<i32>} : memref<640x64xf32, #tpu.memory_space<vmem>>, vector<1x16xf32>,
            %swap3A_427 = vector.shape_cast %swap3A_426 : vector<1x16xf32> to vector<16xf32>
            %swap3A_428 = vector.shape_cast %get3A_423 : vector<16xf32> to vector<1x16xf32>
            tpu.vector_store %arg8[%swap3A_424, %swap3A_425], %swap3A_428 {strides = array<i32>} : memref<640x64xf32, #tpu.memory_space<vmem>>, vector<1x16xf32>,
            %get3A_429 = arith.index_cast %squeeze3A_304 : i32 to index
            %get3A_430 = arith.constant 32 : index
            %get3A_431 = tpu.vector_load %arg10[%get3A_429, %get3A_430] {strides = array<i32>} : memref<4x64xf32, #tpu.memory_space<vmem>>, vector<1x16xf32>,
            %get3A_432 = vector.shape_cast %get3A_431 : vector<1x16xf32> to vector<16xf32>
            %swap3A_433 = arith.index_cast %add3A_411 : i32 to index
            %swap3A_434 = arith.constant 32 : index
            %swap3A_435 = tpu.vector_load %arg8[%swap3A_433, %swap3A_434] {strides = array<i32>} : memref<640x64xf32, #tpu.memory_space<vmem>>, vector<1x16xf32>,
            %swap3A_436 = vector.shape_cast %swap3A_435 : vector<1x16xf32> to vector<16xf32>
            %swap3A_437 = vector.shape_cast %get3A_432 : vector<16xf32> to vector<1x16xf32>
            tpu.vector_store %arg8[%swap3A_433, %swap3A_434], %swap3A_437 {strides = array<i32>} : memref<640x64xf32, #tpu.memory_space<vmem>>, vector<1x16xf32>,
            %get3A_438 = arith.index_cast %squeeze3A_304 : i32 to index
            %get3A_439 = arith.constant 48 : index
            %get3A_440 = tpu.vector_load %arg10[%get3A_438, %get3A_439] {strides = array<i32>} : memref<4x64xf32, #tpu.memory_space<vmem>>, vector<1x16xf32>,
            %get3A_441 = vector.shape_cast %get3A_440 : vector<1x16xf32> to vector<16xf32>
            %swap3A_442 = arith.index_cast %add3A_411 : i32 to index
            %swap3A_443 = arith.constant 48 : index
            %swap3A_444 = tpu.vector_load %arg8[%swap3A_442, %swap3A_443] {strides = array<i32>} : memref<640x64xf32, #tpu.memory_space<vmem>>, vector<1x16xf32>,
            %swap3A_445 = vector.shape_cast %swap3A_444 : vector<1x16xf32> to vector<16xf32>
            %swap3A_446 = vector.shape_cast %get3A_441 : vector<16xf32> to vector<1x16xf32>
            tpu.vector_store %arg8[%swap3A_442, %swap3A_443], %swap3A_446 {strides = array<i32>} : memref<640x64xf32, #tpu.memory_space<vmem>>, vector<1x16xf32>,
          } else {
          }
          %slice3A_310 = vector.extract_strided_slice %get3A_295 {offsets = [2], sizes = [1], strides = [1]} : vector<16xi32> to vector<1xi32>
          %squeeze3A_311 = vector.extract %slice3A_310[0] : i32 from vector<1xi32>
          %lt3A_312 = arith.constant 3 : i32
          %lt3A_313 = arith.cmpi slt, %squeeze3A_311, %lt3A_312 : i32
          %convert_element_type3A_314 = arith.extui %lt3A_313 : i1 to i32
          %cond3A_315 = arith.constant 0 : i32
          %cond3A_316 = arith.cmpi ne, %convert_element_type3A_314, %cond3A_315 : i32
          scf.if %cond3A_316 {
            %mul3A_408 = arith.constant 16 : i32
            %mul3A_409 = arith.muli %scan3A_291, %mul3A_408 : i32
            %add3A_410 = arith.constant 2 : i32
            %add3A_411 = arith.addi %mul3A_409, %add3A_410 : i32
            %get3A_412 = arith.index_cast %squeeze3A_311 : i32 to index
            %get3A_413 = arith.constant 0 : index
            %get3A_414 = tpu.vector_load %arg10[%get3A_412, %get3A_413] {strides = array<i32>} : memref<4x64xf32, #tpu.memory_space<vmem>>, vector<1x16xf32>,
            %get3A_415 = vector.shape_cast %get3A_414 : vector<1x16xf32> to vector<16xf32>
            %swap3A = arith.index_cast %add3A_411 : i32 to index
            %swap3A_416 = arith.constant 0 : index
            %swap3A_417 = tpu.vector_load %arg8[%swap3A, %swap3A_416] {strides = array<i32>} : memref<640x64xf32, #tpu.memory_space<vmem>>, vector<1x16xf32>,
            %swap3A_418 = vector.shape_cast %swap3A_417 : vector<1x16xf32> to vector<16xf32>
            %swap3A_419 = vector.shape_cast %get3A_415 : vector<16xf32> to vector<1x16xf32>
            tpu.vector_store %arg8[%swap3A, %swap3A_416], %swap3A_419 {strides = array<i32>} : memref<640x64xf32, #tpu.memory_space<vmem>>, vector<1x16xf32>,
            %get3A_420 = arith.index_cast %squeeze3A_311 : i32 to index
            %get3A_421 = arith.constant 16 : index
            %get3A_422 = tpu.vector_load %arg10[%get3A_420, %get3A_421] {strides = array<i32>} : memref<4x64xf32, #tpu.memory_space<vmem>>, vector<1x16xf32>,
            %get3A_423 = vector.shape_cast %get3A_422 : vector<1x16xf32> to vector<16xf32>
            %swap3A_424 = arith.index_cast %add3A_411 : i32 to index
            %swap3A_425 = arith.constant 16 : index
            %swap3A_426 = tpu.vector_load %arg8[%swap3A_424, %swap3A_425] {strides = array<i32>} : memref<640x64xf32, #tpu.memory_space<vmem>>, vector<1x16xf32>,
            %swap3A_427 = vector.shape_cast %swap3A_426 : vector<1x16xf32> to vector<16xf32>
            %swap3A_428 = vector.shape_cast %get3A_423 : vector<16xf32> to vector<1x16xf32>
            tpu.vector_store %arg8[%swap3A_424, %swap3A_425], %swap3A_428 {strides = array<i32>} : memref<640x64xf32, #tpu.memory_space<vmem>>, vector<1x16xf32>,
            %get3A_429 = arith.index_cast %squeeze3A_311 : i32 to index
            %get3A_430 = arith.constant 32 : index
            %get3A_431 = tpu.vector_load %arg10[%get3A_429, %get3A_430] {strides = array<i32>} : memref<4x64xf32, #tpu.memory_space<vmem>>, vector<1x16xf32>,
            %get3A_432 = vector.shape_cast %get3A_431 : vector<1x16xf32> to vector<16xf32>
            %swap3A_433 = arith.index_cast %add3A_411 : i32 to index
            %swap3A_434 = arith.constant 32 : index
            %swap3A_435 = tpu.vector_load %arg8[%swap3A_433, %swap3A_434] {strides = array<i32>} : memref<640x64xf32, #tpu.memory_space<vmem>>, vector<1x16xf32>,
            %swap3A_436 = vector.shape_cast %swap3A_435 : vector<1x16xf32> to vector<16xf32>
            %swap3A_437 = vector.shape_cast %get3A_432 : vector<16xf32> to vector<1x16xf32>
            tpu.vector_store %arg8[%swap3A_433, %swap3A_434], %swap3A_437 {strides = array<i32>} : memref<640x64xf32, #tpu.memory_space<vmem>>, vector<1x16xf32>,
            %get3A_438 = arith.index_cast %squeeze3A_311 : i32 to index
            %get3A_439 = arith.constant 48 : index
            %get3A_440 = tpu.vector_load %arg10[%get3A_438, %get3A_439] {strides = array<i32>} : memref<4x64xf32, #tpu.memory_space<vmem>>, vector<1x16xf32>,
            %get3A_441 = vector.shape_cast %get3A_440 : vector<1x16xf32> to vector<16xf32>
            %swap3A_442 = arith.index_cast %add3A_411 : i32 to index
            %swap3A_443 = arith.constant 48 : index
            %swap3A_444 = tpu.vector_load %arg8[%swap3A_442, %swap3A_443] {strides = array<i32>} : memref<640x64xf32, #tpu.memory_space<vmem>>, vector<1x16xf32>,
            %swap3A_445 = vector.shape_cast %swap3A_444 : vector<1x16xf32> to vector<16xf32>
            %swap3A_446 = vector.shape_cast %get3A_441 : vector<16xf32> to vector<1x16xf32>
            tpu.vector_store %arg8[%swap3A_442, %swap3A_443], %swap3A_446 {strides = array<i32>} : memref<640x64xf32, #tpu.memory_space<vmem>>, vector<1x16xf32>,
          } else {
          }
          %slice3A_317 = vector.extract_strided_slice %get3A_295 {offsets = [3], sizes = [1], strides = [1]} : vector<16xi32> to vector<1xi32>
          %squeeze3A_318 = vector.extract %slice3A_317[0] : i32 from vector<1xi32>
          %lt3A_319 = arith.constant 3 : i32
          %lt3A_320 = arith.cmpi slt, %squeeze3A_318, %lt3A_319 : i32
          %convert_element_type3A_321 = arith.extui %lt3A_320 : i1 to i32
          %cond3A_322 = arith.constant 0 : i32
          %cond3A_323 = arith.cmpi ne, %convert_element_type3A_321, %cond3A_322 : i32
          scf.if %cond3A_323 {
            %mul3A_408 = arith.constant 16 : i32
            %mul3A_409 = arith.muli %scan3A_291, %mul3A_408 : i32
            %add3A_410 = arith.constant 3 : i32
            %add3A_411 = arith.addi %mul3A_409, %add3A_410 : i32
            %get3A_412 = arith.index_cast %squeeze3A_318 : i32 to index
            %get3A_413 = arith.constant 0 : index
            %get3A_414 = tpu.vector_load %arg10[%get3A_412, %get3A_413] {strides = array<i32>} : memref<4x64xf32, #tpu.memory_space<vmem>>, vector<1x16xf32>,
            %get3A_415 = vector.shape_cast %get3A_414 : vector<1x16xf32> to vector<16xf32>
            %swap3A = arith.index_cast %add3A_411 : i32 to index
            %swap3A_416 = arith.constant 0 : index
            %swap3A_417 = tpu.vector_load %arg8[%swap3A, %swap3A_416] {strides = array<i32>} : memref<640x64xf32, #tpu.memory_space<vmem>>, vector<1x16xf32>,
            %swap3A_418 = vector.shape_cast %swap3A_417 : vector<1x16xf32> to vector<16xf32>
            %swap3A_419 = vector.shape_cast %get3A_415 : vector<16xf32> to vector<1x16xf32>
            tpu.vector_store %arg8[%swap3A, %swap3A_416], %swap3A_419 {strides = array<i32>} : memref<640x64xf32, #tpu.memory_space<vmem>>, vector<1x16xf32>,
            %get3A_420 = arith.index_cast %squeeze3A_318 : i32 to index
            %get3A_421 = arith.constant 16 : index
            %get3A_422 = tpu.vector_load %arg10[%get3A_420, %get3A_421] {strides = array<i32>} : memref<4x64xf32, #tpu.memory_space<vmem>>, vector<1x16xf32>,
            %get3A_423 = vector.shape_cast %get3A_422 : vector<1x16xf32> to vector<16xf32>
            %swap3A_424 = arith.index_cast %add3A_411 : i32 to index
            %swap3A_425 = arith.constant 16 : index
            %swap3A_426 = tpu.vector_load %arg8[%swap3A_424, %swap3A_425] {strides = array<i32>} : memref<640x64xf32, #tpu.memory_space<vmem>>, vector<1x16xf32>,
            %swap3A_427 = vector.shape_cast %swap3A_426 : vector<1x16xf32> to vector<16xf32>
            %swap3A_428 = vector.shape_cast %get3A_423 : vector<16xf32> to vector<1x16xf32>
            tpu.vector_store %arg8[%swap3A_424, %swap3A_425], %swap3A_428 {strides = array<i32>} : memref<640x64xf32, #tpu.memory_space<vmem>>, vector<1x16xf32>,
            %get3A_429 = arith.index_cast %squeeze3A_318 : i32 to index
            %get3A_430 = arith.constant 32 : index
            %get3A_431 = tpu.vector_load %arg10[%get3A_429, %get3A_430] {strides = array<i32>} : memref<4x64xf32, #tpu.memory_space<vmem>>, vector<1x16xf32>,
            %get3A_432 = vector.shape_cast %get3A_431 : vector<1x16xf32> to vector<16xf32>
            %swap3A_433 = arith.index_cast %add3A_411 : i32 to index
            %swap3A_434 = arith.constant 32 : index
            %swap3A_435 = tpu.vector_load %arg8[%swap3A_433, %swap3A_434] {strides = array<i32>} : memref<640x64xf32, #tpu.memory_space<vmem>>, vector<1x16xf32>,
            %swap3A_436 = vector.shape_cast %swap3A_435 : vector<1x16xf32> to vector<16xf32>
            %swap3A_437 = vector.shape_cast %get3A_432 : vector<16xf32> to vector<1x16xf32>
            tpu.vector_store %arg8[%swap3A_433, %swap3A_434], %swap3A_437 {strides = array<i32>} : memref<640x64xf32, #tpu.memory_space<vmem>>, vector<1x16xf32>,
            %get3A_438 = arith.index_cast %squeeze3A_318 : i32 to index
            %get3A_439 = arith.constant 48 : index
            %get3A_440 = tpu.vector_load %arg10[%get3A_438, %get3A_439] {strides = array<i32>} : memref<4x64xf32, #tpu.memory_space<vmem>>, vector<1x16xf32>,
            %get3A_441 = vector.shape_cast %get3A_440 : vector<1x16xf32> to vector<16xf32>
            %swap3A_442 = arith.index_cast %add3A_411 : i32 to index
            %swap3A_443 = arith.constant 48 : index
            %swap3A_444 = tpu.vector_load %arg8[%swap3A_442, %swap3A_443] {strides = array<i32>} : memref<640x64xf32, #tpu.memory_space<vmem>>, vector<1x16xf32>,
            %swap3A_445 = vector.shape_cast %swap3A_444 : vector<1x16xf32> to vector<16xf32>
            %swap3A_446 = vector.shape_cast %get3A_441 : vector<16xf32> to vector<1x16xf32>
            tpu.vector_store %arg8[%swap3A_442, %swap3A_443], %swap3A_446 {strides = array<i32>} : memref<640x64xf32, #tpu.memory_space<vmem>>, vector<1x16xf32>,
          } else {
          }
          %slice3A_324 = vector.extract_strided_slice %get3A_295 {offsets = [4], sizes = [1], strides = [1]} : vector<16xi32> to vector<1xi32>
          %squeeze3A_325 = vector.extract %slice3A_324[0] : i32 from vector<1xi32>
          %lt3A_326 = arith.constant 3 : i32
          %lt3A_327 = arith.cmpi slt, %squeeze3A_325, %lt3A_326 : i32
          %convert_element_type3A_328 = arith.extui %lt3A_327 : i1 to i32
          %cond3A_329 = arith.constant 0 : i32
          %cond3A_330 = arith.cmpi ne, %convert_element_type3A_328, %cond3A_329 : i32
          scf.if %cond3A_330 {
            %mul3A_408 = arith.constant 16 : i32
            %mul3A_409 = arith.muli %scan3A_291, %mul3A_408 : i32
            %add3A_410 = arith.constant 4 : i32
            %add3A_411 = arith.addi %mul3A_409, %add3A_410 : i32
            %get3A_412 = arith.index_cast %squeeze3A_325 : i32 to index
            %get3A_413 = arith.constant 0 : index
            %get3A_414 = tpu.vector_load %arg10[%get3A_412, %get3A_413] {strides = array<i32>} : memref<4x64xf32, #tpu.memory_space<vmem>>, vector<1x16xf32>,
            %get3A_415 = vector.shape_cast %get3A_414 : vector<1x16xf32> to vector<16xf32>
            %swap3A = arith.index_cast %add3A_411 : i32 to index
            %swap3A_416 = arith.constant 0 : index
            %swap3A_417 = tpu.vector_load %arg8[%swap3A, %swap3A_416] {strides = array<i32>} : memref<640x64xf32, #tpu.memory_space<vmem>>, vector<1x16xf32>,
            %swap3A_418 = vector.shape_cast %swap3A_417 : vector<1x16xf32> to vector<16xf32>
            %swap3A_419 = vector.shape_cast %get3A_415 : vector<16xf32> to vector<1x16xf32>
            tpu.vector_store %arg8[%swap3A, %swap3A_416], %swap3A_419 {strides = array<i32>} : memref<640x64xf32, #tpu.memory_space<vmem>>, vector<1x16xf32>,
            %get3A_420 = arith.index_cast %squeeze3A_325 : i32 to index
            %get3A_421 = arith.constant 16 : index
            %get3A_422 = tpu.vector_load %arg10[%get3A_420, %get3A_421] {strides = array<i32>} : memref<4x64xf32, #tpu.memory_space<vmem>>, vector<1x16xf32>,
            %get3A_423 = vector.shape_cast %get3A_422 : vector<1x16xf32> to vector<16xf32>
            %swap3A_424 = arith.index_cast %add3A_411 : i32 to index
            %swap3A_425 = arith.constant 16 : index
            %swap3A_426 = tpu.vector_load %arg8[%swap3A_424, %swap3A_425] {strides = array<i32>} : memref<640x64xf32, #tpu.memory_space<vmem>>, vector<1x16xf32>,
            %swap3A_427 = vector.shape_cast %swap3A_426 : vector<1x16xf32> to vector<16xf32>
            %swap3A_428 = vector.shape_cast %get3A_423 : vector<16xf32> to vector<1x16xf32>
            tpu.vector_store %arg8[%swap3A_424, %swap3A_425], %swap3A_428 {strides = array<i32>} : memref<640x64xf32, #tpu.memory_space<vmem>>, vector<1x16xf32>,
            %get3A_429 = arith.index_cast %squeeze3A_325 : i32 to index
            %get3A_430 = arith.constant 32 : index
            %get3A_431 = tpu.vector_load %arg10[%get3A_429, %get3A_430] {strides = array<i32>} : memref<4x64xf32, #tpu.memory_space<vmem>>, vector<1x16xf32>,
            %get3A_432 = vector.shape_cast %get3A_431 : vector<1x16xf32> to vector<16xf32>
            %swap3A_433 = arith.index_cast %add3A_411 : i32 to index
            %swap3A_434 = arith.constant 32 : index
            %swap3A_435 = tpu.vector_load %arg8[%swap3A_433, %swap3A_434] {strides = array<i32>} : memref<640x64xf32, #tpu.memory_space<vmem>>, vector<1x16xf32>,
            %swap3A_436 = vector.shape_cast %swap3A_435 : vector<1x16xf32> to vector<16xf32>
            %swap3A_437 = vector.shape_cast %get3A_432 : vector<16xf32> to vector<1x16xf32>
            tpu.vector_store %arg8[%swap3A_433, %swap3A_434], %swap3A_437 {strides = array<i32>} : memref<640x64xf32, #tpu.memory_space<vmem>>, vector<1x16xf32>,
            %get3A_438 = arith.index_cast %squeeze3A_325 : i32 to index
            %get3A_439 = arith.constant 48 : index
            %get3A_440 = tpu.vector_load %arg10[%get3A_438, %get3A_439] {strides = array<i32>} : memref<4x64xf32, #tpu.memory_space<vmem>>, vector<1x16xf32>,
            %get3A_441 = vector.shape_cast %get3A_440 : vector<1x16xf32> to vector<16xf32>
            %swap3A_442 = arith.index_cast %add3A_411 : i32 to index
            %swap3A_443 = arith.constant 48 : index
            %swap3A_444 = tpu.vector_load %arg8[%swap3A_442, %swap3A_443] {strides = array<i32>} : memref<640x64xf32, #tpu.memory_space<vmem>>, vector<1x16xf32>,
            %swap3A_445 = vector.shape_cast %swap3A_444 : vector<1x16xf32> to vector<16xf32>
            %swap3A_446 = vector.shape_cast %get3A_441 : vector<16xf32> to vector<1x16xf32>
            tpu.vector_store %arg8[%swap3A_442, %swap3A_443], %swap3A_446 {strides = array<i32>} : memref<640x64xf32, #tpu.memory_space<vmem>>, vector<1x16xf32>,
          } else {
          }
          %slice3A_331 = vector.extract_strided_slice %get3A_295 {offsets = [5], sizes = [1], strides = [1]} : vector<16xi32> to vector<1xi32>
          %squeeze3A_332 = vector.extract %slice3A_331[0] : i32 from vector<1xi32>
          %lt3A_333 = arith.constant 3 : i32
          %lt3A_334 = arith.cmpi slt, %squeeze3A_332, %lt3A_333 : i32
          %convert_element_type3A_335 = arith.extui %lt3A_334 : i1 to i32
          %cond3A_336 = arith.constant 0 : i32
          %cond3A_337 = arith.cmpi ne, %convert_element_type3A_335, %cond3A_336 : i32
          scf.if %cond3A_337 {
            %mul3A_408 = arith.constant 16 : i32
            %mul3A_409 = arith.muli %scan3A_291, %mul3A_408 : i32
            %add3A_410 = arith.constant 5 : i32
            %add3A_411 = arith.addi %mul3A_409, %add3A_410 : i32
            %get3A_412 = arith.index_cast %squeeze3A_332 : i32 to index
            %get3A_413 = arith.constant 0 : index
            %get3A_414 = tpu.vector_load %arg10[%get3A_412, %get3A_413] {strides = array<i32>} : memref<4x64xf32, #tpu.memory_space<vmem>>, vector<1x16xf32>,
            %get3A_415 = vector.shape_cast %get3A_414 : vector<1x16xf32> to vector<16xf32>
            %swap3A = arith.index_cast %add3A_411 : i32 to index
            %swap3A_416 = arith.constant 0 : index
            %swap3A_417 = tpu.vector_load %arg8[%swap3A, %swap3A_416] {strides = array<i32>} : memref<640x64xf32, #tpu.memory_space<vmem>>, vector<1x16xf32>,
            %swap3A_418 = vector.shape_cast %swap3A_417 : vector<1x16xf32> to vector<16xf32>
            %swap3A_419 = vector.shape_cast %get3A_415 : vector<16xf32> to vector<1x16xf32>
            tpu.vector_store %arg8[%swap3A, %swap3A_416], %swap3A_419 {strides = array<i32>} : memref<640x64xf32, #tpu.memory_space<vmem>>, vector<1x16xf32>,
            %get3A_420 = arith.index_cast %squeeze3A_332 : i32 to index
            %get3A_421 = arith.constant 16 : index
            %get3A_422 = tpu.vector_load %arg10[%get3A_420, %get3A_421] {strides = array<i32>} : memref<4x64xf32, #tpu.memory_space<vmem>>, vector<1x16xf32>,
            %get3A_423 = vector.shape_cast %get3A_422 : vector<1x16xf32> to vector<16xf32>
            %swap3A_424 = arith.index_cast %add3A_411 : i32 to index
            %swap3A_425 = arith.constant 16 : index
            %swap3A_426 = tpu.vector_load %arg8[%swap3A_424, %swap3A_425] {strides = array<i32>} : memref<640x64xf32, #tpu.memory_space<vmem>>, vector<1x16xf32>,
            %swap3A_427 = vector.shape_cast %swap3A_426 : vector<1x16xf32> to vector<16xf32>
            %swap3A_428 = vector.shape_cast %get3A_423 : vector<16xf32> to vector<1x16xf32>
            tpu.vector_store %arg8[%swap3A_424, %swap3A_425], %swap3A_428 {strides = array<i32>} : memref<640x64xf32, #tpu.memory_space<vmem>>, vector<1x16xf32>,
            %get3A_429 = arith.index_cast %squeeze3A_332 : i32 to index
            %get3A_430 = arith.constant 32 : index
            %get3A_431 = tpu.vector_load %arg10[%get3A_429, %get3A_430] {strides = array<i32>} : memref<4x64xf32, #tpu.memory_space<vmem>>, vector<1x16xf32>,
            %get3A_432 = vector.shape_cast %get3A_431 : vector<1x16xf32> to vector<16xf32>
            %swap3A_433 = arith.index_cast %add3A_411 : i32 to index
            %swap3A_434 = arith.constant 32 : index
            %swap3A_435 = tpu.vector_load %arg8[%swap3A_433, %swap3A_434] {strides = array<i32>} : memref<640x64xf32, #tpu.memory_space<vmem>>, vector<1x16xf32>,
            %swap3A_436 = vector.shape_cast %swap3A_435 : vector<1x16xf32> to vector<16xf32>
            %swap3A_437 = vector.shape_cast %get3A_432 : vector<16xf32> to vector<1x16xf32>
            tpu.vector_store %arg8[%swap3A_433, %swap3A_434], %swap3A_437 {strides = array<i32>} : memref<640x64xf32, #tpu.memory_space<vmem>>, vector<1x16xf32>,
            %get3A_438 = arith.index_cast %squeeze3A_332 : i32 to index
            %get3A_439 = arith.constant 48 : index
            %get3A_440 = tpu.vector_load %arg10[%get3A_438, %get3A_439] {strides = array<i32>} : memref<4x64xf32, #tpu.memory_space<vmem>>, vector<1x16xf32>,
            %get3A_441 = vector.shape_cast %get3A_440 : vector<1x16xf32> to vector<16xf32>
            %swap3A_442 = arith.index_cast %add3A_411 : i32 to index
            %swap3A_443 = arith.constant 48 : index
            %swap3A_444 = tpu.vector_load %arg8[%swap3A_442, %swap3A_443] {strides = array<i32>} : memref<640x64xf32, #tpu.memory_space<vmem>>, vector<1x16xf32>,
            %swap3A_445 = vector.shape_cast %swap3A_444 : vector<1x16xf32> to vector<16xf32>
            %swap3A_446 = vector.shape_cast %get3A_441 : vector<16xf32> to vector<1x16xf32>
            tpu.vector_store %arg8[%swap3A_442, %swap3A_443], %swap3A_446 {strides = array<i32>} : memref<640x64xf32, #tpu.memory_space<vmem>>, vector<1x16xf32>,
          } else {
          }
          %slice3A_338 = vector.extract_strided_slice %get3A_295 {offsets = [6], sizes = [1], strides = [1]} : vector<16xi32> to vector<1xi32>
          %squeeze3A_339 = vector.extract %slice3A_338[0] : i32 from vector<1xi32>
          %lt3A_340 = arith.constant 3 : i32
          %lt3A_341 = arith.cmpi slt, %squeeze3A_339, %lt3A_340 : i32
          %convert_element_type3A_342 = arith.extui %lt3A_341 : i1 to i32
          %cond3A_343 = arith.constant 0 : i32
          %cond3A_344 = arith.cmpi ne, %convert_element_type3A_342, %cond3A_343 : i32
          scf.if %cond3A_344 {
            %mul3A_408 = arith.constant 16 : i32
            %mul3A_409 = arith.muli %scan3A_291, %mul3A_408 : i32
            %add3A_410 = arith.constant 6 : i32
            %add3A_411 = arith.addi %mul3A_409, %add3A_410 : i32
            %get3A_412 = arith.index_cast %squeeze3A_339 : i32 to index
            %get3A_413 = arith.constant 0 : index
            %get3A_414 = tpu.vector_load %arg10[%get3A_412, %get3A_413] {strides = array<i32>} : memref<4x64xf32, #tpu.memory_space<vmem>>, vector<1x16xf32>,
            %get3A_415 = vector.shape_cast %get3A_414 : vector<1x16xf32> to vector<16xf32>
            %swap3A = arith.index_cast %add3A_411 : i32 to index
            %swap3A_416 = arith.constant 0 : index
            %swap3A_417 = tpu.vector_load %arg8[%swap3A, %swap3A_416] {strides = array<i32>} : memref<640x64xf32, #tpu.memory_space<vmem>>, vector<1x16xf32>,
            %swap3A_418 = vector.shape_cast %swap3A_417 : vector<1x16xf32> to vector<16xf32>
            %swap3A_419 = vector.shape_cast %get3A_415 : vector<16xf32> to vector<1x16xf32>
            tpu.vector_store %arg8[%swap3A, %swap3A_416], %swap3A_419 {strides = array<i32>} : memref<640x64xf32, #tpu.memory_space<vmem>>, vector<1x16xf32>,
            %get3A_420 = arith.index_cast %squeeze3A_339 : i32 to index
            %get3A_421 = arith.constant 16 : index
            %get3A_422 = tpu.vector_load %arg10[%get3A_420, %get3A_421] {strides = array<i32>} : memref<4x64xf32, #tpu.memory_space<vmem>>, vector<1x16xf32>,
            %get3A_423 = vector.shape_cast %get3A_422 : vector<1x16xf32> to vector<16xf32>
            %swap3A_424 = arith.index_cast %add3A_411 : i32 to index
            %swap3A_425 = arith.constant 16 : index
            %swap3A_426 = tpu.vector_load %arg8[%swap3A_424, %swap3A_425] {strides = array<i32>} : memref<640x64xf32, #tpu.memory_space<vmem>>, vector<1x16xf32>,
            %swap3A_427 = vector.shape_cast %swap3A_426 : vector<1x16xf32> to vector<16xf32>
            %swap3A_428 = vector.shape_cast %get3A_423 : vector<16xf32> to vector<1x16xf32>
            tpu.vector_store %arg8[%swap3A_424, %swap3A_425], %swap3A_428 {strides = array<i32>} : memref<640x64xf32, #tpu.memory_space<vmem>>, vector<1x16xf32>,
            %get3A_429 = arith.index_cast %squeeze3A_339 : i32 to index
            %get3A_430 = arith.constant 32 : index
            %get3A_431 = tpu.vector_load %arg10[%get3A_429, %get3A_430] {strides = array<i32>} : memref<4x64xf32, #tpu.memory_space<vmem>>, vector<1x16xf32>,
            %get3A_432 = vector.shape_cast %get3A_431 : vector<1x16xf32> to vector<16xf32>
            %swap3A_433 = arith.index_cast %add3A_411 : i32 to index
            %swap3A_434 = arith.constant 32 : index
            %swap3A_435 = tpu.vector_load %arg8[%swap3A_433, %swap3A_434] {strides = array<i32>} : memref<640x64xf32, #tpu.memory_space<vmem>>, vector<1x16xf32>,
            %swap3A_436 = vector.shape_cast %swap3A_435 : vector<1x16xf32> to vector<16xf32>
            %swap3A_437 = vector.shape_cast %get3A_432 : vector<16xf32> to vector<1x16xf32>
            tpu.vector_store %arg8[%swap3A_433, %swap3A_434], %swap3A_437 {strides = array<i32>} : memref<640x64xf32, #tpu.memory_space<vmem>>, vector<1x16xf32>,
            %get3A_438 = arith.index_cast %squeeze3A_339 : i32 to index
            %get3A_439 = arith.constant 48 : index
            %get3A_440 = tpu.vector_load %arg10[%get3A_438, %get3A_439] {strides = array<i32>} : memref<4x64xf32, #tpu.memory_space<vmem>>, vector<1x16xf32>,
            %get3A_441 = vector.shape_cast %get3A_440 : vector<1x16xf32> to vector<16xf32>
            %swap3A_442 = arith.index_cast %add3A_411 : i32 to index
            %swap3A_443 = arith.constant 48 : index
            %swap3A_444 = tpu.vector_load %arg8[%swap3A_442, %swap3A_443] {strides = array<i32>} : memref<640x64xf32, #tpu.memory_space<vmem>>, vector<1x16xf32>,
            %swap3A_445 = vector.shape_cast %swap3A_444 : vector<1x16xf32> to vector<16xf32>
            %swap3A_446 = vector.shape_cast %get3A_441 : vector<16xf32> to vector<1x16xf32>
            tpu.vector_store %arg8[%swap3A_442, %swap3A_443], %swap3A_446 {strides = array<i32>} : memref<640x64xf32, #tpu.memory_space<vmem>>, vector<1x16xf32>,
          } else {
          }
          %slice3A_345 = vector.extract_strided_slice %get3A_295 {offsets = [7], sizes = [1], strides = [1]} : vector<16xi32> to vector<1xi32>
          %squeeze3A_346 = vector.extract %slice3A_345[0] : i32 from vector<1xi32>
          %lt3A_347 = arith.constant 3 : i32
          %lt3A_348 = arith.cmpi slt, %squeeze3A_346, %lt3A_347 : i32
          %convert_element_type3A_349 = arith.extui %lt3A_348 : i1 to i32
          %cond3A_350 = arith.constant 0 : i32
          %cond3A_351 = arith.cmpi ne, %convert_element_type3A_349, %cond3A_350 : i32
          scf.if %cond3A_351 {
            %mul3A_408 = arith.constant 16 : i32
            %mul3A_409 = arith.muli %scan3A_291, %mul3A_408 : i32
            %add3A_410 = arith.constant 7 : i32
            %add3A_411 = arith.addi %mul3A_409, %add3A_410 : i32
            %get3A_412 = arith.index_cast %squeeze3A_346 : i32 to index
            %get3A_413 = arith.constant 0 : index
            %get3A_414 = tpu.vector_load %arg10[%get3A_412, %get3A_413] {strides = array<i32>} : memref<4x64xf32, #tpu.memory_space<vmem>>, vector<1x16xf32>,
            %get3A_415 = vector.shape_cast %get3A_414 : vector<1x16xf32> to vector<16xf32>
            %swap3A = arith.index_cast %add3A_411 : i32 to index
            %swap3A_416 = arith.constant 0 : index
            %swap3A_417 = tpu.vector_load %arg8[%swap3A, %swap3A_416] {strides = array<i32>} : memref<640x64xf32, #tpu.memory_space<vmem>>, vector<1x16xf32>,
            %swap3A_418 = vector.shape_cast %swap3A_417 : vector<1x16xf32> to vector<16xf32>
            %swap3A_419 = vector.shape_cast %get3A_415 : vector<16xf32> to vector<1x16xf32>
            tpu.vector_store %arg8[%swap3A, %swap3A_416], %swap3A_419 {strides = array<i32>} : memref<640x64xf32, #tpu.memory_space<vmem>>, vector<1x16xf32>,
            %get3A_420 = arith.index_cast %squeeze3A_346 : i32 to index
            %get3A_421 = arith.constant 16 : index
            %get3A_422 = tpu.vector_load %arg10[%get3A_420, %get3A_421] {strides = array<i32>} : memref<4x64xf32, #tpu.memory_space<vmem>>, vector<1x16xf32>,
            %get3A_423 = vector.shape_cast %get3A_422 : vector<1x16xf32> to vector<16xf32>
            %swap3A_424 = arith.index_cast %add3A_411 : i32 to index
            %swap3A_425 = arith.constant 16 : index
            %swap3A_426 = tpu.vector_load %arg8[%swap3A_424, %swap3A_425] {strides = array<i32>} : memref<640x64xf32, #tpu.memory_space<vmem>>, vector<1x16xf32>,
            %swap3A_427 = vector.shape_cast %swap3A_426 : vector<1x16xf32> to vector<16xf32>
            %swap3A_428 = vector.shape_cast %get3A_423 : vector<16xf32> to vector<1x16xf32>
            tpu.vector_store %arg8[%swap3A_424, %swap3A_425], %swap3A_428 {strides = array<i32>} : memref<640x64xf32, #tpu.memory_space<vmem>>, vector<1x16xf32>,
            %get3A_429 = arith.index_cast %squeeze3A_346 : i32 to index
            %get3A_430 = arith.constant 32 : index
            %get3A_431 = tpu.vector_load %arg10[%get3A_429, %get3A_430] {strides = array<i32>} : memref<4x64xf32, #tpu.memory_space<vmem>>, vector<1x16xf32>,
            %get3A_432 = vector.shape_cast %get3A_431 : vector<1x16xf32> to vector<16xf32>
            %swap3A_433 = arith.index_cast %add3A_411 : i32 to index
            %swap3A_434 = arith.constant 32 : index
            %swap3A_435 = tpu.vector_load %arg8[%swap3A_433, %swap3A_434] {strides = array<i32>} : memref<640x64xf32, #tpu.memory_space<vmem>>, vector<1x16xf32>,
            %swap3A_436 = vector.shape_cast %swap3A_435 : vector<1x16xf32> to vector<16xf32>
            %swap3A_437 = vector.shape_cast %get3A_432 : vector<16xf32> to vector<1x16xf32>
            tpu.vector_store %arg8[%swap3A_433, %swap3A_434], %swap3A_437 {strides = array<i32>} : memref<640x64xf32, #tpu.memory_space<vmem>>, vector<1x16xf32>,
            %get3A_438 = arith.index_cast %squeeze3A_346 : i32 to index
            %get3A_439 = arith.constant 48 : index
            %get3A_440 = tpu.vector_load %arg10[%get3A_438, %get3A_439] {strides = array<i32>} : memref<4x64xf32, #tpu.memory_space<vmem>>, vector<1x16xf32>,
            %get3A_441 = vector.shape_cast %get3A_440 : vector<1x16xf32> to vector<16xf32>
            %swap3A_442 = arith.index_cast %add3A_411 : i32 to index
            %swap3A_443 = arith.constant 48 : index
            %swap3A_444 = tpu.vector_load %arg8[%swap3A_442, %swap3A_443] {strides = array<i32>} : memref<640x64xf32, #tpu.memory_space<vmem>>, vector<1x16xf32>,
            %swap3A_445 = vector.shape_cast %swap3A_444 : vector<1x16xf32> to vector<16xf32>
            %swap3A_446 = vector.shape_cast %get3A_441 : vector<16xf32> to vector<1x16xf32>
            tpu.vector_store %arg8[%swap3A_442, %swap3A_443], %swap3A_446 {strides = array<i32>} : memref<640x64xf32, #tpu.memory_space<vmem>>, vector<1x16xf32>,
          } else {
          }
          %slice3A_352 = vector.extract_strided_slice %get3A_295 {offsets = [8], sizes = [1], strides = [1]} : vector<16xi32> to vector<1xi32>
          %squeeze3A_353 = vector.extract %slice3A_352[0] : i32 from vector<1xi32>
          %lt3A_354 = arith.constant 3 : i32
          %lt3A_355 = arith.cmpi slt, %squeeze3A_353, %lt3A_354 : i32
          %convert_element_type3A_356 = arith.extui %lt3A_355 : i1 to i32
          %cond3A_357 = arith.constant 0 : i32
          %cond3A_358 = arith.cmpi ne, %convert_element_type3A_356, %cond3A_357 : i32
          scf.if %cond3A_358 {
            %mul3A_408 = arith.constant 16 : i32
            %mul3A_409 = arith.muli %scan3A_291, %mul3A_408 : i32
            %add3A_410 = arith.constant 8 : i32
            %add3A_411 = arith.addi %mul3A_409, %add3A_410 : i32
            %get3A_412 = arith.index_cast %squeeze3A_353 : i32 to index
            %get3A_413 = arith.constant 0 : index
            %get3A_414 = tpu.vector_load %arg10[%get3A_412, %get3A_413] {strides = array<i32>} : memref<4x64xf32, #tpu.memory_space<vmem>>, vector<1x16xf32>,
            %get3A_415 = vector.shape_cast %get3A_414 : vector<1x16xf32> to vector<16xf32>
            %swap3A = arith.index_cast %add3A_411 : i32 to index
            %swap3A_416 = arith.constant 0 : index
            %swap3A_417 = tpu.vector_load %arg8[%swap3A, %swap3A_416] {strides = array<i32>} : memref<640x64xf32, #tpu.memory_space<vmem>>, vector<1x16xf32>,
            %swap3A_418 = vector.shape_cast %swap3A_417 : vector<1x16xf32> to vector<16xf32>
            %swap3A_419 = vector.shape_cast %get3A_415 : vector<16xf32> to vector<1x16xf32>
            tpu.vector_store %arg8[%swap3A, %swap3A_416], %swap3A_419 {strides = array<i32>} : memref<640x64xf32, #tpu.memory_space<vmem>>, vector<1x16xf32>,
            %get3A_420 = arith.index_cast %squeeze3A_353 : i32 to index
            %get3A_421 = arith.constant 16 : index
            %get3A_422 = tpu.vector_load %arg10[%get3A_420, %get3A_421] {strides = array<i32>} : memref<4x64xf32, #tpu.memory_space<vmem>>, vector<1x16xf32>,
            %get3A_423 = vector.shape_cast %get3A_422 : vector<1x16xf32> to vector<16xf32>
            %swap3A_424 = arith.index_cast %add3A_411 : i32 to index
            %swap3A_425 = arith.constant 16 : index
            %swap3A_426 = tpu.vector_load %arg8[%swap3A_424, %swap3A_425] {strides = array<i32>} : memref<640x64xf32, #tpu.memory_space<vmem>>, vector<1x16xf32>,
            %swap3A_427 = vector.shape_cast %swap3A_426 : vector<1x16xf32> to vector<16xf32>
            %swap3A_428 = vector.shape_cast %get3A_423 : vector<16xf32> to vector<1x16xf32>
            tpu.vector_store %arg8[%swap3A_424, %swap3A_425], %swap3A_428 {strides = array<i32>} : memref<640x64xf32, #tpu.memory_space<vmem>>, vector<1x16xf32>,
            %get3A_429 = arith.index_cast %squeeze3A_353 : i32 to index
            %get3A_430 = arith.constant 32 : index
            %get3A_431 = tpu.vector_load %arg10[%get3A_429, %get3A_430] {strides = array<i32>} : memref<4x64xf32, #tpu.memory_space<vmem>>, vector<1x16xf32>,
            %get3A_432 = vector.shape_cast %get3A_431 : vector<1x16xf32> to vector<16xf32>
            %swap3A_433 = arith.index_cast %add3A_411 : i32 to index
            %swap3A_434 = arith.constant 32 : index
            %swap3A_435 = tpu.vector_load %arg8[%swap3A_433, %swap3A_434] {strides = array<i32>} : memref<640x64xf32, #tpu.memory_space<vmem>>, vector<1x16xf32>,
            %swap3A_436 = vector.shape_cast %swap3A_435 : vector<1x16xf32> to vector<16xf32>
            %swap3A_437 = vector.shape_cast %get3A_432 : vector<16xf32> to vector<1x16xf32>
            tpu.vector_store %arg8[%swap3A_433, %swap3A_434], %swap3A_437 {strides = array<i32>} : memref<640x64xf32, #tpu.memory_space<vmem>>, vector<1x16xf32>,
            %get3A_438 = arith.index_cast %squeeze3A_353 : i32 to index
            %get3A_439 = arith.constant 48 : index
            %get3A_440 = tpu.vector_load %arg10[%get3A_438, %get3A_439] {strides = array<i32>} : memref<4x64xf32, #tpu.memory_space<vmem>>, vector<1x16xf32>,
            %get3A_441 = vector.shape_cast %get3A_440 : vector<1x16xf32> to vector<16xf32>
            %swap3A_442 = arith.index_cast %add3A_411 : i32 to index
            %swap3A_443 = arith.constant 48 : index
            %swap3A_444 = tpu.vector_load %arg8[%swap3A_442, %swap3A_443] {strides = array<i32>} : memref<640x64xf32, #tpu.memory_space<vmem>>, vector<1x16xf32>,
            %swap3A_445 = vector.shape_cast %swap3A_444 : vector<1x16xf32> to vector<16xf32>
            %swap3A_446 = vector.shape_cast %get3A_441 : vector<16xf32> to vector<1x16xf32>
            tpu.vector_store %arg8[%swap3A_442, %swap3A_443], %swap3A_446 {strides = array<i32>} : memref<640x64xf32, #tpu.memory_space<vmem>>, vector<1x16xf32>,
          } else {
          }
          %slice3A_359 = vector.extract_strided_slice %get3A_295 {offsets = [9], sizes = [1], strides = [1]} : vector<16xi32> to vector<1xi32>
          %squeeze3A_360 = vector.extract %slice3A_359[0] : i32 from vector<1xi32>
          %lt3A_361 = arith.constant 3 : i32
          %lt3A_362 = arith.cmpi slt, %squeeze3A_360, %lt3A_361 : i32
          %convert_element_type3A_363 = arith.extui %lt3A_362 : i1 to i32
          %cond3A_364 = arith.constant 0 : i32
          %cond3A_365 = arith.cmpi ne, %convert_element_type3A_363, %cond3A_364 : i32
          scf.if %cond3A_365 {
            %mul3A_408 = arith.constant 16 : i32
            %mul3A_409 = arith.muli %scan3A_291, %mul3A_408 : i32
            %add3A_410 = arith.constant 9 : i32
            %add3A_411 = arith.addi %mul3A_409, %add3A_410 : i32
            %get3A_412 = arith.index_cast %squeeze3A_360 : i32 to index
            %get3A_413 = arith.constant 0 : index
            %get3A_414 = tpu.vector_load %arg10[%get3A_412, %get3A_413] {strides = array<i32>} : memref<4x64xf32, #tpu.memory_space<vmem>>, vector<1x16xf32>,
            %get3A_415 = vector.shape_cast %get3A_414 : vector<1x16xf32> to vector<16xf32>
            %swap3A = arith.index_cast %add3A_411 : i32 to index
            %swap3A_416 = arith.constant 0 : index
            %swap3A_417 = tpu.vector_load %arg8[%swap3A, %swap3A_416] {strides = array<i32>} : memref<640x64xf32, #tpu.memory_space<vmem>>, vector<1x16xf32>,
            %swap3A_418 = vector.shape_cast %swap3A_417 : vector<1x16xf32> to vector<16xf32>
            %swap3A_419 = vector.shape_cast %get3A_415 : vector<16xf32> to vector<1x16xf32>
            tpu.vector_store %arg8[%swap3A, %swap3A_416], %swap3A_419 {strides = array<i32>} : memref<640x64xf32, #tpu.memory_space<vmem>>, vector<1x16xf32>,
            %get3A_420 = arith.index_cast %squeeze3A_360 : i32 to index
            %get3A_421 = arith.constant 16 : index
            %get3A_422 = tpu.vector_load %arg10[%get3A_420, %get3A_421] {strides = array<i32>} : memref<4x64xf32, #tpu.memory_space<vmem>>, vector<1x16xf32>,
            %get3A_423 = vector.shape_cast %get3A_422 : vector<1x16xf32> to vector<16xf32>
            %swap3A_424 = arith.index_cast %add3A_411 : i32 to index
            %swap3A_425 = arith.constant 16 : index
            %swap3A_426 = tpu.vector_load %arg8[%swap3A_424, %swap3A_425] {strides = array<i32>} : memref<640x64xf32, #tpu.memory_space<vmem>>, vector<1x16xf32>,
            %swap3A_427 = vector.shape_cast %swap3A_426 : vector<1x16xf32> to vector<16xf32>
            %swap3A_428 = vector.shape_cast %get3A_423 : vector<16xf32> to vector<1x16xf32>
            tpu.vector_store %arg8[%swap3A_424, %swap3A_425], %swap3A_428 {strides = array<i32>} : memref<640x64xf32, #tpu.memory_space<vmem>>, vector<1x16xf32>,
            %get3A_429 = arith.index_cast %squeeze3A_360 : i32 to index
            %get3A_430 = arith.constant 32 : index
            %get3A_431 = tpu.vector_load %arg10[%get3A_429, %get3A_430] {strides = array<i32>} : memref<4x64xf32, #tpu.memory_space<vmem>>, vector<1x16xf32>,
            %get3A_432 = vector.shape_cast %get3A_431 : vector<1x16xf32> to vector<16xf32>
            %swap3A_433 = arith.index_cast %add3A_411 : i32 to index
            %swap3A_434 = arith.constant 32 : index
            %swap3A_435 = tpu.vector_load %arg8[%swap3A_433, %swap3A_434] {strides = array<i32>} : memref<640x64xf32, #tpu.memory_space<vmem>>, vector<1x16xf32>,
            %swap3A_436 = vector.shape_cast %swap3A_435 : vector<1x16xf32> to vector<16xf32>
            %swap3A_437 = vector.shape_cast %get3A_432 : vector<16xf32> to vector<1x16xf32>
            tpu.vector_store %arg8[%swap3A_433, %swap3A_434], %swap3A_437 {strides = array<i32>} : memref<640x64xf32, #tpu.memory_space<vmem>>, vector<1x16xf32>,
            %get3A_438 = arith.index_cast %squeeze3A_360 : i32 to index
            %get3A_439 = arith.constant 48 : index
            %get3A_440 = tpu.vector_load %arg10[%get3A_438, %get3A_439] {strides = array<i32>} : memref<4x64xf32, #tpu.memory_space<vmem>>, vector<1x16xf32>,
            %get3A_441 = vector.shape_cast %get3A_440 : vector<1x16xf32> to vector<16xf32>
            %swap3A_442 = arith.index_cast %add3A_411 : i32 to index
            %swap3A_443 = arith.constant 48 : index
            %swap3A_444 = tpu.vector_load %arg8[%swap3A_442, %swap3A_443] {strides = array<i32>} : memref<640x64xf32, #tpu.memory_space<vmem>>, vector<1x16xf32>,
            %swap3A_445 = vector.shape_cast %swap3A_444 : vector<1x16xf32> to vector<16xf32>
            %swap3A_446 = vector.shape_cast %get3A_441 : vector<16xf32> to vector<1x16xf32>
            tpu.vector_store %arg8[%swap3A_442, %swap3A_443], %swap3A_446 {strides = array<i32>} : memref<640x64xf32, #tpu.memory_space<vmem>>, vector<1x16xf32>,
          } else {
          }
          %slice3A_366 = vector.extract_strided_slice %get3A_295 {offsets = [10], sizes = [1], strides = [1]} : vector<16xi32> to vector<1xi32>
          %squeeze3A_367 = vector.extract %slice3A_366[0] : i32 from vector<1xi32>
          %lt3A_368 = arith.constant 3 : i32
          %lt3A_369 = arith.cmpi slt, %squeeze3A_367, %lt3A_368 : i32
          %convert_element_type3A_370 = arith.extui %lt3A_369 : i1 to i32
          %cond3A_371 = arith.constant 0 : i32
          %cond3A_372 = arith.cmpi ne, %convert_element_type3A_370, %cond3A_371 : i32
          scf.if %cond3A_372 {
            %mul3A_408 = arith.constant 16 : i32
            %mul3A_409 = arith.muli %scan3A_291, %mul3A_408 : i32
            %add3A_410 = arith.constant 10 : i32
            %add3A_411 = arith.addi %mul3A_409, %add3A_410 : i32
            %get3A_412 = arith.index_cast %squeeze3A_367 : i32 to index
            %get3A_413 = arith.constant 0 : index
            %get3A_414 = tpu.vector_load %arg10[%get3A_412, %get3A_413] {strides = array<i32>} : memref<4x64xf32, #tpu.memory_space<vmem>>, vector<1x16xf32>,
            %get3A_415 = vector.shape_cast %get3A_414 : vector<1x16xf32> to vector<16xf32>
            %swap3A = arith.index_cast %add3A_411 : i32 to index
            %swap3A_416 = arith.constant 0 : index
            %swap3A_417 = tpu.vector_load %arg8[%swap3A, %swap3A_416] {strides = array<i32>} : memref<640x64xf32, #tpu.memory_space<vmem>>, vector<1x16xf32>,
            %swap3A_418 = vector.shape_cast %swap3A_417 : vector<1x16xf32> to vector<16xf32>
            %swap3A_419 = vector.shape_cast %get3A_415 : vector<16xf32> to vector<1x16xf32>
            tpu.vector_store %arg8[%swap3A, %swap3A_416], %swap3A_419 {strides = array<i32>} : memref<640x64xf32, #tpu.memory_space<vmem>>, vector<1x16xf32>,
            %get3A_420 = arith.index_cast %squeeze3A_367 : i32 to index
            %get3A_421 = arith.constant 16 : index
            %get3A_422 = tpu.vector_load %arg10[%get3A_420, %get3A_421] {strides = array<i32>} : memref<4x64xf32, #tpu.memory_space<vmem>>, vector<1x16xf32>,
            %get3A_423 = vector.shape_cast %get3A_422 : vector<1x16xf32> to vector<16xf32>
            %swap3A_424 = arith.index_cast %add3A_411 : i32 to index
            %swap3A_425 = arith.constant 16 : index
            %swap3A_426 = tpu.vector_load %arg8[%swap3A_424, %swap3A_425] {strides = array<i32>} : memref<640x64xf32, #tpu.memory_space<vmem>>, vector<1x16xf32>,
            %swap3A_427 = vector.shape_cast %swap3A_426 : vector<1x16xf32> to vector<16xf32>
            %swap3A_428 = vector.shape_cast %get3A_423 : vector<16xf32> to vector<1x16xf32>
            tpu.vector_store %arg8[%swap3A_424, %swap3A_425], %swap3A_428 {strides = array<i32>} : memref<640x64xf32, #tpu.memory_space<vmem>>, vector<1x16xf32>,
            %get3A_429 = arith.index_cast %squeeze3A_367 : i32 to index
            %get3A_430 = arith.constant 32 : index
            %get3A_431 = tpu.vector_load %arg10[%get3A_429, %get3A_430] {strides = array<i32>} : memref<4x64xf32, #tpu.memory_space<vmem>>, vector<1x16xf32>,
            %get3A_432 = vector.shape_cast %get3A_431 : vector<1x16xf32> to vector<16xf32>
            %swap3A_433 = arith.index_cast %add3A_411 : i32 to index
            %swap3A_434 = arith.constant 32 : index
            %swap3A_435 = tpu.vector_load %arg8[%swap3A_433, %swap3A_434] {strides = array<i32>} : memref<640x64xf32, #tpu.memory_space<vmem>>, vector<1x16xf32>,
            %swap3A_436 = vector.shape_cast %swap3A_435 : vector<1x16xf32> to vector<16xf32>
            %swap3A_437 = vector.shape_cast %get3A_432 : vector<16xf32> to vector<1x16xf32>
            tpu.vector_store %arg8[%swap3A_433, %swap3A_434], %swap3A_437 {strides = array<i32>} : memref<640x64xf32, #tpu.memory_space<vmem>>, vector<1x16xf32>,
            %get3A_438 = arith.index_cast %squeeze3A_367 : i32 to index
            %get3A_439 = arith.constant 48 : index
            %get3A_440 = tpu.vector_load %arg10[%get3A_438, %get3A_439] {strides = array<i32>} : memref<4x64xf32, #tpu.memory_space<vmem>>, vector<1x16xf32>,
            %get3A_441 = vector.shape_cast %get3A_440 : vector<1x16xf32> to vector<16xf32>
            %swap3A_442 = arith.index_cast %add3A_411 : i32 to index
            %swap3A_443 = arith.constant 48 : index
            %swap3A_444 = tpu.vector_load %arg8[%swap3A_442, %swap3A_443] {strides = array<i32>} : memref<640x64xf32, #tpu.memory_space<vmem>>, vector<1x16xf32>,
            %swap3A_445 = vector.shape_cast %swap3A_444 : vector<1x16xf32> to vector<16xf32>
            %swap3A_446 = vector.shape_cast %get3A_441 : vector<16xf32> to vector<1x16xf32>
            tpu.vector_store %arg8[%swap3A_442, %swap3A_443], %swap3A_446 {strides = array<i32>} : memref<640x64xf32, #tpu.memory_space<vmem>>, vector<1x16xf32>,
          } else {
          }
          %slice3A_373 = vector.extract_strided_slice %get3A_295 {offsets = [11], sizes = [1], strides = [1]} : vector<16xi32> to vector<1xi32>
          %squeeze3A_374 = vector.extract %slice3A_373[0] : i32 from vector<1xi32>
          %lt3A_375 = arith.constant 3 : i32
          %lt3A_376 = arith.cmpi slt, %squeeze3A_374, %lt3A_375 : i32
          %convert_element_type3A_377 = arith.extui %lt3A_376 : i1 to i32
          %cond3A_378 = arith.constant 0 : i32
          %cond3A_379 = arith.cmpi ne, %convert_element_type3A_377, %cond3A_378 : i32
          scf.if %cond3A_379 {
            %mul3A_408 = arith.constant 16 : i32
            %mul3A_409 = arith.muli %scan3A_291, %mul3A_408 : i32
            %add3A_410 = arith.constant 11 : i32
            %add3A_411 = arith.addi %mul3A_409, %add3A_410 : i32
            %get3A_412 = arith.index_cast %squeeze3A_374 : i32 to index
            %get3A_413 = arith.constant 0 : index
            %get3A_414 = tpu.vector_load %arg10[%get3A_412, %get3A_413] {strides = array<i32>} : memref<4x64xf32, #tpu.memory_space<vmem>>, vector<1x16xf32>,
            %get3A_415 = vector.shape_cast %get3A_414 : vector<1x16xf32> to vector<16xf32>
            %swap3A = arith.index_cast %add3A_411 : i32 to index
            %swap3A_416 = arith.constant 0 : index
            %swap3A_417 = tpu.vector_load %arg8[%swap3A, %swap3A_416] {strides = array<i32>} : memref<640x64xf32, #tpu.memory_space<vmem>>, vector<1x16xf32>,
            %swap3A_418 = vector.shape_cast %swap3A_417 : vector<1x16xf32> to vector<16xf32>
            %swap3A_419 = vector.shape_cast %get3A_415 : vector<16xf32> to vector<1x16xf32>
            tpu.vector_store %arg8[%swap3A, %swap3A_416], %swap3A_419 {strides = array<i32>} : memref<640x64xf32, #tpu.memory_space<vmem>>, vector<1x16xf32>,
            %get3A_420 = arith.index_cast %squeeze3A_374 : i32 to index
            %get3A_421 = arith.constant 16 : index
            %get3A_422 = tpu.vector_load %arg10[%get3A_420, %get3A_421] {strides = array<i32>} : memref<4x64xf32, #tpu.memory_space<vmem>>, vector<1x16xf32>,
            %get3A_423 = vector.shape_cast %get3A_422 : vector<1x16xf32> to vector<16xf32>
            %swap3A_424 = arith.index_cast %add3A_411 : i32 to index
            %swap3A_425 = arith.constant 16 : index
            %swap3A_426 = tpu.vector_load %arg8[%swap3A_424, %swap3A_425] {strides = array<i32>} : memref<640x64xf32, #tpu.memory_space<vmem>>, vector<1x16xf32>,
            %swap3A_427 = vector.shape_cast %swap3A_426 : vector<1x16xf32> to vector<16xf32>
            %swap3A_428 = vector.shape_cast %get3A_423 : vector<16xf32> to vector<1x16xf32>
            tpu.vector_store %arg8[%swap3A_424, %swap3A_425], %swap3A_428 {strides = array<i32>} : memref<640x64xf32, #tpu.memory_space<vmem>>, vector<1x16xf32>,
            %get3A_429 = arith.index_cast %squeeze3A_374 : i32 to index
            %get3A_430 = arith.constant 32 : index
            %get3A_431 = tpu.vector_load %arg10[%get3A_429, %get3A_430] {strides = array<i32>} : memref<4x64xf32, #tpu.memory_space<vmem>>, vector<1x16xf32>,
            %get3A_432 = vector.shape_cast %get3A_431 : vector<1x16xf32> to vector<16xf32>
            %swap3A_433 = arith.index_cast %add3A_411 : i32 to index
            %swap3A_434 = arith.constant 32 : index
            %swap3A_435 = tpu.vector_load %arg8[%swap3A_433, %swap3A_434] {strides = array<i32>} : memref<640x64xf32, #tpu.memory_space<vmem>>, vector<1x16xf32>,
            %swap3A_436 = vector.shape_cast %swap3A_435 : vector<1x16xf32> to vector<16xf32>
            %swap3A_437 = vector.shape_cast %get3A_432 : vector<16xf32> to vector<1x16xf32>
            tpu.vector_store %arg8[%swap3A_433, %swap3A_434], %swap3A_437 {strides = array<i32>} : memref<640x64xf32, #tpu.memory_space<vmem>>, vector<1x16xf32>,
            %get3A_438 = arith.index_cast %squeeze3A_374 : i32 to index
            %get3A_439 = arith.constant 48 : index
            %get3A_440 = tpu.vector_load %arg10[%get3A_438, %get3A_439] {strides = array<i32>} : memref<4x64xf32, #tpu.memory_space<vmem>>, vector<1x16xf32>,
            %get3A_441 = vector.shape_cast %get3A_440 : vector<1x16xf32> to vector<16xf32>
            %swap3A_442 = arith.index_cast %add3A_411 : i32 to index
            %swap3A_443 = arith.constant 48 : index
            %swap3A_444 = tpu.vector_load %arg8[%swap3A_442, %swap3A_443] {strides = array<i32>} : memref<640x64xf32, #tpu.memory_space<vmem>>, vector<1x16xf32>,
            %swap3A_445 = vector.shape_cast %swap3A_444 : vector<1x16xf32> to vector<16xf32>
            %swap3A_446 = vector.shape_cast %get3A_441 : vector<16xf32> to vector<1x16xf32>
            tpu.vector_store %arg8[%swap3A_442, %swap3A_443], %swap3A_446 {strides = array<i32>} : memref<640x64xf32, #tpu.memory_space<vmem>>, vector<1x16xf32>,
          } else {
          }
          %slice3A_380 = vector.extract_strided_slice %get3A_295 {offsets = [12], sizes = [1], strides = [1]} : vector<16xi32> to vector<1xi32>
          %squeeze3A_381 = vector.extract %slice3A_380[0] : i32 from vector<1xi32>
          %lt3A_382 = arith.constant 3 : i32
          %lt3A_383 = arith.cmpi slt, %squeeze3A_381, %lt3A_382 : i32
          %convert_element_type3A_384 = arith.extui %lt3A_383 : i1 to i32
          %cond3A_385 = arith.constant 0 : i32
          %cond3A_386 = arith.cmpi ne, %convert_element_type3A_384, %cond3A_385 : i32
          scf.if %cond3A_386 {
            %mul3A_408 = arith.constant 16 : i32
            %mul3A_409 = arith.muli %scan3A_291, %mul3A_408 : i32
            %add3A_410 = arith.constant 12 : i32
            %add3A_411 = arith.addi %mul3A_409, %add3A_410 : i32
            %get3A_412 = arith.index_cast %squeeze3A_381 : i32 to index
            %get3A_413 = arith.constant 0 : index
            %get3A_414 = tpu.vector_load %arg10[%get3A_412, %get3A_413] {strides = array<i32>} : memref<4x64xf32, #tpu.memory_space<vmem>>, vector<1x16xf32>,
            %get3A_415 = vector.shape_cast %get3A_414 : vector<1x16xf32> to vector<16xf32>
            %swap3A = arith.index_cast %add3A_411 : i32 to index
            %swap3A_416 = arith.constant 0 : index
            %swap3A_417 = tpu.vector_load %arg8[%swap3A, %swap3A_416] {strides = array<i32>} : memref<640x64xf32, #tpu.memory_space<vmem>>, vector<1x16xf32>,
            %swap3A_418 = vector.shape_cast %swap3A_417 : vector<1x16xf32> to vector<16xf32>
            %swap3A_419 = vector.shape_cast %get3A_415 : vector<16xf32> to vector<1x16xf32>
            tpu.vector_store %arg8[%swap3A, %swap3A_416], %swap3A_419 {strides = array<i32>} : memref<640x64xf32, #tpu.memory_space<vmem>>, vector<1x16xf32>,
            %get3A_420 = arith.index_cast %squeeze3A_381 : i32 to index
            %get3A_421 = arith.constant 16 : index
            %get3A_422 = tpu.vector_load %arg10[%get3A_420, %get3A_421] {strides = array<i32>} : memref<4x64xf32, #tpu.memory_space<vmem>>, vector<1x16xf32>,
            %get3A_423 = vector.shape_cast %get3A_422 : vector<1x16xf32> to vector<16xf32>
            %swap3A_424 = arith.index_cast %add3A_411 : i32 to index
            %swap3A_425 = arith.constant 16 : index
            %swap3A_426 = tpu.vector_load %arg8[%swap3A_424, %swap3A_425] {strides = array<i32>} : memref<640x64xf32, #tpu.memory_space<vmem>>, vector<1x16xf32>,
            %swap3A_427 = vector.shape_cast %swap3A_426 : vector<1x16xf32> to vector<16xf32>
            %swap3A_428 = vector.shape_cast %get3A_423 : vector<16xf32> to vector<1x16xf32>
            tpu.vector_store %arg8[%swap3A_424, %swap3A_425], %swap3A_428 {strides = array<i32>} : memref<640x64xf32, #tpu.memory_space<vmem>>, vector<1x16xf32>,
            %get3A_429 = arith.index_cast %squeeze3A_381 : i32 to index
            %get3A_430 = arith.constant 32 : index
            %get3A_431 = tpu.vector_load %arg10[%get3A_429, %get3A_430] {strides = array<i32>} : memref<4x64xf32, #tpu.memory_space<vmem>>, vector<1x16xf32>,
            %get3A_432 = vector.shape_cast %get3A_431 : vector<1x16xf32> to vector<16xf32>
            %swap3A_433 = arith.index_cast %add3A_411 : i32 to index
            %swap3A_434 = arith.constant 32 : index
            %swap3A_435 = tpu.vector_load %arg8[%swap3A_433, %swap3A_434] {strides = array<i32>} : memref<640x64xf32, #tpu.memory_space<vmem>>, vector<1x16xf32>,
            %swap3A_436 = vector.shape_cast %swap3A_435 : vector<1x16xf32> to vector<16xf32>
            %swap3A_437 = vector.shape_cast %get3A_432 : vector<16xf32> to vector<1x16xf32>
            tpu.vector_store %arg8[%swap3A_433, %swap3A_434], %swap3A_437 {strides = array<i32>} : memref<640x64xf32, #tpu.memory_space<vmem>>, vector<1x16xf32>,
            %get3A_438 = arith.index_cast %squeeze3A_381 : i32 to index
            %get3A_439 = arith.constant 48 : index
            %get3A_440 = tpu.vector_load %arg10[%get3A_438, %get3A_439] {strides = array<i32>} : memref<4x64xf32, #tpu.memory_space<vmem>>, vector<1x16xf32>,
            %get3A_441 = vector.shape_cast %get3A_440 : vector<1x16xf32> to vector<16xf32>
            %swap3A_442 = arith.index_cast %add3A_411 : i32 to index
            %swap3A_443 = arith.constant 48 : index
            %swap3A_444 = tpu.vector_load %arg8[%swap3A_442, %swap3A_443] {strides = array<i32>} : memref<640x64xf32, #tpu.memory_space<vmem>>, vector<1x16xf32>,
            %swap3A_445 = vector.shape_cast %swap3A_444 : vector<1x16xf32> to vector<16xf32>
            %swap3A_446 = vector.shape_cast %get3A_441 : vector<16xf32> to vector<1x16xf32>
            tpu.vector_store %arg8[%swap3A_442, %swap3A_443], %swap3A_446 {strides = array<i32>} : memref<640x64xf32, #tpu.memory_space<vmem>>, vector<1x16xf32>,
          } else {
          }
          %slice3A_387 = vector.extract_strided_slice %get3A_295 {offsets = [13], sizes = [1], strides = [1]} : vector<16xi32> to vector<1xi32>
          %squeeze3A_388 = vector.extract %slice3A_387[0] : i32 from vector<1xi32>
          %lt3A_389 = arith.constant 3 : i32
          %lt3A_390 = arith.cmpi slt, %squeeze3A_388, %lt3A_389 : i32
          %convert_element_type3A_391 = arith.extui %lt3A_390 : i1 to i32
          %cond3A_392 = arith.constant 0 : i32
          %cond3A_393 = arith.cmpi ne, %convert_element_type3A_391, %cond3A_392 : i32
          scf.if %cond3A_393 {
            %mul3A_408 = arith.constant 16 : i32
            %mul3A_409 = arith.muli %scan3A_291, %mul3A_408 : i32
            %add3A_410 = arith.constant 13 : i32
            %add3A_411 = arith.addi %mul3A_409, %add3A_410 : i32
            %get3A_412 = arith.index_cast %squeeze3A_388 : i32 to index
            %get3A_413 = arith.constant 0 : index
            %get3A_414 = tpu.vector_load %arg10[%get3A_412, %get3A_413] {strides = array<i32>} : memref<4x64xf32, #tpu.memory_space<vmem>>, vector<1x16xf32>,
            %get3A_415 = vector.shape_cast %get3A_414 : vector<1x16xf32> to vector<16xf32>
            %swap3A = arith.index_cast %add3A_411 : i32 to index
            %swap3A_416 = arith.constant 0 : index
            %swap3A_417 = tpu.vector_load %arg8[%swap3A, %swap3A_416] {strides = array<i32>} : memref<640x64xf32, #tpu.memory_space<vmem>>, vector<1x16xf32>,
            %swap3A_418 = vector.shape_cast %swap3A_417 : vector<1x16xf32> to vector<16xf32>
            %swap3A_419 = vector.shape_cast %get3A_415 : vector<16xf32> to vector<1x16xf32>
            tpu.vector_store %arg8[%swap3A, %swap3A_416], %swap3A_419 {strides = array<i32>} : memref<640x64xf32, #tpu.memory_space<vmem>>, vector<1x16xf32>,
            %get3A_420 = arith.index_cast %squeeze3A_388 : i32 to index
            %get3A_421 = arith.constant 16 : index
            %get3A_422 = tpu.vector_load %arg10[%get3A_420, %get3A_421] {strides = array<i32>} : memref<4x64xf32, #tpu.memory_space<vmem>>, vector<1x16xf32>,
            %get3A_423 = vector.shape_cast %get3A_422 : vector<1x16xf32> to vector<16xf32>
            %swap3A_424 = arith.index_cast %add3A_411 : i32 to index
            %swap3A_425 = arith.constant 16 : index
            %swap3A_426 = tpu.vector_load %arg8[%swap3A_424, %swap3A_425] {strides = array<i32>} : memref<640x64xf32, #tpu.memory_space<vmem>>, vector<1x16xf32>,
            %swap3A_427 = vector.shape_cast %swap3A_426 : vector<1x16xf32> to vector<16xf32>
            %swap3A_428 = vector.shape_cast %get3A_423 : vector<16xf32> to vector<1x16xf32>
            tpu.vector_store %arg8[%swap3A_424, %swap3A_425], %swap3A_428 {strides = array<i32>} : memref<640x64xf32, #tpu.memory_space<vmem>>, vector<1x16xf32>,
            %get3A_429 = arith.index_cast %squeeze3A_388 : i32 to index
            %get3A_430 = arith.constant 32 : index
            %get3A_431 = tpu.vector_load %arg10[%get3A_429, %get3A_430] {strides = array<i32>} : memref<4x64xf32, #tpu.memory_space<vmem>>, vector<1x16xf32>,
            %get3A_432 = vector.shape_cast %get3A_431 : vector<1x16xf32> to vector<16xf32>
            %swap3A_433 = arith.index_cast %add3A_411 : i32 to index
            %swap3A_434 = arith.constant 32 : index
            %swap3A_435 = tpu.vector_load %arg8[%swap3A_433, %swap3A_434] {strides = array<i32>} : memref<640x64xf32, #tpu.memory_space<vmem>>, vector<1x16xf32>,
            %swap3A_436 = vector.shape_cast %swap3A_435 : vector<1x16xf32> to vector<16xf32>
            %swap3A_437 = vector.shape_cast %get3A_432 : vector<16xf32> to vector<1x16xf32>
            tpu.vector_store %arg8[%swap3A_433, %swap3A_434], %swap3A_437 {strides = array<i32>} : memref<640x64xf32, #tpu.memory_space<vmem>>, vector<1x16xf32>,
            %get3A_438 = arith.index_cast %squeeze3A_388 : i32 to index
            %get3A_439 = arith.constant 48 : index
            %get3A_440 = tpu.vector_load %arg10[%get3A_438, %get3A_439] {strides = array<i32>} : memref<4x64xf32, #tpu.memory_space<vmem>>, vector<1x16xf32>,
            %get3A_441 = vector.shape_cast %get3A_440 : vector<1x16xf32> to vector<16xf32>
            %swap3A_442 = arith.index_cast %add3A_411 : i32 to index
            %swap3A_443 = arith.constant 48 : index
            %swap3A_444 = tpu.vector_load %arg8[%swap3A_442, %swap3A_443] {strides = array<i32>} : memref<640x64xf32, #tpu.memory_space<vmem>>, vector<1x16xf32>,
            %swap3A_445 = vector.shape_cast %swap3A_444 : vector<1x16xf32> to vector<16xf32>
            %swap3A_446 = vector.shape_cast %get3A_441 : vector<16xf32> to vector<1x16xf32>
            tpu.vector_store %arg8[%swap3A_442, %swap3A_443], %swap3A_446 {strides = array<i32>} : memref<640x64xf32, #tpu.memory_space<vmem>>, vector<1x16xf32>,
          } else {
          }
          %slice3A_394 = vector.extract_strided_slice %get3A_295 {offsets = [14], sizes = [1], strides = [1]} : vector<16xi32> to vector<1xi32>
          %squeeze3A_395 = vector.extract %slice3A_394[0] : i32 from vector<1xi32>
          %lt3A_396 = arith.constant 3 : i32
          %lt3A_397 = arith.cmpi slt, %squeeze3A_395, %lt3A_396 : i32
          %convert_element_type3A_398 = arith.extui %lt3A_397 : i1 to i32
          %cond3A_399 = arith.constant 0 : i32
          %cond3A_400 = arith.cmpi ne, %convert_element_type3A_398, %cond3A_399 : i32
          scf.if %cond3A_400 {
            %mul3A_408 = arith.constant 16 : i32
            %mul3A_409 = arith.muli %scan3A_291, %mul3A_408 : i32
            %add3A_410 = arith.constant 14 : i32
            %add3A_411 = arith.addi %mul3A_409, %add3A_410 : i32
            %get3A_412 = arith.index_cast %squeeze3A_395 : i32 to index
            %get3A_413 = arith.constant 0 : index
            %get3A_414 = tpu.vector_load %arg10[%get3A_412, %get3A_413] {strides = array<i32>} : memref<4x64xf32, #tpu.memory_space<vmem>>, vector<1x16xf32>,
            %get3A_415 = vector.shape_cast %get3A_414 : vector<1x16xf32> to vector<16xf32>
            %swap3A = arith.index_cast %add3A_411 : i32 to index
            %swap3A_416 = arith.constant 0 : index
            %swap3A_417 = tpu.vector_load %arg8[%swap3A, %swap3A_416] {strides = array<i32>} : memref<640x64xf32, #tpu.memory_space<vmem>>, vector<1x16xf32>,
            %swap3A_418 = vector.shape_cast %swap3A_417 : vector<1x16xf32> to vector<16xf32>
            %swap3A_419 = vector.shape_cast %get3A_415 : vector<16xf32> to vector<1x16xf32>
            tpu.vector_store %arg8[%swap3A, %swap3A_416], %swap3A_419 {strides = array<i32>} : memref<640x64xf32, #tpu.memory_space<vmem>>, vector<1x16xf32>,
            %get3A_420 = arith.index_cast %squeeze3A_395 : i32 to index
            %get3A_421 = arith.constant 16 : index
            %get3A_422 = tpu.vector_load %arg10[%get3A_420, %get3A_421] {strides = array<i32>} : memref<4x64xf32, #tpu.memory_space<vmem>>, vector<1x16xf32>,
            %get3A_423 = vector.shape_cast %get3A_422 : vector<1x16xf32> to vector<16xf32>
            %swap3A_424 = arith.index_cast %add3A_411 : i32 to index
            %swap3A_425 = arith.constant 16 : index
            %swap3A_426 = tpu.vector_load %arg8[%swap3A_424, %swap3A_425] {strides = array<i32>} : memref<640x64xf32, #tpu.memory_space<vmem>>, vector<1x16xf32>,
            %swap3A_427 = vector.shape_cast %swap3A_426 : vector<1x16xf32> to vector<16xf32>
            %swap3A_428 = vector.shape_cast %get3A_423 : vector<16xf32> to vector<1x16xf32>
            tpu.vector_store %arg8[%swap3A_424, %swap3A_425], %swap3A_428 {strides = array<i32>} : memref<640x64xf32, #tpu.memory_space<vmem>>, vector<1x16xf32>,
            %get3A_429 = arith.index_cast %squeeze3A_395 : i32 to index
            %get3A_430 = arith.constant 32 : index
            %get3A_431 = tpu.vector_load %arg10[%get3A_429, %get3A_430] {strides = array<i32>} : memref<4x64xf32, #tpu.memory_space<vmem>>, vector<1x16xf32>,
            %get3A_432 = vector.shape_cast %get3A_431 : vector<1x16xf32> to vector<16xf32>
            %swap3A_433 = arith.index_cast %add3A_411 : i32 to index
            %swap3A_434 = arith.constant 32 : index
            %swap3A_435 = tpu.vector_load %arg8[%swap3A_433, %swap3A_434] {strides = array<i32>} : memref<640x64xf32, #tpu.memory_space<vmem>>, vector<1x16xf32>,
            %swap3A_436 = vector.shape_cast %swap3A_435 : vector<1x16xf32> to vector<16xf32>
            %swap3A_437 = vector.shape_cast %get3A_432 : vector<16xf32> to vector<1x16xf32>
            tpu.vector_store %arg8[%swap3A_433, %swap3A_434], %swap3A_437 {strides = array<i32>} : memref<640x64xf32, #tpu.memory_space<vmem>>, vector<1x16xf32>,
            %get3A_438 = arith.index_cast %squeeze3A_395 : i32 to index
            %get3A_439 = arith.constant 48 : index
            %get3A_440 = tpu.vector_load %arg10[%get3A_438, %get3A_439] {strides = array<i32>} : memref<4x64xf32, #tpu.memory_space<vmem>>, vector<1x16xf32>,
            %get3A_441 = vector.shape_cast %get3A_440 : vector<1x16xf32> to vector<16xf32>
            %swap3A_442 = arith.index_cast %add3A_411 : i32 to index
            %swap3A_443 = arith.constant 48 : index
            %swap3A_444 = tpu.vector_load %arg8[%swap3A_442, %swap3A_443] {strides = array<i32>} : memref<640x64xf32, #tpu.memory_space<vmem>>, vector<1x16xf32>,
            %swap3A_445 = vector.shape_cast %swap3A_444 : vector<1x16xf32> to vector<16xf32>
            %swap3A_446 = vector.shape_cast %get3A_441 : vector<16xf32> to vector<1x16xf32>
            tpu.vector_store %arg8[%swap3A_442, %swap3A_443], %swap3A_446 {strides = array<i32>} : memref<640x64xf32, #tpu.memory_space<vmem>>, vector<1x16xf32>,
          } else {
          }
          %slice3A_401 = vector.extract_strided_slice %get3A_295 {offsets = [15], sizes = [1], strides = [1]} : vector<16xi32> to vector<1xi32>
          %squeeze3A_402 = vector.extract %slice3A_401[0] : i32 from vector<1xi32>
          %lt3A_403 = arith.constant 3 : i32
          %lt3A_404 = arith.cmpi slt, %squeeze3A_402, %lt3A_403 : i32
          %convert_element_type3A_405 = arith.extui %lt3A_404 : i1 to i32
          %cond3A_406 = arith.constant 0 : i32
          %cond3A_407 = arith.cmpi ne, %convert_element_type3A_405, %cond3A_406 : i32
          scf.if %cond3A_407 {
            %mul3A_408 = arith.constant 16 : i32
            %mul3A_409 = arith.muli %scan3A_291, %mul3A_408 : i32
            %add3A_410 = arith.constant 15 : i32
            %add3A_411 = arith.addi %mul3A_409, %add3A_410 : i32
            %get3A_412 = arith.index_cast %squeeze3A_402 : i32 to index
            %get3A_413 = arith.constant 0 : index
            %get3A_414 = tpu.vector_load %arg10[%get3A_412, %get3A_413] {strides = array<i32>} : memref<4x64xf32, #tpu.memory_space<vmem>>, vector<1x16xf32>,
            %get3A_415 = vector.shape_cast %get3A_414 : vector<1x16xf32> to vector<16xf32>
            %swap3A = arith.index_cast %add3A_411 : i32 to index
            %swap3A_416 = arith.constant 0 : index
            %swap3A_417 = tpu.vector_load %arg8[%swap3A, %swap3A_416] {strides = array<i32>} : memref<640x64xf32, #tpu.memory_space<vmem>>, vector<1x16xf32>,
            %swap3A_418 = vector.shape_cast %swap3A_417 : vector<1x16xf32> to vector<16xf32>
            %swap3A_419 = vector.shape_cast %get3A_415 : vector<16xf32> to vector<1x16xf32>
            tpu.vector_store %arg8[%swap3A, %swap3A_416], %swap3A_419 {strides = array<i32>} : memref<640x64xf32, #tpu.memory_space<vmem>>, vector<1x16xf32>,
            %get3A_420 = arith.index_cast %squeeze3A_402 : i32 to index
            %get3A_421 = arith.constant 16 : index
            %get3A_422 = tpu.vector_load %arg10[%get3A_420, %get3A_421] {strides = array<i32>} : memref<4x64xf32, #tpu.memory_space<vmem>>, vector<1x16xf32>,
            %get3A_423 = vector.shape_cast %get3A_422 : vector<1x16xf32> to vector<16xf32>
            %swap3A_424 = arith.index_cast %add3A_411 : i32 to index
            %swap3A_425 = arith.constant 16 : index
            %swap3A_426 = tpu.vector_load %arg8[%swap3A_424, %swap3A_425] {strides = array<i32>} : memref<640x64xf32, #tpu.memory_space<vmem>>, vector<1x16xf32>,
            %swap3A_427 = vector.shape_cast %swap3A_426 : vector<1x16xf32> to vector<16xf32>
            %swap3A_428 = vector.shape_cast %get3A_423 : vector<16xf32> to vector<1x16xf32>
            tpu.vector_store %arg8[%swap3A_424, %swap3A_425], %swap3A_428 {strides = array<i32>} : memref<640x64xf32, #tpu.memory_space<vmem>>, vector<1x16xf32>,
            %get3A_429 = arith.index_cast %squeeze3A_402 : i32 to index
            %get3A_430 = arith.constant 32 : index
            %get3A_431 = tpu.vector_load %arg10[%get3A_429, %get3A_430] {strides = array<i32>} : memref<4x64xf32, #tpu.memory_space<vmem>>, vector<1x16xf32>,
            %get3A_432 = vector.shape_cast %get3A_431 : vector<1x16xf32> to vector<16xf32>
            %swap3A_433 = arith.index_cast %add3A_411 : i32 to index
            %swap3A_434 = arith.constant 32 : index
            %swap3A_435 = tpu.vector_load %arg8[%swap3A_433, %swap3A_434] {strides = array<i32>} : memref<640x64xf32, #tpu.memory_space<vmem>>, vector<1x16xf32>,
            %swap3A_436 = vector.shape_cast %swap3A_435 : vector<1x16xf32> to vector<16xf32>
            %swap3A_437 = vector.shape_cast %get3A_432 : vector<16xf32> to vector<1x16xf32>
            tpu.vector_store %arg8[%swap3A_433, %swap3A_434], %swap3A_437 {strides = array<i32>} : memref<640x64xf32, #tpu.memory_space<vmem>>, vector<1x16xf32>,
            %get3A_438 = arith.index_cast %squeeze3A_402 : i32 to index
            %get3A_439 = arith.constant 48 : index
            %get3A_440 = tpu.vector_load %arg10[%get3A_438, %get3A_439] {strides = array<i32>} : memref<4x64xf32, #tpu.memory_space<vmem>>, vector<1x16xf32>,
            %get3A_441 = vector.shape_cast %get3A_440 : vector<1x16xf32> to vector<16xf32>
            %swap3A_442 = arith.index_cast %add3A_411 : i32 to index
            %swap3A_443 = arith.constant 48 : index
            %swap3A_444 = tpu.vector_load %arg8[%swap3A_442, %swap3A_443] {strides = array<i32>} : memref<640x64xf32, #tpu.memory_space<vmem>>, vector<1x16xf32>,
            %swap3A_445 = vector.shape_cast %swap3A_444 : vector<1x16xf32> to vector<16xf32>
            %swap3A_446 = vector.shape_cast %get3A_441 : vector<16xf32> to vector<1x16xf32>
            tpu.vector_store %arg8[%swap3A_442, %swap3A_443], %swap3A_446 {strides = array<i32>} : memref<640x64xf32, #tpu.memory_space<vmem>>, vector<1x16xf32>,
          } else {
          }
        }
        %scan3A_290 = arith.constant 40 : i32
      } else {
      }
      %mul3A_160 = arith.constant 640 : i32
      %mul3A_161 = arith.muli %add3A_60, %mul3A_160 : i32
      %add3A_162 = arith.addi %mul3A_2, %mul3A_161 : i32
      %dma_start3A_163 = arith.constant 0 : i32
      %dma_start3A_164 = tpu.memref_slice %arg5[%add3A_162, %dma_start3A_163] : memref<819200x128xf32, #tpu.memory_space<hbm>> -> memref<640x64xf32, #tpu.memory_space<hbm>>
      %dma_start3A_165 = arith.constant 0 : i32
      %dma_start3A_166 = tpu.memref_slice %arg5[%add3A_162, %dma_start3A_165] : memref<819200x128xf32, #tpu.memory_space<hbm>> -> memref<640x64xf32, #tpu.memory_space<hbm>>
      tpu.enqueue_dma source(%arg8 : memref<640x64xf32, #tpu.memory_space<vmem>>) target(%dma_start3A_166 : memref<640x64xf32, #tpu.memory_space<hbm>>) target_semaphore(%arg13 : memref<!tpu.dma_semaphore, #tpu.memory_space<semaphore_mem>>)
      %mul3A_167 = arith.constant 2 : i32
      %mul3A_168 = arith.muli %mul3A_167, %scan3A_56 : i32
      %add3A_169 = arith.constant 1 : i32
      %add3A_170 = arith.addi %mul3A_168, %add3A_169 : i32
      %add3A_171 = arith.constant 1 : i32
      %add3A_172 = arith.addi %add3A_170, %add3A_171 : i32
      %lt3A_173 = arith.constant 40 : i32
      %lt3A_174 = arith.cmpi slt, %add3A_172, %lt3A_173 : i32
      %convert_element_type3A_175 = arith.extui %lt3A_174 : i1 to i32
      %cond3A_176 = arith.constant 0 : i32
      %cond3A_177 = arith.cmpi ne, %convert_element_type3A_175, %cond3A_176 : i32
      scf.if %cond3A_177 {
        %ge3A = arith.constant 1 : i32
        %ge3A_285 = arith.cmpi sge, %add3A_170, %ge3A : i32
        %convert_element_type3A_286 = arith.extui %ge3A_285 : i1 to i32
        %cond3A_287 = arith.constant 0 : i32
        %cond3A_288 = arith.cmpi ne, %convert_element_type3A_286, %cond3A_287 : i32
        scf.if %cond3A_288 {
          %dma_wait3A_334 = arith.constant 0 : i32
          %dma_wait3A_335 = tpu.memref_slice %arg5[%mul3A_2, %dma_wait3A_334] : memref<819200x128xf32, #tpu.memory_space<hbm>> -> memref<640x64xf32, #tpu.memory_space<hbm>>
          %dma_wait3A_336 = arith.constant 0 : i32
          %dma_wait3A_337 = tpu.memref_slice %arg5[%mul3A_2, %dma_wait3A_336] : memref<819200x128xf32, #tpu.memory_space<hbm>> -> memref<640x64xf32, #tpu.memory_space<hbm>>
          tpu.wait_dma2 semaphore(%arg13 : memref<!tpu.dma_semaphore, #tpu.memory_space<semaphore_mem>>) src(%arg8 : memref<640x64xf32, #tpu.memory_space<vmem>>) dst(%dma_wait3A_337 : memref<640x64xf32, #tpu.memory_space<hbm>>)
        } else {
        }
        %add3A_289 = arith.constant 1 : i32
        %add3A_290 = arith.addi %add3A_170, %add3A_289 : i32
        %mul3A_291 = arith.constant 640 : i32
        %mul3A_292 = arith.muli %add3A_290, %mul3A_291 : i32
        %add3A_293 = arith.addi %mul3A_2, %mul3A_292 : i32
        "tpu.region"() ({
          %run_scoped3A = tpu.sem_alloc : memref<!tpu.dma_semaphore, #tpu.memory_space<semaphore_mem>>
          %dma_start3A_334 = tpu.memref_slice %arg2[%add3A_293] : memref<819200xi32, #tpu.memory_space<hbm>> -> memref<640xi32, #tpu.memory_space<hbm>>
          %dma_start3A_335 = tpu.memref_slice %arg2[%add3A_293] : memref<819200xi32, #tpu.memory_space<hbm>> -> memref<640xi32, #tpu.memory_space<hbm>>
          tpu.enqueue_dma source(%dma_start3A_335 : memref<640xi32, #tpu.memory_space<hbm>>) target(%arg6 : memref<640xi32, #tpu.memory_space<vmem>>) target_semaphore(%run_scoped3A : memref<!tpu.dma_semaphore, #tpu.memory_space<semaphore_mem>>)
          %dma_wait3A_336 = tpu.memref_slice %arg2[%add3A_293] : memref<819200xi32, #tpu.memory_space<hbm>> -> memref<640xi32, #tpu.memory_space<hbm>>
          %dma_wait3A_337 = tpu.memref_slice %arg2[%add3A_293] : memref<819200xi32, #tpu.memory_space<hbm>> -> memref<640xi32, #tpu.memory_space<hbm>>
          tpu.wait_dma2 semaphore(%run_scoped3A : memref<!tpu.dma_semaphore, #tpu.memory_space<semaphore_mem>>) src(%dma_wait3A_337 : memref<640xi32, #tpu.memory_space<hbm>>) dst(%arg6 : memref<640xi32, #tpu.memory_space<vmem>>)
          tpu.yield
        }) : () -> ()
        %dma_start3A_294 = arith.constant 0 : i32
        %dma_start3A_295 = arith.constant 0 : i32
        %dma_start3A_296 = tpu.memref_slice %arg8[%dma_start3A_294, %dma_start3A_295] : memref<640x64xf32, #tpu.memory_space<vmem>> -> memref<128x64xf32, #tpu.memory_space<vmem>>
        %dma_start3A_297 = arith.constant 0 : i32
        %dma_start3A_298 = tpu.memref_slice %arg6[%dma_start3A_297] : memref<640xi32, #tpu.memory_space<vmem>> -> memref<128xi32, #tpu.memory_space<vmem>>
        %dma_start3A_299 = arith.constant 0 : i32
        %dma_start3A_300 = arith.constant 0 : i32
        %dma_start3A_301 = tpu.memref_slice %arg3[%dma_start3A_299, %dma_start3A_300] : memref<1000000x64xf32, #tpu.memory_space<hbm>> -> memref<1000000x64xf32, #tpu.memory_space<hbm>>
        tpu.enqueue_indirect_dma source(%dma_start3A_301 : memref<1000000x64xf32, #tpu.memory_space<hbm>>) target(%dma_start3A_296 : memref<128x64xf32, #tpu.memory_space<vmem>>) offsets(%dma_start3A_298 : memref<128xi32, #tpu.memory_space<vmem>>) semaphore(%arg11 : memref<!tpu.dma_semaphore, #tpu.memory_space<semaphore_mem>>)
        %dma_start3A_302 = arith.constant 128 : i32
        %dma_start3A_303 = arith.constant 0 : i32
        %dma_start3A_304 = tpu.memref_slice %arg8[%dma_start3A_302, %dma_start3A_303] : memref<640x64xf32, #tpu.memory_space<vmem>> -> memref<128x64xf32, #tpu.memory_space<vmem>>
        %dma_start3A_305 = arith.constant 128 : i32
        %dma_start3A_306 = tpu.memref_slice %arg6[%dma_start3A_305] : memref<640xi32, #tpu.memory_space<vmem>> -> memref<128xi32, #tpu.memory_space<vmem>>
        %dma_start3A_307 = arith.constant 0 : i32
        %dma_start3A_308 = arith.constant 0 : i32
        %dma_start3A_309 = tpu.memref_slice %arg3[%dma_start3A_307, %dma_start3A_308] : memref<1000000x64xf32, #tpu.memory_space<hbm>> -> memref<1000000x64xf32, #tpu.memory_space<hbm>>
        tpu.enqueue_indirect_dma source(%dma_start3A_309 : memref<1000000x64xf32, #tpu.memory_space<hbm>>) target(%dma_start3A_304 : memref<128x64xf32, #tpu.memory_space<vmem>>) offsets(%dma_start3A_306 : memref<128xi32, #tpu.memory_space<vmem>>) semaphore(%arg11 : memref<!tpu.dma_semaphore, #tpu.memory_space<semaphore_mem>>)
        %dma_start3A_310 = arith.constant 256 : i32
        %dma_start3A_311 = arith.constant 0 : i32
        %dma_start3A_312 = tpu.memref_slice %arg8[%dma_start3A_310, %dma_start3A_311] : memref<640x64xf32, #tpu.memory_space<vmem>> -> memref<128x64xf32, #tpu.memory_space<vmem>>
        %dma_start3A_313 = arith.constant 256 : i32
        %dma_start3A_314 = tpu.memref_slice %arg6[%dma_start3A_313] : memref<640xi32, #tpu.memory_space<vmem>> -> memref<128xi32, #tpu.memory_space<vmem>>
        %dma_start3A_315 = arith.constant 0 : i32
        %dma_start3A_316 = arith.constant 0 : i32
        %dma_start3A_317 = tpu.memref_slice %arg3[%dma_start3A_315, %dma_start3A_316] : memref<1000000x64xf32, #tpu.memory_space<hbm>> -> memref<1000000x64xf32, #tpu.memory_space<hbm>>
        tpu.enqueue_indirect_dma source(%dma_start3A_317 : memref<1000000x64xf32, #tpu.memory_space<hbm>>) target(%dma_start3A_312 : memref<128x64xf32, #tpu.memory_space<vmem>>) offsets(%dma_start3A_314 : memref<128xi32, #tpu.memory_space<vmem>>) semaphore(%arg11 : memref<!tpu.dma_semaphore, #tpu.memory_space<semaphore_mem>>)
        %dma_start3A_318 = arith.constant 384 : i32
        %dma_start3A_319 = arith.constant 0 : i32
        %dma_start3A_320 = tpu.memref_slice %arg8[%dma_start3A_318, %dma_start3A_319] : memref<640x64xf32, #tpu.memory_space<vmem>> -> memref<128x64xf32, #tpu.memory_space<vmem>>
        %dma_start3A_321 = arith.constant 384 : i32
        %dma_start3A_322 = tpu.memref_slice %arg6[%dma_start3A_321] : memref<640xi32, #tpu.memory_space<vmem>> -> memref<128xi32, #tpu.memory_space<vmem>>
        %dma_start3A_323 = arith.constant 0 : i32
        %dma_start3A_324 = arith.constant 0 : i32
        %dma_start3A_325 = tpu.memref_slice %arg3[%dma_start3A_323, %dma_start3A_324] : memref<1000000x64xf32, #tpu.memory_space<hbm>> -> memref<1000000x64xf32, #tpu.memory_space<hbm>>
        tpu.enqueue_indirect_dma source(%dma_start3A_325 : memref<1000000x64xf32, #tpu.memory_space<hbm>>) target(%dma_start3A_320 : memref<128x64xf32, #tpu.memory_space<vmem>>) offsets(%dma_start3A_322 : memref<128xi32, #tpu.memory_space<vmem>>) semaphore(%arg11 : memref<!tpu.dma_semaphore, #tpu.memory_space<semaphore_mem>>)
        %dma_start3A_326 = arith.constant 512 : i32
        %dma_start3A_327 = arith.constant 0 : i32
        %dma_start3A_328 = tpu.memref_slice %arg8[%dma_start3A_326, %dma_start3A_327] : memref<640x64xf32, #tpu.memory_space<vmem>> -> memref<128x64xf32, #tpu.memory_space<vmem>>
        %dma_start3A_329 = arith.constant 512 : i32
        %dma_start3A_330 = tpu.memref_slice %arg6[%dma_start3A_329] : memref<640xi32, #tpu.memory_space<vmem>> -> memref<128xi32, #tpu.memory_space<vmem>>
        %dma_start3A_331 = arith.constant 0 : i32
        %dma_start3A_332 = arith.constant 0 : i32
        %dma_start3A_333 = tpu.memref_slice %arg3[%dma_start3A_331, %dma_start3A_332] : memref<1000000x64xf32, #tpu.memory_space<hbm>> -> memref<1000000x64xf32, #tpu.memory_space<hbm>>
        tpu.enqueue_indirect_dma source(%dma_start3A_333 : memref<1000000x64xf32, #tpu.memory_space<hbm>>) target(%dma_start3A_328 : memref<128x64xf32, #tpu.memory_space<vmem>>) offsets(%dma_start3A_330 : memref<128xi32, #tpu.memory_space<vmem>>) semaphore(%arg11 : memref<!tpu.dma_semaphore, #tpu.memory_space<semaphore_mem>>)
      } else {
      }
      %broadcast_in_dim3A_178 = arith.constant 0 : i32
      %broadcast_in_dim3A_179 = vector.broadcast %broadcast_in_dim3A_178 : i32 to vector<16xi32>
      %scan3A_180 = arith.constant 0 : i32
      %scan3A_181 = arith.constant 40 : i32
      %scan3A_182 = arith.addi %scan3A_180, %scan3A_181 : i32
      %scan3A_183 = arith.constant 1 : i32
      %scan3A_184 = scf.for %scan3A_285 = %scan3A_180 to %scan3A_182 step %scan3A_183 iter_args(%scan3A_286 = %broadcast_in_dim3A_179) -> (vector<16xi32>)  : i32 {
        %mul3A_287 = arith.constant 16 : i32
        %mul3A_288 = arith.muli %scan3A_285, %mul3A_287 : i32
        %get3A = arith.index_cast %mul3A_288 : i32 to index
        %get3A_289 = tpu.vector_load %arg7[%get3A] {strides = array<i32>} : memref<640xi32, #tpu.memory_space<vmem>>, vector<16xi32>,
        %get3A_290 = vector.shape_cast %get3A_289 : vector<16xi32> to vector<16xi32>
        %lt3A_291 = arith.constant 3 : i32
        %lt3A_292 = vector.broadcast %lt3A_291 : i32 to vector<16xi32>
        %lt3A_293 = arith.cmpi slt, %get3A_290, %lt3A_292 : vector<16xi32>
        %jit3A = arith.constant 1 : i32
        %jit3A_294 = arith.constant 0 : i32
        %broadcast_in_dim3A_295 = vector.broadcast %jit3A : i32 to vector<16xi32>
        %broadcast_in_dim3A_296 = vector.broadcast %jit3A_294 : i32 to vector<16xi32>
        %select_n3A = arith.select %lt3A_293, %broadcast_in_dim3A_295, %broadcast_in_dim3A_296 : vector<16xi1>, vector<16xi32>
        %or3A_297 = arith.ori %scan3A_286, %select_n3A : vector<16xi32>
        scf.yield %or3A_297 : vector<16xi32>
      }
      %scan3A_185 = arith.constant 40 : i32
      %slice3A_186 = vector.extract_strided_slice %scan3A_184 {offsets = [0], sizes = [1], strides = [1]} : vector<16xi32> to vector<1xi32>
      %squeeze3A_187 = vector.extract %slice3A_186[0] : i32 from vector<1xi32>
      %slice3A_188 = vector.extract_strided_slice %scan3A_184 {offsets = [1], sizes = [1], strides = [1]} : vector<16xi32> to vector<1xi32>
      %squeeze3A_189 = vector.extract %slice3A_188[0] : i32 from vector<1xi32>
      %or3A_190 = arith.ori %squeeze3A_187, %squeeze3A_189 : i32
      %slice3A_191 = vector.extract_strided_slice %scan3A_184 {offsets = [2], sizes = [1], strides = [1]} : vector<16xi32> to vector<1xi32>
      %squeeze3A_192 = vector.extract %slice3A_191[0] : i32 from vector<1xi32>
      %or3A_193 = arith.ori %or3A_190, %squeeze3A_192 : i32
      %slice3A_194 = vector.extract_strided_slice %scan3A_184 {offsets = [3], sizes = [1], strides = [1]} : vector<16xi32> to vector<1xi32>
      %squeeze3A_195 = vector.extract %slice3A_194[0] : i32 from vector<1xi32>
      %or3A_196 = arith.ori %or3A_193, %squeeze3A_195 : i32
      %slice3A_197 = vector.extract_strided_slice %scan3A_184 {offsets = [4], sizes = [1], strides = [1]} : vector<16xi32> to vector<1xi32>
      %squeeze3A_198 = vector.extract %slice3A_197[0] : i32 from vector<1xi32>
      %or3A_199 = arith.ori %or3A_196, %squeeze3A_198 : i32
      %slice3A_200 = vector.extract_strided_slice %scan3A_184 {offsets = [5], sizes = [1], strides = [1]} : vector<16xi32> to vector<1xi32>
      %squeeze3A_201 = vector.extract %slice3A_200[0] : i32 from vector<1xi32>
      %or3A_202 = arith.ori %or3A_199, %squeeze3A_201 : i32
      %slice3A_203 = vector.extract_strided_slice %scan3A_184 {offsets = [6], sizes = [1], strides = [1]} : vector<16xi32> to vector<1xi32>
      %squeeze3A_204 = vector.extract %slice3A_203[0] : i32 from vector<1xi32>
      %or3A_205 = arith.ori %or3A_202, %squeeze3A_204 : i32
      %slice3A_206 = vector.extract_strided_slice %scan3A_184 {offsets = [7], sizes = [1], strides = [1]} : vector<16xi32> to vector<1xi32>
      %squeeze3A_207 = vector.extract %slice3A_206[0] : i32 from vector<1xi32>
      %or3A_208 = arith.ori %or3A_205, %squeeze3A_207 : i32
      %slice3A_209 = vector.extract_strided_slice %scan3A_184 {offsets = [8], sizes = [1], strides = [1]} : vector<16xi32> to vector<1xi32>
      %squeeze3A_210 = vector.extract %slice3A_209[0] : i32 from vector<1xi32>
      %or3A_211 = arith.ori %or3A_208, %squeeze3A_210 : i32
      %slice3A_212 = vector.extract_strided_slice %scan3A_184 {offsets = [9], sizes = [1], strides = [1]} : vector<16xi32> to vector<1xi32>
      %squeeze3A_213 = vector.extract %slice3A_212[0] : i32 from vector<1xi32>
      %or3A_214 = arith.ori %or3A_211, %squeeze3A_213 : i32
      %slice3A_215 = vector.extract_strided_slice %scan3A_184 {offsets = [10], sizes = [1], strides = [1]} : vector<16xi32> to vector<1xi32>
      %squeeze3A_216 = vector.extract %slice3A_215[0] : i32 from vector<1xi32>
      %or3A_217 = arith.ori %or3A_214, %squeeze3A_216 : i32
      %slice3A_218 = vector.extract_strided_slice %scan3A_184 {offsets = [11], sizes = [1], strides = [1]} : vector<16xi32> to vector<1xi32>
      %squeeze3A_219 = vector.extract %slice3A_218[0] : i32 from vector<1xi32>
      %or3A_220 = arith.ori %or3A_217, %squeeze3A_219 : i32
      %slice3A_221 = vector.extract_strided_slice %scan3A_184 {offsets = [12], sizes = [1], strides = [1]} : vector<16xi32> to vector<1xi32>
      %squeeze3A_222 = vector.extract %slice3A_221[0] : i32 from vector<1xi32>
      %or3A_223 = arith.ori %or3A_220, %squeeze3A_222 : i32
      %slice3A_224 = vector.extract_strided_slice %scan3A_184 {offsets = [13], sizes = [1], strides = [1]} : vector<16xi32> to vector<1xi32>
      %squeeze3A_225 = vector.extract %slice3A_224[0] : i32 from vector<1xi32>
      %or3A_226 = arith.ori %or3A_223, %squeeze3A_225 : i32
      %slice3A_227 = vector.extract_strided_slice %scan3A_184 {offsets = [14], sizes = [1], strides = [1]} : vector<16xi32> to vector<1xi32>
      %squeeze3A_228 = vector.extract %slice3A_227[0] : i32 from vector<1xi32>
      %or3A_229 = arith.ori %or3A_226, %squeeze3A_228 : i32
      %slice3A_230 = vector.extract_strided_slice %scan3A_184 {offsets = [15], sizes = [1], strides = [1]} : vector<16xi32> to vector<1xi32>
      %squeeze3A_231 = vector.extract %slice3A_230[0] : i32 from vector<1xi32>
      %or3A_232 = arith.ori %or3A_229, %squeeze3A_231 : i32
      %dma_wait3A_233 = arith.constant 0 : i32
      %dma_wait3A_234 = arith.constant 0 : i32
      %dma_wait3A_235 = tpu.memref_slice %arg9[%dma_wait3A_233, %dma_wait3A_234] : memref<640x64xf32, #tpu.memory_space<vmem>> -> memref<128x64xf32, #tpu.memory_space<vmem>>
      %dma_wait3A_236 = arith.constant 0 : i32
      %dma_wait3A_237 = tpu.memref_slice %arg7[%dma_wait3A_236] : memref<640xi32, #tpu.memory_space<vmem>> -> memref<128xi32, #tpu.memory_space<vmem>>
      %dma_wait3A_238 = arith.constant 0 : i32
      %dma_wait3A_239 = arith.constant 0 : i32
      %dma_wait3A_240 = tpu.memref_slice %arg3[%dma_wait3A_238, %dma_wait3A_239] : memref<1000000x64xf32, #tpu.memory_space<hbm>> -> memref<1000000x64xf32, #tpu.memory_space<hbm>>
      tpu.wait_indirect_dma semaphore(%arg12 : memref<!tpu.dma_semaphore, #tpu.memory_space<semaphore_mem>>) src(%dma_wait3A_240 : memref<1000000x64xf32, #tpu.memory_space<hbm>>) dst(%dma_wait3A_235 : memref<128x64xf32, #tpu.memory_space<vmem>>)
      %dma_wait3A_241 = arith.constant 128 : i32
      %dma_wait3A_242 = arith.constant 0 : i32
      %dma_wait3A_243 = tpu.memref_slice %arg9[%dma_wait3A_241, %dma_wait3A_242] : memref<640x64xf32, #tpu.memory_space<vmem>> -> memref<128x64xf32, #tpu.memory_space<vmem>>
      %dma_wait3A_244 = arith.constant 128 : i32
      %dma_wait3A_245 = tpu.memref_slice %arg7[%dma_wait3A_244] : memref<640xi32, #tpu.memory_space<vmem>> -> memref<128xi32, #tpu.memory_space<vmem>>
      %dma_wait3A_246 = arith.constant 0 : i32
      %dma_wait3A_247 = arith.constant 0 : i32
      %dma_wait3A_248 = tpu.memref_slice %arg3[%dma_wait3A_246, %dma_wait3A_247] : memref<1000000x64xf32, #tpu.memory_space<hbm>> -> memref<1000000x64xf32, #tpu.memory_space<hbm>>
      tpu.wait_indirect_dma semaphore(%arg12 : memref<!tpu.dma_semaphore, #tpu.memory_space<semaphore_mem>>) src(%dma_wait3A_248 : memref<1000000x64xf32, #tpu.memory_space<hbm>>) dst(%dma_wait3A_243 : memref<128x64xf32, #tpu.memory_space<vmem>>)
      %dma_wait3A_249 = arith.constant 256 : i32
      %dma_wait3A_250 = arith.constant 0 : i32
      %dma_wait3A_251 = tpu.memref_slice %arg9[%dma_wait3A_249, %dma_wait3A_250] : memref<640x64xf32, #tpu.memory_space<vmem>> -> memref<128x64xf32, #tpu.memory_space<vmem>>
      %dma_wait3A_252 = arith.constant 256 : i32
      %dma_wait3A_253 = tpu.memref_slice %arg7[%dma_wait3A_252] : memref<640xi32, #tpu.memory_space<vmem>> -> memref<128xi32, #tpu.memory_space<vmem>>
      %dma_wait3A_254 = arith.constant 0 : i32
      %dma_wait3A_255 = arith.constant 0 : i32
      %dma_wait3A_256 = tpu.memref_slice %arg3[%dma_wait3A_254, %dma_wait3A_255] : memref<1000000x64xf32, #tpu.memory_space<hbm>> -> memref<1000000x64xf32, #tpu.memory_space<hbm>>
      tpu.wait_indirect_dma semaphore(%arg12 : memref<!tpu.dma_semaphore, #tpu.memory_space<semaphore_mem>>) src(%dma_wait3A_256 : memref<1000000x64xf32, #tpu.memory_space<hbm>>) dst(%dma_wait3A_251 : memref<128x64xf32, #tpu.memory_space<vmem>>)
      %dma_wait3A_257 = arith.constant 384 : i32
      %dma_wait3A_258 = arith.constant 0 : i32
      %dma_wait3A_259 = tpu.memref_slice %arg9[%dma_wait3A_257, %dma_wait3A_258] : memref<640x64xf32, #tpu.memory_space<vmem>> -> memref<128x64xf32, #tpu.memory_space<vmem>>
      %dma_wait3A_260 = arith.constant 384 : i32
      %dma_wait3A_261 = tpu.memref_slice %arg7[%dma_wait3A_260] : memref<640xi32, #tpu.memory_space<vmem>> -> memref<128xi32, #tpu.memory_space<vmem>>
      %dma_wait3A_262 = arith.constant 0 : i32
      %dma_wait3A_263 = arith.constant 0 : i32
      %dma_wait3A_264 = tpu.memref_slice %arg3[%dma_wait3A_262, %dma_wait3A_263] : memref<1000000x64xf32, #tpu.memory_space<hbm>> -> memref<1000000x64xf32, #tpu.memory_space<hbm>>
      tpu.wait_indirect_dma semaphore(%arg12 : memref<!tpu.dma_semaphore, #tpu.memory_space<semaphore_mem>>) src(%dma_wait3A_264 : memref<1000000x64xf32, #tpu.memory_space<hbm>>) dst(%dma_wait3A_259 : memref<128x64xf32, #tpu.memory_space<vmem>>)
      %dma_wait3A_265 = arith.constant 512 : i32
      %dma_wait3A_266 = arith.constant 0 : i32
      %dma_wait3A_267 = tpu.memref_slice %arg9[%dma_wait3A_265, %dma_wait3A_266] : memref<640x64xf32, #tpu.memory_space<vmem>> -> memref<128x64xf32, #tpu.memory_space<vmem>>
      %dma_wait3A_268 = arith.constant 512 : i32
      %dma_wait3A_269 = tpu.memref_slice %arg7[%dma_wait3A_268] : memref<640xi32, #tpu.memory_space<vmem>> -> memref<128xi32, #tpu.memory_space<vmem>>
      %dma_wait3A_270 = arith.constant 0 : i32
      %dma_wait3A_271 = arith.constant 0 : i32
      %dma_wait3A_272 = tpu.memref_slice %arg3[%dma_wait3A_270, %dma_wait3A_271] : memref<1000000x64xf32, #tpu.memory_space<hbm>> -> memref<1000000x64xf32, #tpu.memory_space<hbm>>
      tpu.wait_indirect_dma semaphore(%arg12 : memref<!tpu.dma_semaphore, #tpu.memory_space<semaphore_mem>>) src(%dma_wait3A_272 : memref<1000000x64xf32, #tpu.memory_space<hbm>>) dst(%dma_wait3A_267 : memref<128x64xf32, #tpu.memory_space<vmem>>)
      %gt3A_273 = arith.constant 0 : i32
      %gt3A_274 = arith.cmpi sgt, %or3A_232, %gt3A_273 : i32
      %convert_element_type3A_275 = arith.extui %gt3A_274 : i1 to i32
      %cond3A_276 = arith.constant 0 : i32
      %cond3A_277 = arith.cmpi ne, %convert_element_type3A_275, %cond3A_276 : i32
      scf.if %cond3A_277 {
        %scan3A_285 = arith.constant 0 : i32
        %scan3A_286 = arith.constant 0 : i32
        %scan3A_287 = arith.constant 40 : i32
        %scan3A_288 = arith.addi %scan3A_286, %scan3A_287 : i32
        %scan3A_289 = arith.constant 1 : i32
        scf.for %scan3A_291 = %scan3A_286 to %scan3A_288 step %scan3A_289  : i32 {
          %mul3A_292 = arith.constant 16 : i32
          %mul3A_293 = arith.muli %scan3A_291, %mul3A_292 : i32
          %get3A = arith.index_cast %mul3A_293 : i32 to index
          %get3A_294 = tpu.vector_load %arg7[%get3A] {strides = array<i32>} : memref<640xi32, #tpu.memory_space<vmem>>, vector<16xi32>,
          %get3A_295 = vector.shape_cast %get3A_294 : vector<16xi32> to vector<16xi32>
          %slice3A_296 = vector.extract_strided_slice %get3A_295 {offsets = [0], sizes = [1], strides = [1]} : vector<16xi32> to vector<1xi32>
          %squeeze3A_297 = vector.extract %slice3A_296[0] : i32 from vector<1xi32>
          %lt3A_298 = arith.constant 3 : i32
          %lt3A_299 = arith.cmpi slt, %squeeze3A_297, %lt3A_298 : i32
          %convert_element_type3A_300 = arith.extui %lt3A_299 : i1 to i32
          %cond3A_301 = arith.constant 0 : i32
          %cond3A_302 = arith.cmpi ne, %convert_element_type3A_300, %cond3A_301 : i32
          scf.if %cond3A_302 {
            %mul3A_408 = arith.constant 16 : i32
            %mul3A_409 = arith.muli %scan3A_291, %mul3A_408 : i32
            %add3A_410 = arith.constant 0 : i32
            %add3A_411 = arith.addi %mul3A_409, %add3A_410 : i32
            %get3A_412 = arith.index_cast %squeeze3A_297 : i32 to index
            %get3A_413 = arith.constant 0 : index
            %get3A_414 = tpu.vector_load %arg10[%get3A_412, %get3A_413] {strides = array<i32>} : memref<4x64xf32, #tpu.memory_space<vmem>>, vector<1x16xf32>,
            %get3A_415 = vector.shape_cast %get3A_414 : vector<1x16xf32> to vector<16xf32>
            %swap3A = arith.index_cast %add3A_411 : i32 to index
            %swap3A_416 = arith.constant 0 : index
            %swap3A_417 = tpu.vector_load %arg9[%swap3A, %swap3A_416] {strides = array<i32>} : memref<640x64xf32, #tpu.memory_space<vmem>>, vector<1x16xf32>,
            %swap3A_418 = vector.shape_cast %swap3A_417 : vector<1x16xf32> to vector<16xf32>
            %swap3A_419 = vector.shape_cast %get3A_415 : vector<16xf32> to vector<1x16xf32>
            tpu.vector_store %arg9[%swap3A, %swap3A_416], %swap3A_419 {strides = array<i32>} : memref<640x64xf32, #tpu.memory_space<vmem>>, vector<1x16xf32>,
            %get3A_420 = arith.index_cast %squeeze3A_297 : i32 to index
            %get3A_421 = arith.constant 16 : index
            %get3A_422 = tpu.vector_load %arg10[%get3A_420, %get3A_421] {strides = array<i32>} : memref<4x64xf32, #tpu.memory_space<vmem>>, vector<1x16xf32>,
            %get3A_423 = vector.shape_cast %get3A_422 : vector<1x16xf32> to vector<16xf32>
            %swap3A_424 = arith.index_cast %add3A_411 : i32 to index
            %swap3A_425 = arith.constant 16 : index
            %swap3A_426 = tpu.vector_load %arg9[%swap3A_424, %swap3A_425] {strides = array<i32>} : memref<640x64xf32, #tpu.memory_space<vmem>>, vector<1x16xf32>,
            %swap3A_427 = vector.shape_cast %swap3A_426 : vector<1x16xf32> to vector<16xf32>
            %swap3A_428 = vector.shape_cast %get3A_423 : vector<16xf32> to vector<1x16xf32>
            tpu.vector_store %arg9[%swap3A_424, %swap3A_425], %swap3A_428 {strides = array<i32>} : memref<640x64xf32, #tpu.memory_space<vmem>>, vector<1x16xf32>,
            %get3A_429 = arith.index_cast %squeeze3A_297 : i32 to index
            %get3A_430 = arith.constant 32 : index
            %get3A_431 = tpu.vector_load %arg10[%get3A_429, %get3A_430] {strides = array<i32>} : memref<4x64xf32, #tpu.memory_space<vmem>>, vector<1x16xf32>,
            %get3A_432 = vector.shape_cast %get3A_431 : vector<1x16xf32> to vector<16xf32>
            %swap3A_433 = arith.index_cast %add3A_411 : i32 to index
            %swap3A_434 = arith.constant 32 : index
            %swap3A_435 = tpu.vector_load %arg9[%swap3A_433, %swap3A_434] {strides = array<i32>} : memref<640x64xf32, #tpu.memory_space<vmem>>, vector<1x16xf32>,
            %swap3A_436 = vector.shape_cast %swap3A_435 : vector<1x16xf32> to vector<16xf32>
            %swap3A_437 = vector.shape_cast %get3A_432 : vector<16xf32> to vector<1x16xf32>
            tpu.vector_store %arg9[%swap3A_433, %swap3A_434], %swap3A_437 {strides = array<i32>} : memref<640x64xf32, #tpu.memory_space<vmem>>, vector<1x16xf32>,
            %get3A_438 = arith.index_cast %squeeze3A_297 : i32 to index
            %get3A_439 = arith.constant 48 : index
            %get3A_440 = tpu.vector_load %arg10[%get3A_438, %get3A_439] {strides = array<i32>} : memref<4x64xf32, #tpu.memory_space<vmem>>, vector<1x16xf32>,
            %get3A_441 = vector.shape_cast %get3A_440 : vector<1x16xf32> to vector<16xf32>
            %swap3A_442 = arith.index_cast %add3A_411 : i32 to index
            %swap3A_443 = arith.constant 48 : index
            %swap3A_444 = tpu.vector_load %arg9[%swap3A_442, %swap3A_443] {strides = array<i32>} : memref<640x64xf32, #tpu.memory_space<vmem>>, vector<1x16xf32>,
            %swap3A_445 = vector.shape_cast %swap3A_444 : vector<1x16xf32> to vector<16xf32>
            %swap3A_446 = vector.shape_cast %get3A_441 : vector<16xf32> to vector<1x16xf32>
            tpu.vector_store %arg9[%swap3A_442, %swap3A_443], %swap3A_446 {strides = array<i32>} : memref<640x64xf32, #tpu.memory_space<vmem>>, vector<1x16xf32>,
          } else {
          }
          %slice3A_303 = vector.extract_strided_slice %get3A_295 {offsets = [1], sizes = [1], strides = [1]} : vector<16xi32> to vector<1xi32>
          %squeeze3A_304 = vector.extract %slice3A_303[0] : i32 from vector<1xi32>
          %lt3A_305 = arith.constant 3 : i32
          %lt3A_306 = arith.cmpi slt, %squeeze3A_304, %lt3A_305 : i32
          %convert_element_type3A_307 = arith.extui %lt3A_306 : i1 to i32
          %cond3A_308 = arith.constant 0 : i32
          %cond3A_309 = arith.cmpi ne, %convert_element_type3A_307, %cond3A_308 : i32
          scf.if %cond3A_309 {
            %mul3A_408 = arith.constant 16 : i32
            %mul3A_409 = arith.muli %scan3A_291, %mul3A_408 : i32
            %add3A_410 = arith.constant 1 : i32
            %add3A_411 = arith.addi %mul3A_409, %add3A_410 : i32
            %get3A_412 = arith.index_cast %squeeze3A_304 : i32 to index
            %get3A_413 = arith.constant 0 : index
            %get3A_414 = tpu.vector_load %arg10[%get3A_412, %get3A_413] {strides = array<i32>} : memref<4x64xf32, #tpu.memory_space<vmem>>, vector<1x16xf32>,
            %get3A_415 = vector.shape_cast %get3A_414 : vector<1x16xf32> to vector<16xf32>
            %swap3A = arith.index_cast %add3A_411 : i32 to index
            %swap3A_416 = arith.constant 0 : index
            %swap3A_417 = tpu.vector_load %arg9[%swap3A, %swap3A_416] {strides = array<i32>} : memref<640x64xf32, #tpu.memory_space<vmem>>, vector<1x16xf32>,
            %swap3A_418 = vector.shape_cast %swap3A_417 : vector<1x16xf32> to vector<16xf32>
            %swap3A_419 = vector.shape_cast %get3A_415 : vector<16xf32> to vector<1x16xf32>
            tpu.vector_store %arg9[%swap3A, %swap3A_416], %swap3A_419 {strides = array<i32>} : memref<640x64xf32, #tpu.memory_space<vmem>>, vector<1x16xf32>,
            %get3A_420 = arith.index_cast %squeeze3A_304 : i32 to index
            %get3A_421 = arith.constant 16 : index
            %get3A_422 = tpu.vector_load %arg10[%get3A_420, %get3A_421] {strides = array<i32>} : memref<4x64xf32, #tpu.memory_space<vmem>>, vector<1x16xf32>,
            %get3A_423 = vector.shape_cast %get3A_422 : vector<1x16xf32> to vector<16xf32>
            %swap3A_424 = arith.index_cast %add3A_411 : i32 to index
            %swap3A_425 = arith.constant 16 : index
            %swap3A_426 = tpu.vector_load %arg9[%swap3A_424, %swap3A_425] {strides = array<i32>} : memref<640x64xf32, #tpu.memory_space<vmem>>, vector<1x16xf32>,
            %swap3A_427 = vector.shape_cast %swap3A_426 : vector<1x16xf32> to vector<16xf32>
            %swap3A_428 = vector.shape_cast %get3A_423 : vector<16xf32> to vector<1x16xf32>
            tpu.vector_store %arg9[%swap3A_424, %swap3A_425], %swap3A_428 {strides = array<i32>} : memref<640x64xf32, #tpu.memory_space<vmem>>, vector<1x16xf32>,
            %get3A_429 = arith.index_cast %squeeze3A_304 : i32 to index
            %get3A_430 = arith.constant 32 : index
            %get3A_431 = tpu.vector_load %arg10[%get3A_429, %get3A_430] {strides = array<i32>} : memref<4x64xf32, #tpu.memory_space<vmem>>, vector<1x16xf32>,
            %get3A_432 = vector.shape_cast %get3A_431 : vector<1x16xf32> to vector<16xf32>
            %swap3A_433 = arith.index_cast %add3A_411 : i32 to index
            %swap3A_434 = arith.constant 32 : index
            %swap3A_435 = tpu.vector_load %arg9[%swap3A_433, %swap3A_434] {strides = array<i32>} : memref<640x64xf32, #tpu.memory_space<vmem>>, vector<1x16xf32>,
            %swap3A_436 = vector.shape_cast %swap3A_435 : vector<1x16xf32> to vector<16xf32>
            %swap3A_437 = vector.shape_cast %get3A_432 : vector<16xf32> to vector<1x16xf32>
            tpu.vector_store %arg9[%swap3A_433, %swap3A_434], %swap3A_437 {strides = array<i32>} : memref<640x64xf32, #tpu.memory_space<vmem>>, vector<1x16xf32>,
            %get3A_438 = arith.index_cast %squeeze3A_304 : i32 to index
            %get3A_439 = arith.constant 48 : index
            %get3A_440 = tpu.vector_load %arg10[%get3A_438, %get3A_439] {strides = array<i32>} : memref<4x64xf32, #tpu.memory_space<vmem>>, vector<1x16xf32>,
            %get3A_441 = vector.shape_cast %get3A_440 : vector<1x16xf32> to vector<16xf32>
            %swap3A_442 = arith.index_cast %add3A_411 : i32 to index
            %swap3A_443 = arith.constant 48 : index
            %swap3A_444 = tpu.vector_load %arg9[%swap3A_442, %swap3A_443] {strides = array<i32>} : memref<640x64xf32, #tpu.memory_space<vmem>>, vector<1x16xf32>,
            %swap3A_445 = vector.shape_cast %swap3A_444 : vector<1x16xf32> to vector<16xf32>
            %swap3A_446 = vector.shape_cast %get3A_441 : vector<16xf32> to vector<1x16xf32>
            tpu.vector_store %arg9[%swap3A_442, %swap3A_443], %swap3A_446 {strides = array<i32>} : memref<640x64xf32, #tpu.memory_space<vmem>>, vector<1x16xf32>,
          } else {
          }
          %slice3A_310 = vector.extract_strided_slice %get3A_295 {offsets = [2], sizes = [1], strides = [1]} : vector<16xi32> to vector<1xi32>
          %squeeze3A_311 = vector.extract %slice3A_310[0] : i32 from vector<1xi32>
          %lt3A_312 = arith.constant 3 : i32
          %lt3A_313 = arith.cmpi slt, %squeeze3A_311, %lt3A_312 : i32
          %convert_element_type3A_314 = arith.extui %lt3A_313 : i1 to i32
          %cond3A_315 = arith.constant 0 : i32
          %cond3A_316 = arith.cmpi ne, %convert_element_type3A_314, %cond3A_315 : i32
          scf.if %cond3A_316 {
            %mul3A_408 = arith.constant 16 : i32
            %mul3A_409 = arith.muli %scan3A_291, %mul3A_408 : i32
            %add3A_410 = arith.constant 2 : i32
            %add3A_411 = arith.addi %mul3A_409, %add3A_410 : i32
            %get3A_412 = arith.index_cast %squeeze3A_311 : i32 to index
            %get3A_413 = arith.constant 0 : index
            %get3A_414 = tpu.vector_load %arg10[%get3A_412, %get3A_413] {strides = array<i32>} : memref<4x64xf32, #tpu.memory_space<vmem>>, vector<1x16xf32>,
            %get3A_415 = vector.shape_cast %get3A_414 : vector<1x16xf32> to vector<16xf32>
            %swap3A = arith.index_cast %add3A_411 : i32 to index
            %swap3A_416 = arith.constant 0 : index
            %swap3A_417 = tpu.vector_load %arg9[%swap3A, %swap3A_416] {strides = array<i32>} : memref<640x64xf32, #tpu.memory_space<vmem>>, vector<1x16xf32>,
            %swap3A_418 = vector.shape_cast %swap3A_417 : vector<1x16xf32> to vector<16xf32>
            %swap3A_419 = vector.shape_cast %get3A_415 : vector<16xf32> to vector<1x16xf32>
            tpu.vector_store %arg9[%swap3A, %swap3A_416], %swap3A_419 {strides = array<i32>} : memref<640x64xf32, #tpu.memory_space<vmem>>, vector<1x16xf32>,
            %get3A_420 = arith.index_cast %squeeze3A_311 : i32 to index
            %get3A_421 = arith.constant 16 : index
            %get3A_422 = tpu.vector_load %arg10[%get3A_420, %get3A_421] {strides = array<i32>} : memref<4x64xf32, #tpu.memory_space<vmem>>, vector<1x16xf32>,
            %get3A_423 = vector.shape_cast %get3A_422 : vector<1x16xf32> to vector<16xf32>
            %swap3A_424 = arith.index_cast %add3A_411 : i32 to index
            %swap3A_425 = arith.constant 16 : index
            %swap3A_426 = tpu.vector_load %arg9[%swap3A_424, %swap3A_425] {strides = array<i32>} : memref<640x64xf32, #tpu.memory_space<vmem>>, vector<1x16xf32>,
            %swap3A_427 = vector.shape_cast %swap3A_426 : vector<1x16xf32> to vector<16xf32>
            %swap3A_428 = vector.shape_cast %get3A_423 : vector<16xf32> to vector<1x16xf32>
            tpu.vector_store %arg9[%swap3A_424, %swap3A_425], %swap3A_428 {strides = array<i32>} : memref<640x64xf32, #tpu.memory_space<vmem>>, vector<1x16xf32>,
            %get3A_429 = arith.index_cast %squeeze3A_311 : i32 to index
            %get3A_430 = arith.constant 32 : index
            %get3A_431 = tpu.vector_load %arg10[%get3A_429, %get3A_430] {strides = array<i32>} : memref<4x64xf32, #tpu.memory_space<vmem>>, vector<1x16xf32>,
            %get3A_432 = vector.shape_cast %get3A_431 : vector<1x16xf32> to vector<16xf32>
            %swap3A_433 = arith.index_cast %add3A_411 : i32 to index
            %swap3A_434 = arith.constant 32 : index
            %swap3A_435 = tpu.vector_load %arg9[%swap3A_433, %swap3A_434] {strides = array<i32>} : memref<640x64xf32, #tpu.memory_space<vmem>>, vector<1x16xf32>,
            %swap3A_436 = vector.shape_cast %swap3A_435 : vector<1x16xf32> to vector<16xf32>
            %swap3A_437 = vector.shape_cast %get3A_432 : vector<16xf32> to vector<1x16xf32>
            tpu.vector_store %arg9[%swap3A_433, %swap3A_434], %swap3A_437 {strides = array<i32>} : memref<640x64xf32, #tpu.memory_space<vmem>>, vector<1x16xf32>,
            %get3A_438 = arith.index_cast %squeeze3A_311 : i32 to index
            %get3A_439 = arith.constant 48 : index
            %get3A_440 = tpu.vector_load %arg10[%get3A_438, %get3A_439] {strides = array<i32>} : memref<4x64xf32, #tpu.memory_space<vmem>>, vector<1x16xf32>,
            %get3A_441 = vector.shape_cast %get3A_440 : vector<1x16xf32> to vector<16xf32>
            %swap3A_442 = arith.index_cast %add3A_411 : i32 to index
            %swap3A_443 = arith.constant 48 : index
            %swap3A_444 = tpu.vector_load %arg9[%swap3A_442, %swap3A_443] {strides = array<i32>} : memref<640x64xf32, #tpu.memory_space<vmem>>, vector<1x16xf32>,
            %swap3A_445 = vector.shape_cast %swap3A_444 : vector<1x16xf32> to vector<16xf32>
            %swap3A_446 = vector.shape_cast %get3A_441 : vector<16xf32> to vector<1x16xf32>
            tpu.vector_store %arg9[%swap3A_442, %swap3A_443], %swap3A_446 {strides = array<i32>} : memref<640x64xf32, #tpu.memory_space<vmem>>, vector<1x16xf32>,
          } else {
          }
          %slice3A_317 = vector.extract_strided_slice %get3A_295 {offsets = [3], sizes = [1], strides = [1]} : vector<16xi32> to vector<1xi32>
          %squeeze3A_318 = vector.extract %slice3A_317[0] : i32 from vector<1xi32>
          %lt3A_319 = arith.constant 3 : i32
          %lt3A_320 = arith.cmpi slt, %squeeze3A_318, %lt3A_319 : i32
          %convert_element_type3A_321 = arith.extui %lt3A_320 : i1 to i32
          %cond3A_322 = arith.constant 0 : i32
          %cond3A_323 = arith.cmpi ne, %convert_element_type3A_321, %cond3A_322 : i32
          scf.if %cond3A_323 {
            %mul3A_408 = arith.constant 16 : i32
            %mul3A_409 = arith.muli %scan3A_291, %mul3A_408 : i32
            %add3A_410 = arith.constant 3 : i32
            %add3A_411 = arith.addi %mul3A_409, %add3A_410 : i32
            %get3A_412 = arith.index_cast %squeeze3A_318 : i32 to index
            %get3A_413 = arith.constant 0 : index
            %get3A_414 = tpu.vector_load %arg10[%get3A_412, %get3A_413] {strides = array<i32>} : memref<4x64xf32, #tpu.memory_space<vmem>>, vector<1x16xf32>,
            %get3A_415 = vector.shape_cast %get3A_414 : vector<1x16xf32> to vector<16xf32>
            %swap3A = arith.index_cast %add3A_411 : i32 to index
            %swap3A_416 = arith.constant 0 : index
            %swap3A_417 = tpu.vector_load %arg9[%swap3A, %swap3A_416] {strides = array<i32>} : memref<640x64xf32, #tpu.memory_space<vmem>>, vector<1x16xf32>,
            %swap3A_418 = vector.shape_cast %swap3A_417 : vector<1x16xf32> to vector<16xf32>
            %swap3A_419 = vector.shape_cast %get3A_415 : vector<16xf32> to vector<1x16xf32>
            tpu.vector_store %arg9[%swap3A, %swap3A_416], %swap3A_419 {strides = array<i32>} : memref<640x64xf32, #tpu.memory_space<vmem>>, vector<1x16xf32>,
            %get3A_420 = arith.index_cast %squeeze3A_318 : i32 to index
            %get3A_421 = arith.constant 16 : index
            %get3A_422 = tpu.vector_load %arg10[%get3A_420, %get3A_421] {strides = array<i32>} : memref<4x64xf32, #tpu.memory_space<vmem>>, vector<1x16xf32>,
            %get3A_423 = vector.shape_cast %get3A_422 : vector<1x16xf32> to vector<16xf32>
            %swap3A_424 = arith.index_cast %add3A_411 : i32 to index
            %swap3A_425 = arith.constant 16 : index
            %swap3A_426 = tpu.vector_load %arg9[%swap3A_424, %swap3A_425] {strides = array<i32>} : memref<640x64xf32, #tpu.memory_space<vmem>>, vector<1x16xf32>,
            %swap3A_427 = vector.shape_cast %swap3A_426 : vector<1x16xf32> to vector<16xf32>
            %swap3A_428 = vector.shape_cast %get3A_423 : vector<16xf32> to vector<1x16xf32>
            tpu.vector_store %arg9[%swap3A_424, %swap3A_425], %swap3A_428 {strides = array<i32>} : memref<640x64xf32, #tpu.memory_space<vmem>>, vector<1x16xf32>,
            %get3A_429 = arith.index_cast %squeeze3A_318 : i32 to index
            %get3A_430 = arith.constant 32 : index
            %get3A_431 = tpu.vector_load %arg10[%get3A_429, %get3A_430] {strides = array<i32>} : memref<4x64xf32, #tpu.memory_space<vmem>>, vector<1x16xf32>,
            %get3A_432 = vector.shape_cast %get3A_431 : vector<1x16xf32> to vector<16xf32>
            %swap3A_433 = arith.index_cast %add3A_411 : i32 to index
            %swap3A_434 = arith.constant 32 : index
            %swap3A_435 = tpu.vector_load %arg9[%swap3A_433, %swap3A_434] {strides = array<i32>} : memref<640x64xf32, #tpu.memory_space<vmem>>, vector<1x16xf32>,
            %swap3A_436 = vector.shape_cast %swap3A_435 : vector<1x16xf32> to vector<16xf32>
            %swap3A_437 = vector.shape_cast %get3A_432 : vector<16xf32> to vector<1x16xf32>
            tpu.vector_store %arg9[%swap3A_433, %swap3A_434], %swap3A_437 {strides = array<i32>} : memref<640x64xf32, #tpu.memory_space<vmem>>, vector<1x16xf32>,
            %get3A_438 = arith.index_cast %squeeze3A_318 : i32 to index
            %get3A_439 = arith.constant 48 : index
            %get3A_440 = tpu.vector_load %arg10[%get3A_438, %get3A_439] {strides = array<i32>} : memref<4x64xf32, #tpu.memory_space<vmem>>, vector<1x16xf32>,
            %get3A_441 = vector.shape_cast %get3A_440 : vector<1x16xf32> to vector<16xf32>
            %swap3A_442 = arith.index_cast %add3A_411 : i32 to index
            %swap3A_443 = arith.constant 48 : index
            %swap3A_444 = tpu.vector_load %arg9[%swap3A_442, %swap3A_443] {strides = array<i32>} : memref<640x64xf32, #tpu.memory_space<vmem>>, vector<1x16xf32>,
            %swap3A_445 = vector.shape_cast %swap3A_444 : vector<1x16xf32> to vector<16xf32>
            %swap3A_446 = vector.shape_cast %get3A_441 : vector<16xf32> to vector<1x16xf32>
            tpu.vector_store %arg9[%swap3A_442, %swap3A_443], %swap3A_446 {strides = array<i32>} : memref<640x64xf32, #tpu.memory_space<vmem>>, vector<1x16xf32>,
          } else {
          }
          %slice3A_324 = vector.extract_strided_slice %get3A_295 {offsets = [4], sizes = [1], strides = [1]} : vector<16xi32> to vector<1xi32>
          %squeeze3A_325 = vector.extract %slice3A_324[0] : i32 from vector<1xi32>
          %lt3A_326 = arith.constant 3 : i32
          %lt3A_327 = arith.cmpi slt, %squeeze3A_325, %lt3A_326 : i32
          %convert_element_type3A_328 = arith.extui %lt3A_327 : i1 to i32
          %cond3A_329 = arith.constant 0 : i32
          %cond3A_330 = arith.cmpi ne, %convert_element_type3A_328, %cond3A_329 : i32
          scf.if %cond3A_330 {
            %mul3A_408 = arith.constant 16 : i32
            %mul3A_409 = arith.muli %scan3A_291, %mul3A_408 : i32
            %add3A_410 = arith.constant 4 : i32
            %add3A_411 = arith.addi %mul3A_409, %add3A_410 : i32
            %get3A_412 = arith.index_cast %squeeze3A_325 : i32 to index
            %get3A_413 = arith.constant 0 : index
            %get3A_414 = tpu.vector_load %arg10[%get3A_412, %get3A_413] {strides = array<i32>} : memref<4x64xf32, #tpu.memory_space<vmem>>, vector<1x16xf32>,
            %get3A_415 = vector.shape_cast %get3A_414 : vector<1x16xf32> to vector<16xf32>
            %swap3A = arith.index_cast %add3A_411 : i32 to index
            %swap3A_416 = arith.constant 0 : index
            %swap3A_417 = tpu.vector_load %arg9[%swap3A, %swap3A_416] {strides = array<i32>} : memref<640x64xf32, #tpu.memory_space<vmem>>, vector<1x16xf32>,
            %swap3A_418 = vector.shape_cast %swap3A_417 : vector<1x16xf32> to vector<16xf32>
            %swap3A_419 = vector.shape_cast %get3A_415 : vector<16xf32> to vector<1x16xf32>
            tpu.vector_store %arg9[%swap3A, %swap3A_416], %swap3A_419 {strides = array<i32>} : memref<640x64xf32, #tpu.memory_space<vmem>>, vector<1x16xf32>,
            %get3A_420 = arith.index_cast %squeeze3A_325 : i32 to index
            %get3A_421 = arith.constant 16 : index
            %get3A_422 = tpu.vector_load %arg10[%get3A_420, %get3A_421] {strides = array<i32>} : memref<4x64xf32, #tpu.memory_space<vmem>>, vector<1x16xf32>,
            %get3A_423 = vector.shape_cast %get3A_422 : vector<1x16xf32> to vector<16xf32>
            %swap3A_424 = arith.index_cast %add3A_411 : i32 to index
            %swap3A_425 = arith.constant 16 : index
            %swap3A_426 = tpu.vector_load %arg9[%swap3A_424, %swap3A_425] {strides = array<i32>} : memref<640x64xf32, #tpu.memory_space<vmem>>, vector<1x16xf32>,
            %swap3A_427 = vector.shape_cast %swap3A_426 : vector<1x16xf32> to vector<16xf32>
            %swap3A_428 = vector.shape_cast %get3A_423 : vector<16xf32> to vector<1x16xf32>
            tpu.vector_store %arg9[%swap3A_424, %swap3A_425], %swap3A_428 {strides = array<i32>} : memref<640x64xf32, #tpu.memory_space<vmem>>, vector<1x16xf32>,
            %get3A_429 = arith.index_cast %squeeze3A_325 : i32 to index
            %get3A_430 = arith.constant 32 : index
            %get3A_431 = tpu.vector_load %arg10[%get3A_429, %get3A_430] {strides = array<i32>} : memref<4x64xf32, #tpu.memory_space<vmem>>, vector<1x16xf32>,
            %get3A_432 = vector.shape_cast %get3A_431 : vector<1x16xf32> to vector<16xf32>
            %swap3A_433 = arith.index_cast %add3A_411 : i32 to index
            %swap3A_434 = arith.constant 32 : index
            %swap3A_435 = tpu.vector_load %arg9[%swap3A_433, %swap3A_434] {strides = array<i32>} : memref<640x64xf32, #tpu.memory_space<vmem>>, vector<1x16xf32>,
            %swap3A_436 = vector.shape_cast %swap3A_435 : vector<1x16xf32> to vector<16xf32>
            %swap3A_437 = vector.shape_cast %get3A_432 : vector<16xf32> to vector<1x16xf32>
            tpu.vector_store %arg9[%swap3A_433, %swap3A_434], %swap3A_437 {strides = array<i32>} : memref<640x64xf32, #tpu.memory_space<vmem>>, vector<1x16xf32>,
            %get3A_438 = arith.index_cast %squeeze3A_325 : i32 to index
            %get3A_439 = arith.constant 48 : index
            %get3A_440 = tpu.vector_load %arg10[%get3A_438, %get3A_439] {strides = array<i32>} : memref<4x64xf32, #tpu.memory_space<vmem>>, vector<1x16xf32>,
            %get3A_441 = vector.shape_cast %get3A_440 : vector<1x16xf32> to vector<16xf32>
            %swap3A_442 = arith.index_cast %add3A_411 : i32 to index
            %swap3A_443 = arith.constant 48 : index
            %swap3A_444 = tpu.vector_load %arg9[%swap3A_442, %swap3A_443] {strides = array<i32>} : memref<640x64xf32, #tpu.memory_space<vmem>>, vector<1x16xf32>,
            %swap3A_445 = vector.shape_cast %swap3A_444 : vector<1x16xf32> to vector<16xf32>
            %swap3A_446 = vector.shape_cast %get3A_441 : vector<16xf32> to vector<1x16xf32>
            tpu.vector_store %arg9[%swap3A_442, %swap3A_443], %swap3A_446 {strides = array<i32>} : memref<640x64xf32, #tpu.memory_space<vmem>>, vector<1x16xf32>,
          } else {
          }
          %slice3A_331 = vector.extract_strided_slice %get3A_295 {offsets = [5], sizes = [1], strides = [1]} : vector<16xi32> to vector<1xi32>
          %squeeze3A_332 = vector.extract %slice3A_331[0] : i32 from vector<1xi32>
          %lt3A_333 = arith.constant 3 : i32
          %lt3A_334 = arith.cmpi slt, %squeeze3A_332, %lt3A_333 : i32
          %convert_element_type3A_335 = arith.extui %lt3A_334 : i1 to i32
          %cond3A_336 = arith.constant 0 : i32
          %cond3A_337 = arith.cmpi ne, %convert_element_type3A_335, %cond3A_336 : i32
          scf.if %cond3A_337 {
            %mul3A_408 = arith.constant 16 : i32
            %mul3A_409 = arith.muli %scan3A_291, %mul3A_408 : i32
            %add3A_410 = arith.constant 5 : i32
            %add3A_411 = arith.addi %mul3A_409, %add3A_410 : i32
            %get3A_412 = arith.index_cast %squeeze3A_332 : i32 to index
            %get3A_413 = arith.constant 0 : index
            %get3A_414 = tpu.vector_load %arg10[%get3A_412, %get3A_413] {strides = array<i32>} : memref<4x64xf32, #tpu.memory_space<vmem>>, vector<1x16xf32>,
            %get3A_415 = vector.shape_cast %get3A_414 : vector<1x16xf32> to vector<16xf32>
            %swap3A = arith.index_cast %add3A_411 : i32 to index
            %swap3A_416 = arith.constant 0 : index
            %swap3A_417 = tpu.vector_load %arg9[%swap3A, %swap3A_416] {strides = array<i32>} : memref<640x64xf32, #tpu.memory_space<vmem>>, vector<1x16xf32>,
            %swap3A_418 = vector.shape_cast %swap3A_417 : vector<1x16xf32> to vector<16xf32>
            %swap3A_419 = vector.shape_cast %get3A_415 : vector<16xf32> to vector<1x16xf32>
            tpu.vector_store %arg9[%swap3A, %swap3A_416], %swap3A_419 {strides = array<i32>} : memref<640x64xf32, #tpu.memory_space<vmem>>, vector<1x16xf32>,
            %get3A_420 = arith.index_cast %squeeze3A_332 : i32 to index
            %get3A_421 = arith.constant 16 : index
            %get3A_422 = tpu.vector_load %arg10[%get3A_420, %get3A_421] {strides = array<i32>} : memref<4x64xf32, #tpu.memory_space<vmem>>, vector<1x16xf32>,
            %get3A_423 = vector.shape_cast %get3A_422 : vector<1x16xf32> to vector<16xf32>
            %swap3A_424 = arith.index_cast %add3A_411 : i32 to index
            %swap3A_425 = arith.constant 16 : index
            %swap3A_426 = tpu.vector_load %arg9[%swap3A_424, %swap3A_425] {strides = array<i32>} : memref<640x64xf32, #tpu.memory_space<vmem>>, vector<1x16xf32>,
            %swap3A_427 = vector.shape_cast %swap3A_426 : vector<1x16xf32> to vector<16xf32>
            %swap3A_428 = vector.shape_cast %get3A_423 : vector<16xf32> to vector<1x16xf32>
            tpu.vector_store %arg9[%swap3A_424, %swap3A_425], %swap3A_428 {strides = array<i32>} : memref<640x64xf32, #tpu.memory_space<vmem>>, vector<1x16xf32>,
            %get3A_429 = arith.index_cast %squeeze3A_332 : i32 to index
            %get3A_430 = arith.constant 32 : index
            %get3A_431 = tpu.vector_load %arg10[%get3A_429, %get3A_430] {strides = array<i32>} : memref<4x64xf32, #tpu.memory_space<vmem>>, vector<1x16xf32>,
            %get3A_432 = vector.shape_cast %get3A_431 : vector<1x16xf32> to vector<16xf32>
            %swap3A_433 = arith.index_cast %add3A_411 : i32 to index
            %swap3A_434 = arith.constant 32 : index
            %swap3A_435 = tpu.vector_load %arg9[%swap3A_433, %swap3A_434] {strides = array<i32>} : memref<640x64xf32, #tpu.memory_space<vmem>>, vector<1x16xf32>,
            %swap3A_436 = vector.shape_cast %swap3A_435 : vector<1x16xf32> to vector<16xf32>
            %swap3A_437 = vector.shape_cast %get3A_432 : vector<16xf32> to vector<1x16xf32>
            tpu.vector_store %arg9[%swap3A_433, %swap3A_434], %swap3A_437 {strides = array<i32>} : memref<640x64xf32, #tpu.memory_space<vmem>>, vector<1x16xf32>,
            %get3A_438 = arith.index_cast %squeeze3A_332 : i32 to index
            %get3A_439 = arith.constant 48 : index
            %get3A_440 = tpu.vector_load %arg10[%get3A_438, %get3A_439] {strides = array<i32>} : memref<4x64xf32, #tpu.memory_space<vmem>>, vector<1x16xf32>,
            %get3A_441 = vector.shape_cast %get3A_440 : vector<1x16xf32> to vector<16xf32>
            %swap3A_442 = arith.index_cast %add3A_411 : i32 to index
            %swap3A_443 = arith.constant 48 : index
            %swap3A_444 = tpu.vector_load %arg9[%swap3A_442, %swap3A_443] {strides = array<i32>} : memref<640x64xf32, #tpu.memory_space<vmem>>, vector<1x16xf32>,
            %swap3A_445 = vector.shape_cast %swap3A_444 : vector<1x16xf32> to vector<16xf32>
            %swap3A_446 = vector.shape_cast %get3A_441 : vector<16xf32> to vector<1x16xf32>
            tpu.vector_store %arg9[%swap3A_442, %swap3A_443], %swap3A_446 {strides = array<i32>} : memref<640x64xf32, #tpu.memory_space<vmem>>, vector<1x16xf32>,
          } else {
          }
          %slice3A_338 = vector.extract_strided_slice %get3A_295 {offsets = [6], sizes = [1], strides = [1]} : vector<16xi32> to vector<1xi32>
          %squeeze3A_339 = vector.extract %slice3A_338[0] : i32 from vector<1xi32>
          %lt3A_340 = arith.constant 3 : i32
          %lt3A_341 = arith.cmpi slt, %squeeze3A_339, %lt3A_340 : i32
          %convert_element_type3A_342 = arith.extui %lt3A_341 : i1 to i32
          %cond3A_343 = arith.constant 0 : i32
          %cond3A_344 = arith.cmpi ne, %convert_element_type3A_342, %cond3A_343 : i32
          scf.if %cond3A_344 {
            %mul3A_408 = arith.constant 16 : i32
            %mul3A_409 = arith.muli %scan3A_291, %mul3A_408 : i32
            %add3A_410 = arith.constant 6 : i32
            %add3A_411 = arith.addi %mul3A_409, %add3A_410 : i32
            %get3A_412 = arith.index_cast %squeeze3A_339 : i32 to index
            %get3A_413 = arith.constant 0 : index
            %get3A_414 = tpu.vector_load %arg10[%get3A_412, %get3A_413] {strides = array<i32>} : memref<4x64xf32, #tpu.memory_space<vmem>>, vector<1x16xf32>,
            %get3A_415 = vector.shape_cast %get3A_414 : vector<1x16xf32> to vector<16xf32>
            %swap3A = arith.index_cast %add3A_411 : i32 to index
            %swap3A_416 = arith.constant 0 : index
            %swap3A_417 = tpu.vector_load %arg9[%swap3A, %swap3A_416] {strides = array<i32>} : memref<640x64xf32, #tpu.memory_space<vmem>>, vector<1x16xf32>,
            %swap3A_418 = vector.shape_cast %swap3A_417 : vector<1x16xf32> to vector<16xf32>
            %swap3A_419 = vector.shape_cast %get3A_415 : vector<16xf32> to vector<1x16xf32>
            tpu.vector_store %arg9[%swap3A, %swap3A_416], %swap3A_419 {strides = array<i32>} : memref<640x64xf32, #tpu.memory_space<vmem>>, vector<1x16xf32>,
            %get3A_420 = arith.index_cast %squeeze3A_339 : i32 to index
            %get3A_421 = arith.constant 16 : index
            %get3A_422 = tpu.vector_load %arg10[%get3A_420, %get3A_421] {strides = array<i32>} : memref<4x64xf32, #tpu.memory_space<vmem>>, vector<1x16xf32>,
            %get3A_423 = vector.shape_cast %get3A_422 : vector<1x16xf32> to vector<16xf32>
            %swap3A_424 = arith.index_cast %add3A_411 : i32 to index
            %swap3A_425 = arith.constant 16 : index
            %swap3A_426 = tpu.vector_load %arg9[%swap3A_424, %swap3A_425] {strides = array<i32>} : memref<640x64xf32, #tpu.memory_space<vmem>>, vector<1x16xf32>,
            %swap3A_427 = vector.shape_cast %swap3A_426 : vector<1x16xf32> to vector<16xf32>
            %swap3A_428 = vector.shape_cast %get3A_423 : vector<16xf32> to vector<1x16xf32>
            tpu.vector_store %arg9[%swap3A_424, %swap3A_425], %swap3A_428 {strides = array<i32>} : memref<640x64xf32, #tpu.memory_space<vmem>>, vector<1x16xf32>,
            %get3A_429 = arith.index_cast %squeeze3A_339 : i32 to index
            %get3A_430 = arith.constant 32 : index
            %get3A_431 = tpu.vector_load %arg10[%get3A_429, %get3A_430] {strides = array<i32>} : memref<4x64xf32, #tpu.memory_space<vmem>>, vector<1x16xf32>,
            %get3A_432 = vector.shape_cast %get3A_431 : vector<1x16xf32> to vector<16xf32>
            %swap3A_433 = arith.index_cast %add3A_411 : i32 to index
            %swap3A_434 = arith.constant 32 : index
            %swap3A_435 = tpu.vector_load %arg9[%swap3A_433, %swap3A_434] {strides = array<i32>} : memref<640x64xf32, #tpu.memory_space<vmem>>, vector<1x16xf32>,
            %swap3A_436 = vector.shape_cast %swap3A_435 : vector<1x16xf32> to vector<16xf32>
            %swap3A_437 = vector.shape_cast %get3A_432 : vector<16xf32> to vector<1x16xf32>
            tpu.vector_store %arg9[%swap3A_433, %swap3A_434], %swap3A_437 {strides = array<i32>} : memref<640x64xf32, #tpu.memory_space<vmem>>, vector<1x16xf32>,
            %get3A_438 = arith.index_cast %squeeze3A_339 : i32 to index
            %get3A_439 = arith.constant 48 : index
            %get3A_440 = tpu.vector_load %arg10[%get3A_438, %get3A_439] {strides = array<i32>} : memref<4x64xf32, #tpu.memory_space<vmem>>, vector<1x16xf32>,
            %get3A_441 = vector.shape_cast %get3A_440 : vector<1x16xf32> to vector<16xf32>
            %swap3A_442 = arith.index_cast %add3A_411 : i32 to index
            %swap3A_443 = arith.constant 48 : index
            %swap3A_444 = tpu.vector_load %arg9[%swap3A_442, %swap3A_443] {strides = array<i32>} : memref<640x64xf32, #tpu.memory_space<vmem>>, vector<1x16xf32>,
            %swap3A_445 = vector.shape_cast %swap3A_444 : vector<1x16xf32> to vector<16xf32>
            %swap3A_446 = vector.shape_cast %get3A_441 : vector<16xf32> to vector<1x16xf32>
            tpu.vector_store %arg9[%swap3A_442, %swap3A_443], %swap3A_446 {strides = array<i32>} : memref<640x64xf32, #tpu.memory_space<vmem>>, vector<1x16xf32>,
          } else {
          }
          %slice3A_345 = vector.extract_strided_slice %get3A_295 {offsets = [7], sizes = [1], strides = [1]} : vector<16xi32> to vector<1xi32>
          %squeeze3A_346 = vector.extract %slice3A_345[0] : i32 from vector<1xi32>
          %lt3A_347 = arith.constant 3 : i32
          %lt3A_348 = arith.cmpi slt, %squeeze3A_346, %lt3A_347 : i32
          %convert_element_type3A_349 = arith.extui %lt3A_348 : i1 to i32
          %cond3A_350 = arith.constant 0 : i32
          %cond3A_351 = arith.cmpi ne, %convert_element_type3A_349, %cond3A_350 : i32
          scf.if %cond3A_351 {
            %mul3A_408 = arith.constant 16 : i32
            %mul3A_409 = arith.muli %scan3A_291, %mul3A_408 : i32
            %add3A_410 = arith.constant 7 : i32
            %add3A_411 = arith.addi %mul3A_409, %add3A_410 : i32
            %get3A_412 = arith.index_cast %squeeze3A_346 : i32 to index
            %get3A_413 = arith.constant 0 : index
            %get3A_414 = tpu.vector_load %arg10[%get3A_412, %get3A_413] {strides = array<i32>} : memref<4x64xf32, #tpu.memory_space<vmem>>, vector<1x16xf32>,
            %get3A_415 = vector.shape_cast %get3A_414 : vector<1x16xf32> to vector<16xf32>
            %swap3A = arith.index_cast %add3A_411 : i32 to index
            %swap3A_416 = arith.constant 0 : index
            %swap3A_417 = tpu.vector_load %arg9[%swap3A, %swap3A_416] {strides = array<i32>} : memref<640x64xf32, #tpu.memory_space<vmem>>, vector<1x16xf32>,
            %swap3A_418 = vector.shape_cast %swap3A_417 : vector<1x16xf32> to vector<16xf32>
            %swap3A_419 = vector.shape_cast %get3A_415 : vector<16xf32> to vector<1x16xf32>
            tpu.vector_store %arg9[%swap3A, %swap3A_416], %swap3A_419 {strides = array<i32>} : memref<640x64xf32, #tpu.memory_space<vmem>>, vector<1x16xf32>,
            %get3A_420 = arith.index_cast %squeeze3A_346 : i32 to index
            %get3A_421 = arith.constant 16 : index
            %get3A_422 = tpu.vector_load %arg10[%get3A_420, %get3A_421] {strides = array<i32>} : memref<4x64xf32, #tpu.memory_space<vmem>>, vector<1x16xf32>,
            %get3A_423 = vector.shape_cast %get3A_422 : vector<1x16xf32> to vector<16xf32>
            %swap3A_424 = arith.index_cast %add3A_411 : i32 to index
            %swap3A_425 = arith.constant 16 : index
            %swap3A_426 = tpu.vector_load %arg9[%swap3A_424, %swap3A_425] {strides = array<i32>} : memref<640x64xf32, #tpu.memory_space<vmem>>, vector<1x16xf32>,
            %swap3A_427 = vector.shape_cast %swap3A_426 : vector<1x16xf32> to vector<16xf32>
            %swap3A_428 = vector.shape_cast %get3A_423 : vector<16xf32> to vector<1x16xf32>
            tpu.vector_store %arg9[%swap3A_424, %swap3A_425], %swap3A_428 {strides = array<i32>} : memref<640x64xf32, #tpu.memory_space<vmem>>, vector<1x16xf32>,
            %get3A_429 = arith.index_cast %squeeze3A_346 : i32 to index
            %get3A_430 = arith.constant 32 : index
            %get3A_431 = tpu.vector_load %arg10[%get3A_429, %get3A_430] {strides = array<i32>} : memref<4x64xf32, #tpu.memory_space<vmem>>, vector<1x16xf32>,
            %get3A_432 = vector.shape_cast %get3A_431 : vector<1x16xf32> to vector<16xf32>
            %swap3A_433 = arith.index_cast %add3A_411 : i32 to index
            %swap3A_434 = arith.constant 32 : index
            %swap3A_435 = tpu.vector_load %arg9[%swap3A_433, %swap3A_434] {strides = array<i32>} : memref<640x64xf32, #tpu.memory_space<vmem>>, vector<1x16xf32>,
            %swap3A_436 = vector.shape_cast %swap3A_435 : vector<1x16xf32> to vector<16xf32>
            %swap3A_437 = vector.shape_cast %get3A_432 : vector<16xf32> to vector<1x16xf32>
            tpu.vector_store %arg9[%swap3A_433, %swap3A_434], %swap3A_437 {strides = array<i32>} : memref<640x64xf32, #tpu.memory_space<vmem>>, vector<1x16xf32>,
            %get3A_438 = arith.index_cast %squeeze3A_346 : i32 to index
            %get3A_439 = arith.constant 48 : index
            %get3A_440 = tpu.vector_load %arg10[%get3A_438, %get3A_439] {strides = array<i32>} : memref<4x64xf32, #tpu.memory_space<vmem>>, vector<1x16xf32>,
            %get3A_441 = vector.shape_cast %get3A_440 : vector<1x16xf32> to vector<16xf32>
            %swap3A_442 = arith.index_cast %add3A_411 : i32 to index
            %swap3A_443 = arith.constant 48 : index
            %swap3A_444 = tpu.vector_load %arg9[%swap3A_442, %swap3A_443] {strides = array<i32>} : memref<640x64xf32, #tpu.memory_space<vmem>>, vector<1x16xf32>,
            %swap3A_445 = vector.shape_cast %swap3A_444 : vector<1x16xf32> to vector<16xf32>
            %swap3A_446 = vector.shape_cast %get3A_441 : vector<16xf32> to vector<1x16xf32>
            tpu.vector_store %arg9[%swap3A_442, %swap3A_443], %swap3A_446 {strides = array<i32>} : memref<640x64xf32, #tpu.memory_space<vmem>>, vector<1x16xf32>,
          } else {
          }
          %slice3A_352 = vector.extract_strided_slice %get3A_295 {offsets = [8], sizes = [1], strides = [1]} : vector<16xi32> to vector<1xi32>
          %squeeze3A_353 = vector.extract %slice3A_352[0] : i32 from vector<1xi32>
          %lt3A_354 = arith.constant 3 : i32
          %lt3A_355 = arith.cmpi slt, %squeeze3A_353, %lt3A_354 : i32
          %convert_element_type3A_356 = arith.extui %lt3A_355 : i1 to i32
          %cond3A_357 = arith.constant 0 : i32
          %cond3A_358 = arith.cmpi ne, %convert_element_type3A_356, %cond3A_357 : i32
          scf.if %cond3A_358 {
            %mul3A_408 = arith.constant 16 : i32
            %mul3A_409 = arith.muli %scan3A_291, %mul3A_408 : i32
            %add3A_410 = arith.constant 8 : i32
            %add3A_411 = arith.addi %mul3A_409, %add3A_410 : i32
            %get3A_412 = arith.index_cast %squeeze3A_353 : i32 to index
            %get3A_413 = arith.constant 0 : index
            %get3A_414 = tpu.vector_load %arg10[%get3A_412, %get3A_413] {strides = array<i32>} : memref<4x64xf32, #tpu.memory_space<vmem>>, vector<1x16xf32>,
            %get3A_415 = vector.shape_cast %get3A_414 : vector<1x16xf32> to vector<16xf32>
            %swap3A = arith.index_cast %add3A_411 : i32 to index
            %swap3A_416 = arith.constant 0 : index
            %swap3A_417 = tpu.vector_load %arg9[%swap3A, %swap3A_416] {strides = array<i32>} : memref<640x64xf32, #tpu.memory_space<vmem>>, vector<1x16xf32>,
            %swap3A_418 = vector.shape_cast %swap3A_417 : vector<1x16xf32> to vector<16xf32>
            %swap3A_419 = vector.shape_cast %get3A_415 : vector<16xf32> to vector<1x16xf32>
            tpu.vector_store %arg9[%swap3A, %swap3A_416], %swap3A_419 {strides = array<i32>} : memref<640x64xf32, #tpu.memory_space<vmem>>, vector<1x16xf32>,
            %get3A_420 = arith.index_cast %squeeze3A_353 : i32 to index
            %get3A_421 = arith.constant 16 : index
            %get3A_422 = tpu.vector_load %arg10[%get3A_420, %get3A_421] {strides = array<i32>} : memref<4x64xf32, #tpu.memory_space<vmem>>, vector<1x16xf32>,
            %get3A_423 = vector.shape_cast %get3A_422 : vector<1x16xf32> to vector<16xf32>
            %swap3A_424 = arith.index_cast %add3A_411 : i32 to index
            %swap3A_425 = arith.constant 16 : index
            %swap3A_426 = tpu.vector_load %arg9[%swap3A_424, %swap3A_425] {strides = array<i32>} : memref<640x64xf32, #tpu.memory_space<vmem>>, vector<1x16xf32>,
            %swap3A_427 = vector.shape_cast %swap3A_426 : vector<1x16xf32> to vector<16xf32>
            %swap3A_428 = vector.shape_cast %get3A_423 : vector<16xf32> to vector<1x16xf32>
            tpu.vector_store %arg9[%swap3A_424, %swap3A_425], %swap3A_428 {strides = array<i32>} : memref<640x64xf32, #tpu.memory_space<vmem>>, vector<1x16xf32>,
            %get3A_429 = arith.index_cast %squeeze3A_353 : i32 to index
            %get3A_430 = arith.constant 32 : index
            %get3A_431 = tpu.vector_load %arg10[%get3A_429, %get3A_430] {strides = array<i32>} : memref<4x64xf32, #tpu.memory_space<vmem>>, vector<1x16xf32>,
            %get3A_432 = vector.shape_cast %get3A_431 : vector<1x16xf32> to vector<16xf32>
            %swap3A_433 = arith.index_cast %add3A_411 : i32 to index
            %swap3A_434 = arith.constant 32 : index
            %swap3A_435 = tpu.vector_load %arg9[%swap3A_433, %swap3A_434] {strides = array<i32>} : memref<640x64xf32, #tpu.memory_space<vmem>>, vector<1x16xf32>,
            %swap3A_436 = vector.shape_cast %swap3A_435 : vector<1x16xf32> to vector<16xf32>
            %swap3A_437 = vector.shape_cast %get3A_432 : vector<16xf32> to vector<1x16xf32>
            tpu.vector_store %arg9[%swap3A_433, %swap3A_434], %swap3A_437 {strides = array<i32>} : memref<640x64xf32, #tpu.memory_space<vmem>>, vector<1x16xf32>,
            %get3A_438 = arith.index_cast %squeeze3A_353 : i32 to index
            %get3A_439 = arith.constant 48 : index
            %get3A_440 = tpu.vector_load %arg10[%get3A_438, %get3A_439] {strides = array<i32>} : memref<4x64xf32, #tpu.memory_space<vmem>>, vector<1x16xf32>,
            %get3A_441 = vector.shape_cast %get3A_440 : vector<1x16xf32> to vector<16xf32>
            %swap3A_442 = arith.index_cast %add3A_411 : i32 to index
            %swap3A_443 = arith.constant 48 : index
            %swap3A_444 = tpu.vector_load %arg9[%swap3A_442, %swap3A_443] {strides = array<i32>} : memref<640x64xf32, #tpu.memory_space<vmem>>, vector<1x16xf32>,
            %swap3A_445 = vector.shape_cast %swap3A_444 : vector<1x16xf32> to vector<16xf32>
            %swap3A_446 = vector.shape_cast %get3A_441 : vector<16xf32> to vector<1x16xf32>
            tpu.vector_store %arg9[%swap3A_442, %swap3A_443], %swap3A_446 {strides = array<i32>} : memref<640x64xf32, #tpu.memory_space<vmem>>, vector<1x16xf32>,
          } else {
          }
          %slice3A_359 = vector.extract_strided_slice %get3A_295 {offsets = [9], sizes = [1], strides = [1]} : vector<16xi32> to vector<1xi32>
          %squeeze3A_360 = vector.extract %slice3A_359[0] : i32 from vector<1xi32>
          %lt3A_361 = arith.constant 3 : i32
          %lt3A_362 = arith.cmpi slt, %squeeze3A_360, %lt3A_361 : i32
          %convert_element_type3A_363 = arith.extui %lt3A_362 : i1 to i32
          %cond3A_364 = arith.constant 0 : i32
          %cond3A_365 = arith.cmpi ne, %convert_element_type3A_363, %cond3A_364 : i32
          scf.if %cond3A_365 {
            %mul3A_408 = arith.constant 16 : i32
            %mul3A_409 = arith.muli %scan3A_291, %mul3A_408 : i32
            %add3A_410 = arith.constant 9 : i32
            %add3A_411 = arith.addi %mul3A_409, %add3A_410 : i32
            %get3A_412 = arith.index_cast %squeeze3A_360 : i32 to index
            %get3A_413 = arith.constant 0 : index
            %get3A_414 = tpu.vector_load %arg10[%get3A_412, %get3A_413] {strides = array<i32>} : memref<4x64xf32, #tpu.memory_space<vmem>>, vector<1x16xf32>,
            %get3A_415 = vector.shape_cast %get3A_414 : vector<1x16xf32> to vector<16xf32>
            %swap3A = arith.index_cast %add3A_411 : i32 to index
            %swap3A_416 = arith.constant 0 : index
            %swap3A_417 = tpu.vector_load %arg9[%swap3A, %swap3A_416] {strides = array<i32>} : memref<640x64xf32, #tpu.memory_space<vmem>>, vector<1x16xf32>,
            %swap3A_418 = vector.shape_cast %swap3A_417 : vector<1x16xf32> to vector<16xf32>
            %swap3A_419 = vector.shape_cast %get3A_415 : vector<16xf32> to vector<1x16xf32>
            tpu.vector_store %arg9[%swap3A, %swap3A_416], %swap3A_419 {strides = array<i32>} : memref<640x64xf32, #tpu.memory_space<vmem>>, vector<1x16xf32>,
            %get3A_420 = arith.index_cast %squeeze3A_360 : i32 to index
            %get3A_421 = arith.constant 16 : index
            %get3A_422 = tpu.vector_load %arg10[%get3A_420, %get3A_421] {strides = array<i32>} : memref<4x64xf32, #tpu.memory_space<vmem>>, vector<1x16xf32>,
            %get3A_423 = vector.shape_cast %get3A_422 : vector<1x16xf32> to vector<16xf32>
            %swap3A_424 = arith.index_cast %add3A_411 : i32 to index
            %swap3A_425 = arith.constant 16 : index
            %swap3A_426 = tpu.vector_load %arg9[%swap3A_424, %swap3A_425] {strides = array<i32>} : memref<640x64xf32, #tpu.memory_space<vmem>>, vector<1x16xf32>,
            %swap3A_427 = vector.shape_cast %swap3A_426 : vector<1x16xf32> to vector<16xf32>
            %swap3A_428 = vector.shape_cast %get3A_423 : vector<16xf32> to vector<1x16xf32>
            tpu.vector_store %arg9[%swap3A_424, %swap3A_425], %swap3A_428 {strides = array<i32>} : memref<640x64xf32, #tpu.memory_space<vmem>>, vector<1x16xf32>,
            %get3A_429 = arith.index_cast %squeeze3A_360 : i32 to index
            %get3A_430 = arith.constant 32 : index
            %get3A_431 = tpu.vector_load %arg10[%get3A_429, %get3A_430] {strides = array<i32>} : memref<4x64xf32, #tpu.memory_space<vmem>>, vector<1x16xf32>,
            %get3A_432 = vector.shape_cast %get3A_431 : vector<1x16xf32> to vector<16xf32>
            %swap3A_433 = arith.index_cast %add3A_411 : i32 to index
            %swap3A_434 = arith.constant 32 : index
            %swap3A_435 = tpu.vector_load %arg9[%swap3A_433, %swap3A_434] {strides = array<i32>} : memref<640x64xf32, #tpu.memory_space<vmem>>, vector<1x16xf32>,
            %swap3A_436 = vector.shape_cast %swap3A_435 : vector<1x16xf32> to vector<16xf32>
            %swap3A_437 = vector.shape_cast %get3A_432 : vector<16xf32> to vector<1x16xf32>
            tpu.vector_store %arg9[%swap3A_433, %swap3A_434], %swap3A_437 {strides = array<i32>} : memref<640x64xf32, #tpu.memory_space<vmem>>, vector<1x16xf32>,
            %get3A_438 = arith.index_cast %squeeze3A_360 : i32 to index
            %get3A_439 = arith.constant 48 : index
            %get3A_440 = tpu.vector_load %arg10[%get3A_438, %get3A_439] {strides = array<i32>} : memref<4x64xf32, #tpu.memory_space<vmem>>, vector<1x16xf32>,
            %get3A_441 = vector.shape_cast %get3A_440 : vector<1x16xf32> to vector<16xf32>
            %swap3A_442 = arith.index_cast %add3A_411 : i32 to index
            %swap3A_443 = arith.constant 48 : index
            %swap3A_444 = tpu.vector_load %arg9[%swap3A_442, %swap3A_443] {strides = array<i32>} : memref<640x64xf32, #tpu.memory_space<vmem>>, vector<1x16xf32>,
            %swap3A_445 = vector.shape_cast %swap3A_444 : vector<1x16xf32> to vector<16xf32>
            %swap3A_446 = vector.shape_cast %get3A_441 : vector<16xf32> to vector<1x16xf32>
            tpu.vector_store %arg9[%swap3A_442, %swap3A_443], %swap3A_446 {strides = array<i32>} : memref<640x64xf32, #tpu.memory_space<vmem>>, vector<1x16xf32>,
          } else {
          }
          %slice3A_366 = vector.extract_strided_slice %get3A_295 {offsets = [10], sizes = [1], strides = [1]} : vector<16xi32> to vector<1xi32>
          %squeeze3A_367 = vector.extract %slice3A_366[0] : i32 from vector<1xi32>
          %lt3A_368 = arith.constant 3 : i32
          %lt3A_369 = arith.cmpi slt, %squeeze3A_367, %lt3A_368 : i32
          %convert_element_type3A_370 = arith.extui %lt3A_369 : i1 to i32
          %cond3A_371 = arith.constant 0 : i32
          %cond3A_372 = arith.cmpi ne, %convert_element_type3A_370, %cond3A_371 : i32
          scf.if %cond3A_372 {
            %mul3A_408 = arith.constant 16 : i32
            %mul3A_409 = arith.muli %scan3A_291, %mul3A_408 : i32
            %add3A_410 = arith.constant 10 : i32
            %add3A_411 = arith.addi %mul3A_409, %add3A_410 : i32
            %get3A_412 = arith.index_cast %squeeze3A_367 : i32 to index
            %get3A_413 = arith.constant 0 : index
            %get3A_414 = tpu.vector_load %arg10[%get3A_412, %get3A_413] {strides = array<i32>} : memref<4x64xf32, #tpu.memory_space<vmem>>, vector<1x16xf32>,
            %get3A_415 = vector.shape_cast %get3A_414 : vector<1x16xf32> to vector<16xf32>
            %swap3A = arith.index_cast %add3A_411 : i32 to index
            %swap3A_416 = arith.constant 0 : index
            %swap3A_417 = tpu.vector_load %arg9[%swap3A, %swap3A_416] {strides = array<i32>} : memref<640x64xf32, #tpu.memory_space<vmem>>, vector<1x16xf32>,
            %swap3A_418 = vector.shape_cast %swap3A_417 : vector<1x16xf32> to vector<16xf32>
            %swap3A_419 = vector.shape_cast %get3A_415 : vector<16xf32> to vector<1x16xf32>
            tpu.vector_store %arg9[%swap3A, %swap3A_416], %swap3A_419 {strides = array<i32>} : memref<640x64xf32, #tpu.memory_space<vmem>>, vector<1x16xf32>,
            %get3A_420 = arith.index_cast %squeeze3A_367 : i32 to index
            %get3A_421 = arith.constant 16 : index
            %get3A_422 = tpu.vector_load %arg10[%get3A_420, %get3A_421] {strides = array<i32>} : memref<4x64xf32, #tpu.memory_space<vmem>>, vector<1x16xf32>,
            %get3A_423 = vector.shape_cast %get3A_422 : vector<1x16xf32> to vector<16xf32>
            %swap3A_424 = arith.index_cast %add3A_411 : i32 to index
            %swap3A_425 = arith.constant 16 : index
            %swap3A_426 = tpu.vector_load %arg9[%swap3A_424, %swap3A_425] {strides = array<i32>} : memref<640x64xf32, #tpu.memory_space<vmem>>, vector<1x16xf32>,
            %swap3A_427 = vector.shape_cast %swap3A_426 : vector<1x16xf32> to vector<16xf32>
            %swap3A_428 = vector.shape_cast %get3A_423 : vector<16xf32> to vector<1x16xf32>
            tpu.vector_store %arg9[%swap3A_424, %swap3A_425], %swap3A_428 {strides = array<i32>} : memref<640x64xf32, #tpu.memory_space<vmem>>, vector<1x16xf32>,
            %get3A_429 = arith.index_cast %squeeze3A_367 : i32 to index
            %get3A_430 = arith.constant 32 : index
            %get3A_431 = tpu.vector_load %arg10[%get3A_429, %get3A_430] {strides = array<i32>} : memref<4x64xf32, #tpu.memory_space<vmem>>, vector<1x16xf32>,
            %get3A_432 = vector.shape_cast %get3A_431 : vector<1x16xf32> to vector<16xf32>
            %swap3A_433 = arith.index_cast %add3A_411 : i32 to index
            %swap3A_434 = arith.constant 32 : index
            %swap3A_435 = tpu.vector_load %arg9[%swap3A_433, %swap3A_434] {strides = array<i32>} : memref<640x64xf32, #tpu.memory_space<vmem>>, vector<1x16xf32>,
            %swap3A_436 = vector.shape_cast %swap3A_435 : vector<1x16xf32> to vector<16xf32>
            %swap3A_437 = vector.shape_cast %get3A_432 : vector<16xf32> to vector<1x16xf32>
            tpu.vector_store %arg9[%swap3A_433, %swap3A_434], %swap3A_437 {strides = array<i32>} : memref<640x64xf32, #tpu.memory_space<vmem>>, vector<1x16xf32>,
            %get3A_438 = arith.index_cast %squeeze3A_367 : i32 to index
            %get3A_439 = arith.constant 48 : index
            %get3A_440 = tpu.vector_load %arg10[%get3A_438, %get3A_439] {strides = array<i32>} : memref<4x64xf32, #tpu.memory_space<vmem>>, vector<1x16xf32>,
            %get3A_441 = vector.shape_cast %get3A_440 : vector<1x16xf32> to vector<16xf32>
            %swap3A_442 = arith.index_cast %add3A_411 : i32 to index
            %swap3A_443 = arith.constant 48 : index
            %swap3A_444 = tpu.vector_load %arg9[%swap3A_442, %swap3A_443] {strides = array<i32>} : memref<640x64xf32, #tpu.memory_space<vmem>>, vector<1x16xf32>,
            %swap3A_445 = vector.shape_cast %swap3A_444 : vector<1x16xf32> to vector<16xf32>
            %swap3A_446 = vector.shape_cast %get3A_441 : vector<16xf32> to vector<1x16xf32>
            tpu.vector_store %arg9[%swap3A_442, %swap3A_443], %swap3A_446 {strides = array<i32>} : memref<640x64xf32, #tpu.memory_space<vmem>>, vector<1x16xf32>,
          } else {
          }
          %slice3A_373 = vector.extract_strided_slice %get3A_295 {offsets = [11], sizes = [1], strides = [1]} : vector<16xi32> to vector<1xi32>
          %squeeze3A_374 = vector.extract %slice3A_373[0] : i32 from vector<1xi32>
          %lt3A_375 = arith.constant 3 : i32
          %lt3A_376 = arith.cmpi slt, %squeeze3A_374, %lt3A_375 : i32
          %convert_element_type3A_377 = arith.extui %lt3A_376 : i1 to i32
          %cond3A_378 = arith.constant 0 : i32
          %cond3A_379 = arith.cmpi ne, %convert_element_type3A_377, %cond3A_378 : i32
          scf.if %cond3A_379 {
            %mul3A_408 = arith.constant 16 : i32
            %mul3A_409 = arith.muli %scan3A_291, %mul3A_408 : i32
            %add3A_410 = arith.constant 11 : i32
            %add3A_411 = arith.addi %mul3A_409, %add3A_410 : i32
            %get3A_412 = arith.index_cast %squeeze3A_374 : i32 to index
            %get3A_413 = arith.constant 0 : index
            %get3A_414 = tpu.vector_load %arg10[%get3A_412, %get3A_413] {strides = array<i32>} : memref<4x64xf32, #tpu.memory_space<vmem>>, vector<1x16xf32>,
            %get3A_415 = vector.shape_cast %get3A_414 : vector<1x16xf32> to vector<16xf32>
            %swap3A = arith.index_cast %add3A_411 : i32 to index
            %swap3A_416 = arith.constant 0 : index
            %swap3A_417 = tpu.vector_load %arg9[%swap3A, %swap3A_416] {strides = array<i32>} : memref<640x64xf32, #tpu.memory_space<vmem>>, vector<1x16xf32>,
            %swap3A_418 = vector.shape_cast %swap3A_417 : vector<1x16xf32> to vector<16xf32>
            %swap3A_419 = vector.shape_cast %get3A_415 : vector<16xf32> to vector<1x16xf32>
            tpu.vector_store %arg9[%swap3A, %swap3A_416], %swap3A_419 {strides = array<i32>} : memref<640x64xf32, #tpu.memory_space<vmem>>, vector<1x16xf32>,
            %get3A_420 = arith.index_cast %squeeze3A_374 : i32 to index
            %get3A_421 = arith.constant 16 : index
            %get3A_422 = tpu.vector_load %arg10[%get3A_420, %get3A_421] {strides = array<i32>} : memref<4x64xf32, #tpu.memory_space<vmem>>, vector<1x16xf32>,
            %get3A_423 = vector.shape_cast %get3A_422 : vector<1x16xf32> to vector<16xf32>
            %swap3A_424 = arith.index_cast %add3A_411 : i32 to index
            %swap3A_425 = arith.constant 16 : index
            %swap3A_426 = tpu.vector_load %arg9[%swap3A_424, %swap3A_425] {strides = array<i32>} : memref<640x64xf32, #tpu.memory_space<vmem>>, vector<1x16xf32>,
            %swap3A_427 = vector.shape_cast %swap3A_426 : vector<1x16xf32> to vector<16xf32>
            %swap3A_428 = vector.shape_cast %get3A_423 : vector<16xf32> to vector<1x16xf32>
            tpu.vector_store %arg9[%swap3A_424, %swap3A_425], %swap3A_428 {strides = array<i32>} : memref<640x64xf32, #tpu.memory_space<vmem>>, vector<1x16xf32>,
            %get3A_429 = arith.index_cast %squeeze3A_374 : i32 to index
            %get3A_430 = arith.constant 32 : index
            %get3A_431 = tpu.vector_load %arg10[%get3A_429, %get3A_430] {strides = array<i32>} : memref<4x64xf32, #tpu.memory_space<vmem>>, vector<1x16xf32>,
            %get3A_432 = vector.shape_cast %get3A_431 : vector<1x16xf32> to vector<16xf32>
            %swap3A_433 = arith.index_cast %add3A_411 : i32 to index
            %swap3A_434 = arith.constant 32 : index
            %swap3A_435 = tpu.vector_load %arg9[%swap3A_433, %swap3A_434] {strides = array<i32>} : memref<640x64xf32, #tpu.memory_space<vmem>>, vector<1x16xf32>,
            %swap3A_436 = vector.shape_cast %swap3A_435 : vector<1x16xf32> to vector<16xf32>
            %swap3A_437 = vector.shape_cast %get3A_432 : vector<16xf32> to vector<1x16xf32>
            tpu.vector_store %arg9[%swap3A_433, %swap3A_434], %swap3A_437 {strides = array<i32>} : memref<640x64xf32, #tpu.memory_space<vmem>>, vector<1x16xf32>,
            %get3A_438 = arith.index_cast %squeeze3A_374 : i32 to index
            %get3A_439 = arith.constant 48 : index
            %get3A_440 = tpu.vector_load %arg10[%get3A_438, %get3A_439] {strides = array<i32>} : memref<4x64xf32, #tpu.memory_space<vmem>>, vector<1x16xf32>,
            %get3A_441 = vector.shape_cast %get3A_440 : vector<1x16xf32> to vector<16xf32>
            %swap3A_442 = arith.index_cast %add3A_411 : i32 to index
            %swap3A_443 = arith.constant 48 : index
            %swap3A_444 = tpu.vector_load %arg9[%swap3A_442, %swap3A_443] {strides = array<i32>} : memref<640x64xf32, #tpu.memory_space<vmem>>, vector<1x16xf32>,
            %swap3A_445 = vector.shape_cast %swap3A_444 : vector<1x16xf32> to vector<16xf32>
            %swap3A_446 = vector.shape_cast %get3A_441 : vector<16xf32> to vector<1x16xf32>
            tpu.vector_store %arg9[%swap3A_442, %swap3A_443], %swap3A_446 {strides = array<i32>} : memref<640x64xf32, #tpu.memory_space<vmem>>, vector<1x16xf32>,
          } else {
          }
          %slice3A_380 = vector.extract_strided_slice %get3A_295 {offsets = [12], sizes = [1], strides = [1]} : vector<16xi32> to vector<1xi32>
          %squeeze3A_381 = vector.extract %slice3A_380[0] : i32 from vector<1xi32>
          %lt3A_382 = arith.constant 3 : i32
          %lt3A_383 = arith.cmpi slt, %squeeze3A_381, %lt3A_382 : i32
          %convert_element_type3A_384 = arith.extui %lt3A_383 : i1 to i32
          %cond3A_385 = arith.constant 0 : i32
          %cond3A_386 = arith.cmpi ne, %convert_element_type3A_384, %cond3A_385 : i32
          scf.if %cond3A_386 {
            %mul3A_408 = arith.constant 16 : i32
            %mul3A_409 = arith.muli %scan3A_291, %mul3A_408 : i32
            %add3A_410 = arith.constant 12 : i32
            %add3A_411 = arith.addi %mul3A_409, %add3A_410 : i32
            %get3A_412 = arith.index_cast %squeeze3A_381 : i32 to index
            %get3A_413 = arith.constant 0 : index
            %get3A_414 = tpu.vector_load %arg10[%get3A_412, %get3A_413] {strides = array<i32>} : memref<4x64xf32, #tpu.memory_space<vmem>>, vector<1x16xf32>,
            %get3A_415 = vector.shape_cast %get3A_414 : vector<1x16xf32> to vector<16xf32>
            %swap3A = arith.index_cast %add3A_411 : i32 to index
            %swap3A_416 = arith.constant 0 : index
            %swap3A_417 = tpu.vector_load %arg9[%swap3A, %swap3A_416] {strides = array<i32>} : memref<640x64xf32, #tpu.memory_space<vmem>>, vector<1x16xf32>,
            %swap3A_418 = vector.shape_cast %swap3A_417 : vector<1x16xf32> to vector<16xf32>
            %swap3A_419 = vector.shape_cast %get3A_415 : vector<16xf32> to vector<1x16xf32>
            tpu.vector_store %arg9[%swap3A, %swap3A_416], %swap3A_419 {strides = array<i32>} : memref<640x64xf32, #tpu.memory_space<vmem>>, vector<1x16xf32>,
            %get3A_420 = arith.index_cast %squeeze3A_381 : i32 to index
            %get3A_421 = arith.constant 16 : index
            %get3A_422 = tpu.vector_load %arg10[%get3A_420, %get3A_421] {strides = array<i32>} : memref<4x64xf32, #tpu.memory_space<vmem>>, vector<1x16xf32>,
            %get3A_423 = vector.shape_cast %get3A_422 : vector<1x16xf32> to vector<16xf32>
            %swap3A_424 = arith.index_cast %add3A_411 : i32 to index
            %swap3A_425 = arith.constant 16 : index
            %swap3A_426 = tpu.vector_load %arg9[%swap3A_424, %swap3A_425] {strides = array<i32>} : memref<640x64xf32, #tpu.memory_space<vmem>>, vector<1x16xf32>,
            %swap3A_427 = vector.shape_cast %swap3A_426 : vector<1x16xf32> to vector<16xf32>
            %swap3A_428 = vector.shape_cast %get3A_423 : vector<16xf32> to vector<1x16xf32>
            tpu.vector_store %arg9[%swap3A_424, %swap3A_425], %swap3A_428 {strides = array<i32>} : memref<640x64xf32, #tpu.memory_space<vmem>>, vector<1x16xf32>,
            %get3A_429 = arith.index_cast %squeeze3A_381 : i32 to index
            %get3A_430 = arith.constant 32 : index
            %get3A_431 = tpu.vector_load %arg10[%get3A_429, %get3A_430] {strides = array<i32>} : memref<4x64xf32, #tpu.memory_space<vmem>>, vector<1x16xf32>,
            %get3A_432 = vector.shape_cast %get3A_431 : vector<1x16xf32> to vector<16xf32>
            %swap3A_433 = arith.index_cast %add3A_411 : i32 to index
            %swap3A_434 = arith.constant 32 : index
            %swap3A_435 = tpu.vector_load %arg9[%swap3A_433, %swap3A_434] {strides = array<i32>} : memref<640x64xf32, #tpu.memory_space<vmem>>, vector<1x16xf32>,
            %swap3A_436 = vector.shape_cast %swap3A_435 : vector<1x16xf32> to vector<16xf32>
            %swap3A_437 = vector.shape_cast %get3A_432 : vector<16xf32> to vector<1x16xf32>
            tpu.vector_store %arg9[%swap3A_433, %swap3A_434], %swap3A_437 {strides = array<i32>} : memref<640x64xf32, #tpu.memory_space<vmem>>, vector<1x16xf32>,
            %get3A_438 = arith.index_cast %squeeze3A_381 : i32 to index
            %get3A_439 = arith.constant 48 : index
            %get3A_440 = tpu.vector_load %arg10[%get3A_438, %get3A_439] {strides = array<i32>} : memref<4x64xf32, #tpu.memory_space<vmem>>, vector<1x16xf32>,
            %get3A_441 = vector.shape_cast %get3A_440 : vector<1x16xf32> to vector<16xf32>
            %swap3A_442 = arith.index_cast %add3A_411 : i32 to index
            %swap3A_443 = arith.constant 48 : index
            %swap3A_444 = tpu.vector_load %arg9[%swap3A_442, %swap3A_443] {strides = array<i32>} : memref<640x64xf32, #tpu.memory_space<vmem>>, vector<1x16xf32>,
            %swap3A_445 = vector.shape_cast %swap3A_444 : vector<1x16xf32> to vector<16xf32>
            %swap3A_446 = vector.shape_cast %get3A_441 : vector<16xf32> to vector<1x16xf32>
            tpu.vector_store %arg9[%swap3A_442, %swap3A_443], %swap3A_446 {strides = array<i32>} : memref<640x64xf32, #tpu.memory_space<vmem>>, vector<1x16xf32>,
          } else {
          }
          %slice3A_387 = vector.extract_strided_slice %get3A_295 {offsets = [13], sizes = [1], strides = [1]} : vector<16xi32> to vector<1xi32>
          %squeeze3A_388 = vector.extract %slice3A_387[0] : i32 from vector<1xi32>
          %lt3A_389 = arith.constant 3 : i32
          %lt3A_390 = arith.cmpi slt, %squeeze3A_388, %lt3A_389 : i32
          %convert_element_type3A_391 = arith.extui %lt3A_390 : i1 to i32
          %cond3A_392 = arith.constant 0 : i32
          %cond3A_393 = arith.cmpi ne, %convert_element_type3A_391, %cond3A_392 : i32
          scf.if %cond3A_393 {
            %mul3A_408 = arith.constant 16 : i32
            %mul3A_409 = arith.muli %scan3A_291, %mul3A_408 : i32
            %add3A_410 = arith.constant 13 : i32
            %add3A_411 = arith.addi %mul3A_409, %add3A_410 : i32
            %get3A_412 = arith.index_cast %squeeze3A_388 : i32 to index
            %get3A_413 = arith.constant 0 : index
            %get3A_414 = tpu.vector_load %arg10[%get3A_412, %get3A_413] {strides = array<i32>} : memref<4x64xf32, #tpu.memory_space<vmem>>, vector<1x16xf32>,
            %get3A_415 = vector.shape_cast %get3A_414 : vector<1x16xf32> to vector<16xf32>
            %swap3A = arith.index_cast %add3A_411 : i32 to index
            %swap3A_416 = arith.constant 0 : index
            %swap3A_417 = tpu.vector_load %arg9[%swap3A, %swap3A_416] {strides = array<i32>} : memref<640x64xf32, #tpu.memory_space<vmem>>, vector<1x16xf32>,
            %swap3A_418 = vector.shape_cast %swap3A_417 : vector<1x16xf32> to vector<16xf32>
            %swap3A_419 = vector.shape_cast %get3A_415 : vector<16xf32> to vector<1x16xf32>
            tpu.vector_store %arg9[%swap3A, %swap3A_416], %swap3A_419 {strides = array<i32>} : memref<640x64xf32, #tpu.memory_space<vmem>>, vector<1x16xf32>,
            %get3A_420 = arith.index_cast %squeeze3A_388 : i32 to index
            %get3A_421 = arith.constant 16 : index
            %get3A_422 = tpu.vector_load %arg10[%get3A_420, %get3A_421] {strides = array<i32>} : memref<4x64xf32, #tpu.memory_space<vmem>>, vector<1x16xf32>,
            %get3A_423 = vector.shape_cast %get3A_422 : vector<1x16xf32> to vector<16xf32>
            %swap3A_424 = arith.index_cast %add3A_411 : i32 to index
            %swap3A_425 = arith.constant 16 : index
            %swap3A_426 = tpu.vector_load %arg9[%swap3A_424, %swap3A_425] {strides = array<i32>} : memref<640x64xf32, #tpu.memory_space<vmem>>, vector<1x16xf32>,
            %swap3A_427 = vector.shape_cast %swap3A_426 : vector<1x16xf32> to vector<16xf32>
            %swap3A_428 = vector.shape_cast %get3A_423 : vector<16xf32> to vector<1x16xf32>
            tpu.vector_store %arg9[%swap3A_424, %swap3A_425], %swap3A_428 {strides = array<i32>} : memref<640x64xf32, #tpu.memory_space<vmem>>, vector<1x16xf32>,
            %get3A_429 = arith.index_cast %squeeze3A_388 : i32 to index
            %get3A_430 = arith.constant 32 : index
            %get3A_431 = tpu.vector_load %arg10[%get3A_429, %get3A_430] {strides = array<i32>} : memref<4x64xf32, #tpu.memory_space<vmem>>, vector<1x16xf32>,
            %get3A_432 = vector.shape_cast %get3A_431 : vector<1x16xf32> to vector<16xf32>
            %swap3A_433 = arith.index_cast %add3A_411 : i32 to index
            %swap3A_434 = arith.constant 32 : index
            %swap3A_435 = tpu.vector_load %arg9[%swap3A_433, %swap3A_434] {strides = array<i32>} : memref<640x64xf32, #tpu.memory_space<vmem>>, vector<1x16xf32>,
            %swap3A_436 = vector.shape_cast %swap3A_435 : vector<1x16xf32> to vector<16xf32>
            %swap3A_437 = vector.shape_cast %get3A_432 : vector<16xf32> to vector<1x16xf32>
            tpu.vector_store %arg9[%swap3A_433, %swap3A_434], %swap3A_437 {strides = array<i32>} : memref<640x64xf32, #tpu.memory_space<vmem>>, vector<1x16xf32>,
            %get3A_438 = arith.index_cast %squeeze3A_388 : i32 to index
            %get3A_439 = arith.constant 48 : index
            %get3A_440 = tpu.vector_load %arg10[%get3A_438, %get3A_439] {strides = array<i32>} : memref<4x64xf32, #tpu.memory_space<vmem>>, vector<1x16xf32>,
            %get3A_441 = vector.shape_cast %get3A_440 : vector<1x16xf32> to vector<16xf32>
            %swap3A_442 = arith.index_cast %add3A_411 : i32 to index
            %swap3A_443 = arith.constant 48 : index
            %swap3A_444 = tpu.vector_load %arg9[%swap3A_442, %swap3A_443] {strides = array<i32>} : memref<640x64xf32, #tpu.memory_space<vmem>>, vector<1x16xf32>,
            %swap3A_445 = vector.shape_cast %swap3A_444 : vector<1x16xf32> to vector<16xf32>
            %swap3A_446 = vector.shape_cast %get3A_441 : vector<16xf32> to vector<1x16xf32>
            tpu.vector_store %arg9[%swap3A_442, %swap3A_443], %swap3A_446 {strides = array<i32>} : memref<640x64xf32, #tpu.memory_space<vmem>>, vector<1x16xf32>,
          } else {
          }
          %slice3A_394 = vector.extract_strided_slice %get3A_295 {offsets = [14], sizes = [1], strides = [1]} : vector<16xi32> to vector<1xi32>
          %squeeze3A_395 = vector.extract %slice3A_394[0] : i32 from vector<1xi32>
          %lt3A_396 = arith.constant 3 : i32
          %lt3A_397 = arith.cmpi slt, %squeeze3A_395, %lt3A_396 : i32
          %convert_element_type3A_398 = arith.extui %lt3A_397 : i1 to i32
          %cond3A_399 = arith.constant 0 : i32
          %cond3A_400 = arith.cmpi ne, %convert_element_type3A_398, %cond3A_399 : i32
          scf.if %cond3A_400 {
            %mul3A_408 = arith.constant 16 : i32
            %mul3A_409 = arith.muli %scan3A_291, %mul3A_408 : i32
            %add3A_410 = arith.constant 14 : i32
            %add3A_411 = arith.addi %mul3A_409, %add3A_410 : i32
            %get3A_412 = arith.index_cast %squeeze3A_395 : i32 to index
            %get3A_413 = arith.constant 0 : index
            %get3A_414 = tpu.vector_load %arg10[%get3A_412, %get3A_413] {strides = array<i32>} : memref<4x64xf32, #tpu.memory_space<vmem>>, vector<1x16xf32>,
            %get3A_415 = vector.shape_cast %get3A_414 : vector<1x16xf32> to vector<16xf32>
            %swap3A = arith.index_cast %add3A_411 : i32 to index
            %swap3A_416 = arith.constant 0 : index
            %swap3A_417 = tpu.vector_load %arg9[%swap3A, %swap3A_416] {strides = array<i32>} : memref<640x64xf32, #tpu.memory_space<vmem>>, vector<1x16xf32>,
            %swap3A_418 = vector.shape_cast %swap3A_417 : vector<1x16xf32> to vector<16xf32>
            %swap3A_419 = vector.shape_cast %get3A_415 : vector<16xf32> to vector<1x16xf32>
            tpu.vector_store %arg9[%swap3A, %swap3A_416], %swap3A_419 {strides = array<i32>} : memref<640x64xf32, #tpu.memory_space<vmem>>, vector<1x16xf32>,
            %get3A_420 = arith.index_cast %squeeze3A_395 : i32 to index
            %get3A_421 = arith.constant 16 : index
            %get3A_422 = tpu.vector_load %arg10[%get3A_420, %get3A_421] {strides = array<i32>} : memref<4x64xf32, #tpu.memory_space<vmem>>, vector<1x16xf32>,
            %get3A_423 = vector.shape_cast %get3A_422 : vector<1x16xf32> to vector<16xf32>
            %swap3A_424 = arith.index_cast %add3A_411 : i32 to index
            %swap3A_425 = arith.constant 16 : index
            %swap3A_426 = tpu.vector_load %arg9[%swap3A_424, %swap3A_425] {strides = array<i32>} : memref<640x64xf32, #tpu.memory_space<vmem>>, vector<1x16xf32>,
            %swap3A_427 = vector.shape_cast %swap3A_426 : vector<1x16xf32> to vector<16xf32>
            %swap3A_428 = vector.shape_cast %get3A_423 : vector<16xf32> to vector<1x16xf32>
            tpu.vector_store %arg9[%swap3A_424, %swap3A_425], %swap3A_428 {strides = array<i32>} : memref<640x64xf32, #tpu.memory_space<vmem>>, vector<1x16xf32>,
            %get3A_429 = arith.index_cast %squeeze3A_395 : i32 to index
            %get3A_430 = arith.constant 32 : index
            %get3A_431 = tpu.vector_load %arg10[%get3A_429, %get3A_430] {strides = array<i32>} : memref<4x64xf32, #tpu.memory_space<vmem>>, vector<1x16xf32>,
            %get3A_432 = vector.shape_cast %get3A_431 : vector<1x16xf32> to vector<16xf32>
            %swap3A_433 = arith.index_cast %add3A_411 : i32 to index
            %swap3A_434 = arith.constant 32 : index
            %swap3A_435 = tpu.vector_load %arg9[%swap3A_433, %swap3A_434] {strides = array<i32>} : memref<640x64xf32, #tpu.memory_space<vmem>>, vector<1x16xf32>,
            %swap3A_436 = vector.shape_cast %swap3A_435 : vector<1x16xf32> to vector<16xf32>
            %swap3A_437 = vector.shape_cast %get3A_432 : vector<16xf32> to vector<1x16xf32>
            tpu.vector_store %arg9[%swap3A_433, %swap3A_434], %swap3A_437 {strides = array<i32>} : memref<640x64xf32, #tpu.memory_space<vmem>>, vector<1x16xf32>,
            %get3A_438 = arith.index_cast %squeeze3A_395 : i32 to index
            %get3A_439 = arith.constant 48 : index
            %get3A_440 = tpu.vector_load %arg10[%get3A_438, %get3A_439] {strides = array<i32>} : memref<4x64xf32, #tpu.memory_space<vmem>>, vector<1x16xf32>,
            %get3A_441 = vector.shape_cast %get3A_440 : vector<1x16xf32> to vector<16xf32>
            %swap3A_442 = arith.index_cast %add3A_411 : i32 to index
            %swap3A_443 = arith.constant 48 : index
            %swap3A_444 = tpu.vector_load %arg9[%swap3A_442, %swap3A_443] {strides = array<i32>} : memref<640x64xf32, #tpu.memory_space<vmem>>, vector<1x16xf32>,
            %swap3A_445 = vector.shape_cast %swap3A_444 : vector<1x16xf32> to vector<16xf32>
            %swap3A_446 = vector.shape_cast %get3A_441 : vector<16xf32> to vector<1x16xf32>
            tpu.vector_store %arg9[%swap3A_442, %swap3A_443], %swap3A_446 {strides = array<i32>} : memref<640x64xf32, #tpu.memory_space<vmem>>, vector<1x16xf32>,
          } else {
          }
          %slice3A_401 = vector.extract_strided_slice %get3A_295 {offsets = [15], sizes = [1], strides = [1]} : vector<16xi32> to vector<1xi32>
          %squeeze3A_402 = vector.extract %slice3A_401[0] : i32 from vector<1xi32>
          %lt3A_403 = arith.constant 3 : i32
          %lt3A_404 = arith.cmpi slt, %squeeze3A_402, %lt3A_403 : i32
          %convert_element_type3A_405 = arith.extui %lt3A_404 : i1 to i32
          %cond3A_406 = arith.constant 0 : i32
          %cond3A_407 = arith.cmpi ne, %convert_element_type3A_405, %cond3A_406 : i32
          scf.if %cond3A_407 {
            %mul3A_408 = arith.constant 16 : i32
            %mul3A_409 = arith.muli %scan3A_291, %mul3A_408 : i32
            %add3A_410 = arith.constant 15 : i32
            %add3A_411 = arith.addi %mul3A_409, %add3A_410 : i32
            %get3A_412 = arith.index_cast %squeeze3A_402 : i32 to index
            %get3A_413 = arith.constant 0 : index
            %get3A_414 = tpu.vector_load %arg10[%get3A_412, %get3A_413] {strides = array<i32>} : memref<4x64xf32, #tpu.memory_space<vmem>>, vector<1x16xf32>,
            %get3A_415 = vector.shape_cast %get3A_414 : vector<1x16xf32> to vector<16xf32>
            %swap3A = arith.index_cast %add3A_411 : i32 to index
            %swap3A_416 = arith.constant 0 : index
            %swap3A_417 = tpu.vector_load %arg9[%swap3A, %swap3A_416] {strides = array<i32>} : memref<640x64xf32, #tpu.memory_space<vmem>>, vector<1x16xf32>,
            %swap3A_418 = vector.shape_cast %swap3A_417 : vector<1x16xf32> to vector<16xf32>
            %swap3A_419 = vector.shape_cast %get3A_415 : vector<16xf32> to vector<1x16xf32>
            tpu.vector_store %arg9[%swap3A, %swap3A_416], %swap3A_419 {strides = array<i32>} : memref<640x64xf32, #tpu.memory_space<vmem>>, vector<1x16xf32>,
            %get3A_420 = arith.index_cast %squeeze3A_402 : i32 to index
            %get3A_421 = arith.constant 16 : index
            %get3A_422 = tpu.vector_load %arg10[%get3A_420, %get3A_421] {strides = array<i32>} : memref<4x64xf32, #tpu.memory_space<vmem>>, vector<1x16xf32>,
            %get3A_423 = vector.shape_cast %get3A_422 : vector<1x16xf32> to vector<16xf32>
            %swap3A_424 = arith.index_cast %add3A_411 : i32 to index
            %swap3A_425 = arith.constant 16 : index
            %swap3A_426 = tpu.vector_load %arg9[%swap3A_424, %swap3A_425] {strides = array<i32>} : memref<640x64xf32, #tpu.memory_space<vmem>>, vector<1x16xf32>,
            %swap3A_427 = vector.shape_cast %swap3A_426 : vector<1x16xf32> to vector<16xf32>
            %swap3A_428 = vector.shape_cast %get3A_423 : vector<16xf32> to vector<1x16xf32>
            tpu.vector_store %arg9[%swap3A_424, %swap3A_425], %swap3A_428 {strides = array<i32>} : memref<640x64xf32, #tpu.memory_space<vmem>>, vector<1x16xf32>,
            %get3A_429 = arith.index_cast %squeeze3A_402 : i32 to index
            %get3A_430 = arith.constant 32 : index
            %get3A_431 = tpu.vector_load %arg10[%get3A_429, %get3A_430] {strides = array<i32>} : memref<4x64xf32, #tpu.memory_space<vmem>>, vector<1x16xf32>,
            %get3A_432 = vector.shape_cast %get3A_431 : vector<1x16xf32> to vector<16xf32>
            %swap3A_433 = arith.index_cast %add3A_411 : i32 to index
            %swap3A_434 = arith.constant 32 : index
            %swap3A_435 = tpu.vector_load %arg9[%swap3A_433, %swap3A_434] {strides = array<i32>} : memref<640x64xf32, #tpu.memory_space<vmem>>, vector<1x16xf32>,
            %swap3A_436 = vector.shape_cast %swap3A_435 : vector<1x16xf32> to vector<16xf32>
            %swap3A_437 = vector.shape_cast %get3A_432 : vector<16xf32> to vector<1x16xf32>
            tpu.vector_store %arg9[%swap3A_433, %swap3A_434], %swap3A_437 {strides = array<i32>} : memref<640x64xf32, #tpu.memory_space<vmem>>, vector<1x16xf32>,
            %get3A_438 = arith.index_cast %squeeze3A_402 : i32 to index
            %get3A_439 = arith.constant 48 : index
            %get3A_440 = tpu.vector_load %arg10[%get3A_438, %get3A_439] {strides = array<i32>} : memref<4x64xf32, #tpu.memory_space<vmem>>, vector<1x16xf32>,
            %get3A_441 = vector.shape_cast %get3A_440 : vector<1x16xf32> to vector<16xf32>
            %swap3A_442 = arith.index_cast %add3A_411 : i32 to index
            %swap3A_443 = arith.constant 48 : index
            %swap3A_444 = tpu.vector_load %arg9[%swap3A_442, %swap3A_443] {strides = array<i32>} : memref<640x64xf32, #tpu.memory_space<vmem>>, vector<1x16xf32>,
            %swap3A_445 = vector.shape_cast %swap3A_444 : vector<1x16xf32> to vector<16xf32>
            %swap3A_446 = vector.shape_cast %get3A_441 : vector<16xf32> to vector<1x16xf32>
            tpu.vector_store %arg9[%swap3A_442, %swap3A_443], %swap3A_446 {strides = array<i32>} : memref<640x64xf32, #tpu.memory_space<vmem>>, vector<1x16xf32>,
          } else {
          }
        }
        %scan3A_290 = arith.constant 40 : i32
      } else {
      }
      %mul3A_278 = arith.constant 640 : i32
      %mul3A_279 = arith.muli %add3A_170, %mul3A_278 : i32
      %add3A_280 = arith.addi %mul3A_2, %mul3A_279 : i32
      %dma_start3A_281 = arith.constant 0 : i32
      %dma_start3A_282 = tpu.memref_slice %arg5[%add3A_280, %dma_start3A_281] : memref<819200x128xf32, #tpu.memory_space<hbm>> -> memref<640x64xf32, #tpu.memory_space<hbm>>
      %dma_start3A_283 = arith.constant 0 : i32
      %dma_start3A_284 = tpu.memref_slice %arg5[%add3A_280, %dma_start3A_283] : memref<819200x128xf32, #tpu.memory_space<hbm>> -> memref<640x64xf32, #tpu.memory_space<hbm>>
      tpu.enqueue_dma source(%arg9 : memref<640x64xf32, #tpu.memory_space<vmem>>) target(%dma_start3A_284 : memref<640x64xf32, #tpu.memory_space<hbm>>) target_semaphore(%arg14 : memref<!tpu.dma_semaphore, #tpu.memory_space<semaphore_mem>>)
    }
    %scan3A_48 = arith.constant 20 : i32
    %dma_wait3A = arith.constant 0 : i32
    %dma_wait3A_49 = tpu.memref_slice %arg5[%mul3A_2, %dma_wait3A] : memref<819200x128xf32, #tpu.memory_space<hbm>> -> memref<640x64xf32, #tpu.memory_space<hbm>>
    %dma_wait3A_50 = arith.constant 0 : i32
    %dma_wait3A_51 = tpu.memref_slice %arg5[%mul3A_2, %dma_wait3A_50] : memref<819200x128xf32, #tpu.memory_space<hbm>> -> memref<640x64xf32, #tpu.memory_space<hbm>>
    tpu.wait_dma2 semaphore(%arg13 : memref<!tpu.dma_semaphore, #tpu.memory_space<semaphore_mem>>) src(%arg8 : memref<640x64xf32, #tpu.memory_space<vmem>>) dst(%dma_wait3A_51 : memref<640x64xf32, #tpu.memory_space<hbm>>)
    %dma_wait3A_52 = arith.constant 0 : i32
    %dma_wait3A_53 = tpu.memref_slice %arg5[%mul3A_2, %dma_wait3A_52] : memref<819200x128xf32, #tpu.memory_space<hbm>> -> memref<640x64xf32, #tpu.memory_space<hbm>>
    %dma_wait3A_54 = arith.constant 0 : i32
    %dma_wait3A_55 = tpu.memref_slice %arg5[%mul3A_2, %dma_wait3A_54] : memref<819200x128xf32, #tpu.memory_space<hbm>> -> memref<640x64xf32, #tpu.memory_space<hbm>>
    tpu.wait_dma2 semaphore(%arg14 : memref<!tpu.dma_semaphore, #tpu.memory_space<semaphore_mem>>) src(%arg9 : memref<640x64xf32, #tpu.memory_space<vmem>>) dst(%dma_wait3A_55 : memref<640x64xf32, #tpu.memory_space<hbm>>)
    return
  }
}

</mosaic_0001>

<sc_bundles>
// kernel: kernel.3.cloned.1.call-start
scs
__scs_entry_jumppad:
0x0: {  	(pc) =	sbr.rel $0x88, $3  }
0x1: {  	(tag) =	ssettag $0x0;
	lr =	simm.s32 $0x1  }
0x2: {  	[smem:$0x3F9C] =	sst lr;
	_ =	strace $0xD0000000  }
0x3: {  	_ = 	snop  }
0x4: {  	_ = 	snop  }
0x5: {  	_ = 	snop  }
0x6: {  	_ = 	snop  }
0x7: {  	_ = 	snop  }
__scs_overlays_trampoline_lowered:
0x8: {  	[smem:$0x3FAB] =	sst s0  }
0x9: {  	[smem:$0x3FAC] =	sst s1  }
0xa: {  	[smem:$0x3FAD] =	sst s2  }
0xb: {  	[smem:$0x3FAE] =	sst s3  }
0xc: {  	[smem:$0x3FAF] =	sst s4  }
0xd: {  	[smem:$0x3FB0] =	sst s5  }
0xe: {  	[smem:$0x3FB1] =	sst s6  }
0xf: {  	[smem:$0x3FB2] =	sst s7  }
0x10: {  	[smem:$0x3FB3] =	sst s8  }
0x11: {  	[smem:$0x3FB4] =	sst s9;
	s0 =	simm.s32 @!p0 $0x0  }
0x12: {  	s1 =	sld [smem:$0x3F9A];
	s0 =	simm.s32 @p0 $0x1  }
0x13: {  	[smem:$0x3FB5] =	sst s0;
	s0 =	simm.s32 @!p1 $0x0  }
0x14: {  	s2 =	sld [smem:$0x3F99];
	s0 =	simm.s32 @p1 $0x1  }
0x15: {  	[smem:$0x3FB6] =	sst s0;
	s0 =	simm.s32 @!p2 $0x0  }
0x16: {  	s3 =	sld [smem:$0x3FDB];
	s0 =	simm.s32 @p2 $0x1  }
0x17: {  	s4 =	simm.s32 $0x1BF5;
	[smem:$0x3FB8] =	sst s0  }
0x18: {  	s0 =	sld [smem:$0x3F9B];
	_ =	swait.ge [sflag:s4], $0x0  }
0x19: {  	s7 =	sld [smem:$0x3F9C]  }
0x1a: {  	s8 =	sadd.s32 $0xFFFFE003, lr  }
0x1b: {  	s9 =	sadd.s32 $0xFFFFFEF7, lr;
	s5 =	simm.s32 $0xFFFFFFFF;
	p2 =	slt.u32 s8, $0xFFFFF086  }
0x1c: {  	p1 =	slt.u32 s9, $0xF7A;
	s5 =	simm.s32 @!p2 $0x0  }
0x1d: {  	s5 =	simm.s32 @p1 $0x1;
	p0 =	seq.s32 s7, s2  }
0x1e: {  	s7 =	smul.u32 @!p0 $0xF7A, s2;
	p2 =	seq.s32 @!p0 s5, $0x0  }
0x1f: {  	s9 =	smul.u32 $0xF7A, s1;
	s8 =	simm.s32 @!p0 $0x1BF5;
	p2 =	por !p2, p0  }
0x20: {  	[sflag:s8] =	ssyncset.s32 @!p0 $0xFFFFF086;
	s6 =	sadd.s32 @!p0 s3, s7;
	s7 =	simm.s32 @!p0 $0x108  }
0x21: {  	s3 =	sadd.s32 s3, s9;
	s6 =	sadd.s32 @!p0 $0x88, s6;
	s7 =	simm.s32 @p2 $0x1082  }
0x22: {  	[simem:s7], [sflag:s8] =	dma.local @!p0 [hbm:s6], $0xF7A  }
0x23: {  	s9 =	sor.u32 $0xD0000000, s2;
	s6 =	simm.s32 $0x108;
	_ =	swait.ge @!p0 [sflag:s8], $0x0  }
0x24: {  	s3 =	sadd.s32 $0x88, s3;
	s6 =	simm.s32 @!p1 $0x1082;
	[sflag:s4] =	ssyncset.s32 $0xFFFFF086  }
0x25: {  	[simem:s6], [sflag:s4] =	dma.local [hbm:s3], $0xF7A  }
0x26: {  	[smem:$0x3F9C] =	sst s1;
	(tag) =	ssettag s2;
	_ =	strace s9  }
0x27: {  	s1 =	sld [smem:$0x3FAC]  }
0x28: {  	s2 =	sld [smem:$0x3FAD]  }
0x29: {  	s4 =	sld [smem:$0x3FAF]  }
0x2a: {  	p0 =	seq.s32 s5, $0x0;
	s5 =	sld [smem:$0x3FB0]  }
0x2b: {  	s6 =	sld [smem:$0x3FB1]  }
0x2c: {  	s7 =	sld [smem:$0x3FB2]  }
0x2d: {  	s3 =	simm.s32 $0x108;
	s8 =	sld [smem:$0x3FB3]  }
0x2e: {  	s3 =	simm.s32 @!p0 $0x1082;
	s9 =	sld [smem:$0x3FB4]  }
0x2f: {  	lr =	sadd.s32 s0, s3;
	s0 =	sld [smem:$0x3FAB]  }
0x30: {  	s3 =	sld [smem:$0x3FAE]  }
0x31: {  	[smem:$0x3FB7] =	sst s10  }
0x32: {  	s10 =	sld [smem:$0x3FB5];
	_ =	sdelay $0x3  }
0x33: {  	p0 =	seq.s32 s10, $0x1;
	s10 =	sld [smem:$0x3FB7];
	_ =	sdelay $0x3  }
0x34: {  	[smem:$0x3FB7] =	sst s10  }
0x35: {  	s10 =	sld [smem:$0x3FB6];
	_ =	sdelay $0x3  }
0x36: {  	p1 =	seq.s32 s10, $0x1;
	s10 =	sld [smem:$0x3FB7];
	_ =	sdelay $0x3  }
0x37: {  	[smem:$0x3FB7] =	sst s10  }
0x38: {  	s10 =	sld [smem:$0x3FB8]  }
0x39: {  	_ = 	snop;
	(pc) =	sbr.ind lr, $3  }
0x3a: {  	_ = 	snop  }
0x3b: {  	_ = 	snop  }
0x3c: {  	p2 =	seq.s32 s10, $0x1;
	s10 =	sld [smem:$0x3FB7]  }
0x3d: {  	_ =	shalt  }
0x3e: {  	_ =	shalt  }
0x3f: {  	_ =	shalt  }
0x40: {  	_ =	shalt  }
0x41: {  	_ =	shalt  }
0x42: {  	_ =	shalt  }
0x43: {  	_ =	shalt  }
0x44: {  	_ =	shalt  }
0x45: {  	_ =	shalt  }
0x46: {  	_ =	shalt  }
0x47: {  	_ =	shalt  }
0x48: {  	_ =	shalt  }
0x49: {  	_ =	shalt  }
0x4a: {  	_ =	shalt  }
0x4b: {  	_ =	shalt  }
0x4c: {  	_ =	shalt  }
0x4d: {  	_ =	shalt  }
0x4e: {  	_ =	shalt  }
0x4f: {  	_ =	shalt  }
0x50: {  	_ =	shalt  }
0x51: {  	_ =	shalt  }
0x52: {  	_ =	shalt  }
0x53: {  	_ =	shalt  }
0x54: {  	_ =	shalt  }
0x55: {  	_ =	shalt  }
0x56: {  	_ =	shalt  }
0x57: {  	_ =	shalt  }
0x58: {  	_ =	shalt  }
0x59: {  	_ =	shalt  }
0x5a: {  	_ =	shalt  }
0x5b: {  	_ =	shalt  }
0x5c: {  	_ =	shalt  }
0x5d: {  	_ =	shalt  }
0x5e: {  	_ =	shalt  }
0x5f: {  	_ =	shalt  }
0x60: {  	_ =	shalt  }
0x61: {  	_ =	shalt  }
0x62: {  	_ =	shalt  }
0x63: {  	_ =	shalt  }
0x64: {  	_ =	shalt  }
0x65: {  	_ =	shalt  }
0x66: {  	_ =	shalt  }
0x67: {  	_ =	shalt  }
0x68: {  	_ =	shalt  }
0x69: {  	_ =	shalt  }
0x6a: {  	_ =	shalt  }
0x6b: {  	_ =	shalt  }
0x6c: {  	_ =	shalt  }
0x6d: {  	_ =	shalt  }
0x6e: {  	_ =	shalt  }
0x6f: {  	_ =	shalt  }
0x70: {  	_ =	shalt  }
0x71: {  	_ =	shalt  }
0x72: {  	_ =	shalt  }
0x73: {  	_ =	shalt  }
0x74: {  	_ =	shalt  }
0x75: {  	_ =	shalt  }
0x76: {  	_ =	shalt  }
0x77: {  	_ =	shalt  }
0x78: {  	_ =	shalt  }
0x79: {  	_ =	shalt  }
0x7a: {  	_ =	shalt  }
0x7b: {  	_ =	shalt  }
0x7c: {  	_ =	shalt  }
0x7d: {  	_ =	shalt  }
0x7e: {  	_ =	shalt  }
0x7f: {  	_ =	shalt  }
0x80: {  	_ =	shalt  }
0x81: {  	_ =	shalt  }
0x82: {  	_ =	shalt  }
0x83: {  	_ =	shalt  }
0x84: {  	_ =	shalt  }
0x85: {  	_ =	shalt  }
0x86: {  	_ =	shalt  }
0x87: {  	_ =	shalt  }
.Lfunc_end0:
.L_simem_size_0:
called_computation.1_lowered:
.L_overlay_start_0:
0x88: {  	s2 =	sld [smem:$0x3FD9]  }
0x89: {  	s3 =	sld [smem:$0x3FFE];
	_ =	sdelay $0x1  }
0x8a: {  	s1 =	srdreg.scid  }
0x8b: {  	s0 =	sand.u32 $0x1, s1  }
0x8c: {  	s17 =	sshll.u32 s0, $0xA;
	s2 =	sadd.s32 s3, s2  }
0x8d: {  	s2 =	sadd.s32 s2, s17  }
0x8e: {  	[smem:$0x3FC3] =	sst s2  }
0x8f: {  	_ = 	snop  }
0x90: {  	s2 =	sld [smem:$0x3FD0];
	(tm) =	ssettm $0x1  }
0x91: {  	s18 =	sld [smem:$0x3FFB];
	_ =	sdelay $0x3  }
0x92: {  	_ =	strace s18  }
0x93: {  	s3 =	sld [smem:$0x3FFC];
	_ =	sdelay $0x3  }
0x94: {  	_ =	strace s3  }
0x95: {  	s3 =	sld [smem:$0x3FFD];
	_ =	sdelay $0x3  }
0x96: {  	_ =	strace s3  }
0x97: {  	_ =	strace $0x8FFFFFFF  }
0x98: {  	s19 =	sld [smem:$0x3FDB];
	_ =	sdelay $0x1  }
0x99: {  	s4 =	simm.s32 $_scs_section_size  }
0x9a: {  	s5 =	simm.s32 $_size__tile_overlayer_lowered;
	s6 =	simm.s32 $_tile_overlayer_lowered  }
0x9b: {  	s22 =	simm.s32 $0x1BFF;
	s21 =	sshll.u32 s6, $0x1;
	s3 =	sadd.s32 s4, s19  }
0x9c: {  	s7 =	simm.s32 $0x0;
	s20 =	sshll.u32 s5, $0x1;
	s5 =	sadd.s32 s21, s3  }
0x9d: {  	[timem:s7], [sflag:s22] =	dma.local [hbm:s5], s20  }
0x9e: {  	_ =	swait.ge [sflag:s22], s20  }
0x9f: {  	s4 =	ssub.s32 $0x0, s20;
	[sflag:s22] =	ssyncset.done $0x0  }
0xa0: {  	[sflag:s22] =	ssyncadd.s32 s4;
	_ =	sdelay $0x1  }
0xa1: {  	s23 =	simm.s32 $0x1B8B  }
0xa2: {  	_ =	swait.ge [sflag:s23], $0x1  }
0xa3: {  	[sflag:s23] =	ssyncset.done $0x0  }
0xa4: {  	s25 =	simm.s32 $0x1B8E;
	s24 =	sld [smem:$0x3FFE];
	[sflag:s23] =	ssyncadd.s32 $0xFFFFFFFF  }
0xa5: {  	s26 =	simm.s32 $execute0_lowered;
	[smem:$0x3FD2] =	sst s25  }
0xa6: {  	s5 =	sshll.u32 s26, $0x1;
	_ =	strace $0x80000046;
	[dreg:$0x1] =	wrdreg $0xFFFFFFFF  }
0xa7: {  	s28 =	simm.s32 $_size_execute0_lowered;
	s3 =	sadd.s32 s3, s5;
	[dreg:$0x0] =	wrdreg $0x0  }
0xa8: {  	s5 =	sshll.u32 s28, $0x1;
	[dreg:$0x2] =	wrdreg s3  }
0xa9: {  	[dreg:$0x3] =	wrdreg s5  }
0xaa: {  	[dreg:$0x4] =	wrdreg $0xC0  }
0xab: {  	_ =	task [dreg:s7], $0x5FFFF  }
0xac: {  	[dreg:$0x1] =	wrdreg $0xFFFFFFFF  }
0xad: {  	[dreg:$0x0] =	wrdreg $0x60  }
0xae: {  	[dreg:$0x2] =	wrdreg s2  }
0xaf: {  	[dreg:$0x3] =	wrdreg s24  }
0xb0: {  	[dreg:$0x4] =	wrdreg $0x9  }
0xb1: {  	_ =	task.clear_ibuf [dreg:s7], $0x5FFFF;
	_ =	strace $0x90000046  }
0xb2: {  	s29 =	simm.s32 $0x9;
	_ =	strace $0x80000048  }
0xb3: {  	_ =	swait.ge [sflag:s29], $0x1  }
0xb4: {  	[sflag:s29] =	ssyncadd.s32 $0xFFFFFFFF  }
0xb5: {  	_ =	strace $0x90000048  }
0xb6: {  	_ =	sfence  }
0xb7: {  	s30 =	sld [smem:$0x0];
	_ =	sdelay $0x2  }
0xb8: {  	s31 =	sshll.u32 s1, $0xD;
	s1 =	sshrl.u32 s1, $0x2  }
0xb9: {  	s3 =	sand.u32 $0x4000, s31;
	s1 =	sadd.s32 s1, s30  }
0xba: {  	s0 =	sor.u32 s3, s0;
	s1 =	sshll.u32 s1, $0x11  }
0xbb: {  	s0 =	sor.u32 s1, s0  }
0xbc: {  	s0 =	sadd.s32 $0x8F2B, s0  }
0xbd: {  	[sflag:s0] =	ssyncadd.remote.s32 $0x1  }
0xbe: {  	_ =	sfence.sel $0xFFFF  }
0xbf: {  	[dreg:$0x0] =	wrdreg $0xFFFFFFFF;
	(pc) =	sbr.abs _section_cstart, $3  }
0xc0: {  	[dreg:$0x1] =	wrdreg $0xFFFFFFFF  }
0xc1: {  	_ =	task.clear_ibuf [dreg:s7], $0x2FFFF;
	_ =	strace $0x9FFFFFFF  }
0xc2: {  	(tm) =	ssettm $0x7FFFFFFF  }
0xc3: {  	_ =	shalt  }
tec
execute0_lowered:
.L_overlay_start_1:
0x0: {  	(tag) =	ssettag $0x1  }
0x1: {  	s2 =	rddreg [dreg:$0x0];
	s0 =	srdreg.scid  }
0x2: {  	s3 =	stileid.u32;
	s1 =	rddreg [dreg:$0x1];
	s29 =	simm.s32 $0x0  }
0x3: {  	s13 =	simm.s32 $0x5;
	s14 =	simm.s32 $0x80;
	s15 =	simm.s32 $0x500  }
0x4: {  	s23 =	simm.s32 $0x280;
	s24 =	simm.s32 $0xA500;
	s12 =	simm.s32 $0x1  }
0x5: {  	s16 =	simm.s32 $0x40;
	s0 =	sand.u32 $0x1, s0;
	s4 =	sshll.u32 s3, $0x1  }
0x6: {  	s17 =	simm.s32 $0x2;
	[smem:$0x7FF] =	sst s29;
	s4 =	sor.u32 s0, s4  }
0x7: {  	s5 =	sadd.s32 $0xF43400, s1;
	s0 =	ssub.s32 $0x2, s0;
	s4 =	smul.u32 $0x6400, s4  }
.Ltmp0:
0x8: {  	s30 =	sadd.s32 $0x1000, s1;
	s6 =	sshrl.u32 s0, $0x1;
	(pc) =	sbr.rel .LBB2_1-.Ltmp0, $4  }
0x9: {  	s7 =	sadd.s32 $0x1200, s1;
	_ =	strace $0x80000047;
	s0 =	ssub.s32 s0, s6  }
0xa: {  	[dreg:$0x3] =	wrdreg s30;
	s8 =	sshrl.u32 s4, $0x3;
	s0 =	smax.u32 s0, $0x1  }
0xb: {  	s3 =	simm.s32 $0x0;
	s31 =	sadd.s32 s2, s8;
	[dreg:$0x5] =	wrdreg s0  }
0xc: {  	v0 =	vimm.s32 $0x0;
	s9 =	sor.u32 $0x280, s4;
	s10 =	sadd.s32 $0x500, s4;
	[dreg:$0x4] =	wrdreg s31  }
.LBB2_13:
0xd: {  	s0 =	simm.s32 $0x3  }
0xe: {  	_ =	swait.ge [sflag:s0], $0xA000  }
0xf: {  	[sflag:s0] =	ssyncset.done $0x0  }
0x10: {  	s1 =	simm.s32 $0x4;
	[sflag:s0] =	ssyncadd.s32 $0xFFFF6000  }
0x11: {  	_ =	swait.ge [sflag:s1], $0xA000  }
0x12: {  	s3 =	rddreg [dreg:$0x6]  }
0x13: {  	s31 =	rddreg [dreg:$0x5];
	s3 =	sadd.s32 $0x1, s3  }
0x14: {  	p0 =	sne.s32 s3, s31  }
.Ltmp1:
0x15: {  	_ = 	snop;
	(pc) =	sbr.rel @!p0 .LBB2_14-.Ltmp1, $3  }
0x16: {  	_ =	sdelay $0x1  }
0x17: {  	[sflag:s1] =	ssyncset.done $0x0  }
0x18: {  	[sflag:s1] =	ssyncadd.s32 $0xFFFF6000  }
.LBB2_1:
0x19: {  	[dreg:$0x6] =	wrdreg s3  }
0x1a: {  	s0 =	simm.s32 $0x0;
	s1 =	rddreg [dreg:$0x3];
	s20 =	simm.s32 $0x14500  }
0x1b: {  	[tilespmem:s20], [sflag:$0x5] =	stream.linear.gather [hbm4b:s1+s0], $0x100, $0x38;
	[tilespmem:$0x14600] =	vst v63  }
0x1c: {  	_ =	swait.ge [sflag:s13], $0x100  }
0x1d: {  	[sflag:s13] =	ssyncset.done $0x0  }
0x1e: {  	s21 =	rddreg [dreg:$0x4];
	[sflag:s13] =	ssyncadd.s32 $0xFFFFFF00  }
0x1f: {  	[tilespmem:s0], [sflag:$0x5] =	stream.linear.gather [hbm4b:s21+s0], $0x280, $0x38;
	[tilespmem:$0x14600] =	vst v63  }
0x20: {  	_ =	swait.ge [sflag:s13], $0x280  }
0x21: {  	[sflag:s13] =	ssyncset.done $0x0  }
0x22: {  	[sflag:s13] =	ssyncadd.s32 $0xFFFFFD80  }
0x23: {  	[tilespmem:s15], [sflag:$0x1] =	stream.indirect.gather [hbm4b:s5+s14], $0x40, s0, s14, $0xb8;
	[tilespmem:$0x14600] =	vst v63  }
0x24: {  	s22 =	simm.s32 $0x2500  }
0x25: {  	[tilespmem:s22], [sflag:$0x1] =	stream.indirect.gather [hbm4b:s5+s14], $0x40, s14, s14, $0xb8;
	[tilespmem:$0x14600] =	vst v63  }
0x26: {  	s25 =	simm.s32 $0x100;
	s26 =	simm.s32 $0x4500  }
0x27: {  	[tilespmem:s26], [sflag:$0x1] =	stream.indirect.gather [hbm4b:s5+s14], $0x40, s25, s14, $0xb8;
	[tilespmem:$0x14600] =	vst v63  }
.Ltmp2:
0x28: {  	_ = 	snop;
	(pc) =	sbr.rel .LBB2_2-.Ltmp2, $4  }
0x29: {  	s28 =	simm.s32 $0x180;
	s29 =	simm.s32 $0x6500  }
0x2a: {  	[tilespmem:s29], [sflag:$0x1] =	stream.indirect.gather [hbm4b:s5+s14], $0x40, s28, s14, $0xb8;
	[tilespmem:$0x14600] =	vst v63  }
0x2b: {  	s30 =	simm.s32 $0x200;
	s31 =	simm.s32 $0x8500;
	s21 =	simm.s32 $0x0  }
0x2c: {  	[tilespmem:s31], [sflag:$0x1] =	stream.indirect.gather [hbm4b:s5+s14], $0x40, s30, s14, $0xb8;
	[tilespmem:$0x14600] =	vst v63  }
.LBB2_12:
0x2d: {  	s21 =	sadd.s32 $0x1, s21  }
0x2e: {  	p0 =	sne.s32 s21, $0x14  }
.Ltmp3:
0x2f: {  	_ = 	snop;
	(pc) =	sbr.rel @!p0 .LBB2_13-.Ltmp3, $4  }
0x30: {  	s0 =	sshll.u32 s22, $0x4  }
0x31: {  	s0 =	sand.u32 $0x1FFFF800, s0  }
0x32: {  	s0 =	sadd.s32 s7, s0  }
0x33: {  	[hbm4b:s0+s16] =	stream.strided.scatter [tilespmem:s24], [sflag:$0x4], $0xA000, s14, s16, $0x38;
	[tilespmem:$0x14600] =	vst v63  }
.LBB2_2:
0x34: {  	p0 =	seq.s32 s21, $0x0;
	s6 =	smul.u32 $0x500, s21  }
0x35: {  	s8 =	simm.s32 @!p0 $0x4  }
0x36: {  	_ =	swait.ge @!p0 [sflag:s8], $0xA000;
	s22 =	sadd.s32 s6, s9  }
0x37: {  	[sflag:s8] =	ssyncset.done @!p0 $0x0;
	s11 =	sshrl.u32 s22, $0x3  }
0x38: {  	s19 =	simm.s32 $0x0;
	[sflag:s8] =	ssyncadd.s32 @!p0 $0xFFFF6000;
	s18 =	sadd.s32 s2, s11  }
0x39: {  	[tilespmem:s23], [sflag:$0x5] =	stream.linear.gather [hbm4b:s18+s19], $0x280, $0x38;
	[tilespmem:$0x14600] =	vst v63  }
0x3a: {  	_ =	swait.ge [sflag:s13], $0x280  }
0x3b: {  	[sflag:s13] =	ssyncset.done $0x0  }
0x3c: {  	[sflag:s13] =	ssyncadd.s32 $0xFFFFFD80  }
0x3d: {  	[tilespmem:s24], [sflag:$0x2] =	stream.indirect.gather [hbm4b:s5+s14], $0x40, s23, s14, $0xb8;
	[tilespmem:$0x14600] =	vst v63  }
0x3e: {  	s0 =	simm.s32 $0x300;
	s1 =	simm.s32 $0xC500  }
0x3f: {  	[tilespmem:s1], [sflag:$0x2] =	stream.indirect.gather [hbm4b:s5+s14], $0x40, s0, s14, $0xb8;
	[tilespmem:$0x14600] =	vst v63  }
0x40: {  	s20 =	simm.s32 $0x380;
	s25 =	simm.s32 $0xE500  }
0x41: {  	[tilespmem:s25], [sflag:$0x2] =	stream.indirect.gather [hbm4b:s5+s14], $0x40, s20, s14, $0xb8;
	[tilespmem:$0x14600] =	vst v63  }
0x42: {  	s26 =	simm.s32 $0x400;
	s28 =	simm.s32 $0x10500  }
0x43: {  	[tilespmem:s28], [sflag:$0x2] =	stream.indirect.gather [hbm4b:s5+s14], $0x40, s26, s14, $0xb8;
	[tilespmem:$0x14600] =	vst v63  }
0x44: {  	s29 =	simm.s32 $0x480;
	s30 =	simm.s32 $0x12500;
	s31 =	simm.s32 $0x0  }
0x45: {  	[tilespmem:s30], [sflag:$0x2] =	stream.indirect.gather [hbm4b:s5+s14], $0x40, s29, s14, $0xb8;
	[tilespmem:$0x14600] =	vst v63  }
0x46: {  	v2 =	vld [tilespmem:s31+$0x0]  }
0x47: {  	v1 =	vimm.s32 $0x0;
	s8 =	simm.s32 $0x40  }
.LBB2_3:
0x48: {  	p0 =	sne.s32 s8, $0x9C0  }
.Ltmp4:
0x49: {  	_ = 	snop;
	(pc) =	sbr.rel @p0 .LBB2_3-.Ltmp4, $4  }
0x4a: {  	_ = 	snop  }
0x4b: {  	s11 =	sshra.s32 s8, $0x2;
	s8 =	sadd.s32 $0x40, s8;
	vm0 =	vlt.s32 v2, $0x3  }
0x4c: {  	v2 =	vld [tilespmem:s11+$0x0];
	v3 =	vsel vm0, $0x1, v0  }
0x4d: {  	v1 =	vor.u32 v3, v1  }
0x4e: {  	_ =	sdelay $0x2  }
0x4f: {  	vm0 =	vlt.s32 v2, $0x3  }
0x50: {  	v2 =	vsel vm0, $0x1, v0  }
0x51: {  	v1 =	vor.u32 v2, v1  }
0x52: {  	(v2sf) =	vpush v1, $0x0  }
0x53: {  	(v2sf) =	vpush v1, $0x1  }
0x54: {  	(v2sf) =	vpush v1, $0x2  }
0x55: {  	(v2sf) =	vpush v1, $0x3  }
0x56: {  	(v2sf) =	vpush v1, $0x4  }
0x57: {  	(v2sf) =	vpush v1, $0x5  }
0x58: {  	(v2sf) =	vpush v1, $0x6  }
0x59: {  	(v2sf) =	vpush v1, $0x7  }
0x5a: {  	(v2sf) =	vpush v1, $0x8  }
0x5b: {  	(v2sf) =	vpush v1, $0x9  }
0x5c: {  	(v2sf) =	vpush v1, $0xA  }
0x5d: {  	(v2sf) =	vpush v1, $0xB  }
0x5e: {  	(v2sf) =	vpush v1, $0xC  }
0x5f: {  	(v2sf) =	vpush v1, $0xD  }
0x60: {  	(v2sf) =	vpush v1, $0xE  }
0x61: {  	s8 =	spop (v2sf);
	(v2sf) =	vpush v1, $0xF  }
0x62: {  	s11 =	spop (v2sf)  }
0x63: {  	s3 =	spop (v2sf)  }
0x64: {  	s18 =	spop (v2sf)  }
0x65: {  	s19 =	spop (v2sf)  }
0x66: {  	s20 =	spop (v2sf)  }
0x67: {  	s25 =	spop (v2sf)  }
0x68: {  	s26 =	spop (v2sf)  }
0x69: {  	s28 =	spop (v2sf)  }
0x6a: {  	s29 =	spop (v2sf)  }
0x6b: {  	s8 =	sor.u32 s11, s8;
	s30 =	spop (v2sf)  }
0x6c: {  	s3 =	sor.u32 s3, s8;
	s31 =	spop (v2sf)  }
0x6d: {  	s3 =	sor.u32 s18, s3;
	s1 =	spop (v2sf)  }
0x6e: {  	s3 =	sor.u32 s19, s3;
	s0 =	spop (v2sf)  }
0x6f: {  	s3 =	sor.u32 s20, s3;
	s11 =	spop (v2sf)  }
0x70: {  	s3 =	sor.u32 s25, s3;
	s8 =	spop (v2sf)  }
0x71: {  	s3 =	sor.u32 s26, s3;
	_ =	swait.ge [sflag:s12], $0x2000  }
0x72: {  	s3 =	sor.u32 s28, s3;
	[sflag:s12] =	ssyncset.done $0x0  }
0x73: {  	s3 =	sor.u32 s29, s3;
	[sflag:s12] =	ssyncadd.s32 $0xFFFFE000  }
0x74: {  	s3 =	sor.u32 s30, s3;
	_ =	swait.ge [sflag:s12], $0x2000  }
0x75: {  	s3 =	sor.u32 s31, s3;
	[sflag:s12] =	ssyncset.done $0x0  }
0x76: {  	s1 =	sor.u32 s1, s3;
	[sflag:s12] =	ssyncadd.s32 $0xFFFFE000  }
0x77: {  	s0 =	sor.u32 s0, s1;
	_ =	swait.ge [sflag:s12], $0x2000  }
0x78: {  	s0 =	sor.u32 s11, s0;
	[sflag:s12] =	ssyncset.done $0x0  }
0x79: {  	s0 =	sor.u32 s8, s0;
	[sflag:s12] =	ssyncadd.s32 $0xFFFFE000  }
0x7a: {  	p0 =	slt.s32 s0, $0x1;
	_ =	swait.ge [sflag:s12], $0x2000  }
.Ltmp5:
0x7b: {  	[sflag:s12] =	ssyncset.done $0x0;
	(pc) =	sbr.rel @p0 .LBB2_7-.Ltmp5, $4  }
0x7c: {  	[sflag:s12] =	ssyncadd.s32 $0xFFFFE000  }
0x7d: {  	_ =	swait.ge [sflag:s12], $0x2000  }
0x7e: {  	[sflag:s12] =	ssyncset.done $0x0  }
0x7f: {  	[sflag:s12] =	ssyncadd.s32 $0xFFFFE000  }
0x80: {  	s8 =	simm.s32 $0x0;
	s11 =	simm.s32 $0x700  }
.LBB2_6:
0x81: {  	s0 =	sshra.s32 s8, $0x2  }
0x82: {  	v1 =	vld [tilespmem:s0+$0x0];
	_ =	sdelay $0x4  }
0x83: {  	(v2sf) =	vpush v1, $0x0;
	_ =	sdelay $0xe  }
0x84: {  	s0 =	spop (v2sf)  }
0x85: {  	p1 =	sgt.s32 s0, $0x2  }
0x86: {  	s0 =	sshll.u32 @!p1 s0, $0x8  }
0x87: {  	s0 =	sshra.s32 @!p1 s0, $0x2  }
0x88: {  	v2 =	vld @!p1 [tilespmem:s0+$0x14500];
	_ =	sdelay $0x4  }
0x89: {  	(v2sf) =	vpush v1, $0x1;
	[tilespmem:s11+$0xFFFFFE00] =	vst @!p1 v2  }
0x8a: {  	v2 =	vld @!p1 [tilespmem:s0+$0x14510];
	_ =	sdelay $0x4  }
0x8b: {  	[tilespmem:s11+$0xFFFFFE10] =	vst @!p1 v2  }
0x8c: {  	v2 =	vld @!p1 [tilespmem:s0+$0x14520];
	_ =	sdelay $0x4  }
0x8d: {  	[tilespmem:s11+$0xFFFFFE20] =	vst @!p1 v2  }
0x8e: {  	v2 =	vld @!p1 [tilespmem:s0+$0x14530];
	_ =	sdelay $0x1  }
0x8f: {  	s0 =	spop (v2sf)  }
0x90: {  	p0 =	sgt.s32 s0, $0x2  }
0x91: {  	s0 =	sshll.u32 @!p0 s0, $0x8  }
0x92: {  	s0 =	sshra.s32 @!p0 s0, $0x2;
	[tilespmem:s11+$0xFFFFFE30] =	vst @!p1 v2  }
0x93: {  	v2 =	vld @!p0 [tilespmem:s0+$0x14500];
	_ =	sdelay $0x4  }
0x94: {  	(v2sf) =	vpush v1, $0x2;
	[tilespmem:s11+$0xFFFFFE40] =	vst @!p0 v2  }
0x95: {  	v2 =	vld @!p0 [tilespmem:s0+$0x14510];
	_ =	sdelay $0x4  }
0x96: {  	[tilespmem:s11+$0xFFFFFE50] =	vst @!p0 v2  }
0x97: {  	v2 =	vld @!p0 [tilespmem:s0+$0x14520];
	_ =	sdelay $0x4  }
0x98: {  	[tilespmem:s11+$0xFFFFFE60] =	vst @!p0 v2  }
0x99: {  	v2 =	vld @!p0 [tilespmem:s0+$0x14530];
	_ =	sdelay $0x1  }
0x9a: {  	s0 =	spop (v2sf)  }
0x9b: {  	p1 =	sgt.s32 s0, $0x2  }
0x9c: {  	s0 =	sshll.u32 @!p1 s0, $0x8  }
0x9d: {  	s0 =	sshra.s32 @!p1 s0, $0x2;
	[tilespmem:s11+$0xFFFFFE70] =	vst @!p0 v2  }
0x9e: {  	v2 =	vld @!p1 [tilespmem:s0+$0x14500];
	_ =	sdelay $0x4  }
0x9f: {  	(v2sf) =	vpush v1, $0x3;
	[tilespmem:s11+$0xFFFFFE80] =	vst @!p1 v2  }
0xa0: {  	v2 =	vld @!p1 [tilespmem:s0+$0x14510];
	_ =	sdelay $0x4  }
0xa1: {  	[tilespmem:s11+$0xFFFFFE90] =	vst @!p1 v2  }
0xa2: {  	v2 =	vld @!p1 [tilespmem:s0+$0x14520];
	_ =	sdelay $0x4  }
0xa3: {  	[tilespmem:s11+$0xFFFFFEA0] =	vst @!p1 v2  }
0xa4: {  	v2 =	vld @!p1 [tilespmem:s0+$0x14530];
	_ =	sdelay $0x1  }
0xa5: {  	s0 =	spop (v2sf)  }
0xa6: {  	p0 =	sgt.s32 s0, $0x2  }
0xa7: {  	s0 =	sshll.u32 @!p0 s0, $0x8  }
0xa8: {  	s0 =	sshra.s32 @!p0 s0, $0x2;
	[tilespmem:s11+$0xFFFFFEB0] =	vst @!p1 v2  }
0xa9: {  	v2 =	vld @!p0 [tilespmem:s0+$0x14500];
	_ =	sdelay $0x4  }
0xaa: {  	(v2sf) =	vpush v1, $0x4;
	[tilespmem:s11+$0xFFFFFEC0] =	vst @!p0 v2  }
0xab: {  	v2 =	vld @!p0 [tilespmem:s0+$0x14510];
	_ =	sdelay $0x4  }
0xac: {  	[tilespmem:s11+$0xFFFFFED0] =	vst @!p0 v2  }
0xad: {  	v2 =	vld @!p0 [tilespmem:s0+$0x14520];
	_ =	sdelay $0x4  }
0xae: {  	[tilespmem:s11+$0xFFFFFEE0] =	vst @!p0 v2  }
0xaf: {  	v2 =	vld @!p0 [tilespmem:s0+$0x14530];
	_ =	sdelay $0x1  }
0xb0: {  	s0 =	spop (v2sf)  }
0xb1: {  	p1 =	sgt.s32 s0, $0x2  }
0xb2: {  	s0 =	sshll.u32 @!p1 s0, $0x8  }
0xb3: {  	s0 =	sshra.s32 @!p1 s0, $0x2;
	[tilespmem:s11+$0xFFFFFEF0] =	vst @!p0 v2  }
0xb4: {  	v2 =	vld @!p1 [tilespmem:s0+$0x14500];
	_ =	sdelay $0x4  }
0xb5: {  	(v2sf) =	vpush v1, $0x5;
	[tilespmem:s11+$0xFFFFFF00] =	vst @!p1 v2  }
0xb6: {  	v2 =	vld @!p1 [tilespmem:s0+$0x14510];
	_ =	sdelay $0x4  }
0xb7: {  	[tilespmem:s11+$0xFFFFFF10] =	vst @!p1 v2  }
0xb8: {  	v2 =	vld @!p1 [tilespmem:s0+$0x14520];
	_ =	sdelay $0x4  }
0xb9: {  	[tilespmem:s11+$0xFFFFFF20] =	vst @!p1 v2  }
0xba: {  	v2 =	vld @!p1 [tilespmem:s0+$0x14530];
	_ =	sdelay $0x1  }
0xbb: {  	s0 =	spop (v2sf)  }
0xbc: {  	p0 =	sgt.s32 s0, $0x2  }
0xbd: {  	s0 =	sshll.u32 @!p0 s0, $0x8  }
0xbe: {  	s0 =	sshra.s32 @!p0 s0, $0x2;
	[tilespmem:s11+$0xFFFFFF30] =	vst @!p1 v2  }
0xbf: {  	v2 =	vld @!p0 [tilespmem:s0+$0x14500];
	_ =	sdelay $0x4  }
0xc0: {  	(v2sf) =	vpush v1, $0x6;
	[tilespmem:s11+$0xFFFFFF40] =	vst @!p0 v2  }
0xc1: {  	v2 =	vld @!p0 [tilespmem:s0+$0x14510];
	_ =	sdelay $0x4  }
0xc2: {  	[tilespmem:s11+$0xFFFFFF50] =	vst @!p0 v2  }
0xc3: {  	v2 =	vld @!p0 [tilespmem:s0+$0x14520];
	_ =	sdelay $0x4  }
0xc4: {  	[tilespmem:s11+$0xFFFFFF60] =	vst @!p0 v2  }
0xc5: {  	v2 =	vld @!p0 [tilespmem:s0+$0x14530];
	_ =	sdelay $0x1  }
0xc6: {  	s0 =	spop (v2sf)  }
0xc7: {  	p1 =	sgt.s32 s0, $0x2  }
0xc8: {  	s0 =	sshll.u32 @!p1 s0, $0x8  }
0xc9: {  	s0 =	sshra.s32 @!p1 s0, $0x2;
	[tilespmem:s11+$0xFFFFFF70] =	vst @!p0 v2  }
0xca: {  	v2 =	vld @!p1 [tilespmem:s0+$0x14500];
	_ =	sdelay $0x4  }
0xcb: {  	(v2sf) =	vpush v1, $0x7;
	[tilespmem:s11+$0xFFFFFF80] =	vst @!p1 v2  }
0xcc: {  	v2 =	vld @!p1 [tilespmem:s0+$0x14510];
	_ =	sdelay $0x4  }
0xcd: {  	[tilespmem:s11+$0xFFFFFF90] =	vst @!p1 v2  }
0xce: {  	v2 =	vld @!p1 [tilespmem:s0+$0x14520];
	_ =	sdelay $0x4  }
0xcf: {  	[tilespmem:s11+$0xFFFFFFA0] =	vst @!p1 v2  }
0xd0: {  	v2 =	vld @!p1 [tilespmem:s0+$0x14530];
	_ =	sdelay $0x1  }
0xd1: {  	s0 =	spop (v2sf)  }
0xd2: {  	p0 =	sgt.s32 s0, $0x2  }
0xd3: {  	s0 =	sshll.u32 @!p0 s0, $0x8  }
0xd4: {  	s0 =	sshra.s32 @!p0 s0, $0x2;
	[tilespmem:s11+$0xFFFFFFB0] =	vst @!p1 v2  }
0xd5: {  	v2 =	vld @!p0 [tilespmem:s0+$0x14500];
	_ =	sdelay $0x4  }
0xd6: {  	(v2sf) =	vpush v1, $0x8;
	[tilespmem:s11+$0xFFFFFFC0] =	vst @!p0 v2  }
0xd7: {  	v2 =	vld @!p0 [tilespmem:s0+$0x14510];
	_ =	sdelay $0x4  }
0xd8: {  	[tilespmem:s11+$0xFFFFFFD0] =	vst @!p0 v2  }
0xd9: {  	v2 =	vld @!p0 [tilespmem:s0+$0x14520];
	_ =	sdelay $0x4  }
0xda: {  	[tilespmem:s11+$0xFFFFFFE0] =	vst @!p0 v2  }
0xdb: {  	v2 =	vld @!p0 [tilespmem:s0+$0x14530];
	_ =	sdelay $0x1  }
0xdc: {  	s0 =	spop (v2sf)  }
0xdd: {  	p1 =	sgt.s32 s0, $0x2  }
0xde: {  	s0 =	sshll.u32 @!p1 s0, $0x8  }
0xdf: {  	s0 =	sshra.s32 @!p1 s0, $0x2;
	[tilespmem:s11+$0xFFFFFFF0] =	vst @!p0 v2  }
0xe0: {  	v2 =	vld @!p1 [tilespmem:s0+$0x14500];
	_ =	sdelay $0x4  }
0xe1: {  	(v2sf) =	vpush v1, $0x9;
	[tilespmem:s11+$0x0] =	vst @!p1 v2  }
0xe2: {  	v2 =	vld @!p1 [tilespmem:s0+$0x14510];
	_ =	sdelay $0x4  }
0xe3: {  	[tilespmem:s11+$0x10] =	vst @!p1 v2  }
0xe4: {  	v2 =	vld @!p1 [tilespmem:s0+$0x14520];
	_ =	sdelay $0x4  }
0xe5: {  	[tilespmem:s11+$0x20] =	vst @!p1 v2  }
0xe6: {  	v2 =	vld @!p1 [tilespmem:s0+$0x14530];
	_ =	sdelay $0x1  }
0xe7: {  	s0 =	spop (v2sf)  }
0xe8: {  	p0 =	sgt.s32 s0, $0x2  }
0xe9: {  	s0 =	sshll.u32 @!p0 s0, $0x8  }
0xea: {  	s0 =	sshra.s32 @!p0 s0, $0x2;
	[tilespmem:s11+$0x30] =	vst @!p1 v2  }
0xeb: {  	v2 =	vld @!p0 [tilespmem:s0+$0x14500];
	_ =	sdelay $0x4  }
0xec: {  	(v2sf) =	vpush v1, $0xA;
	[tilespmem:s11+$0x40] =	vst @!p0 v2  }
0xed: {  	v2 =	vld @!p0 [tilespmem:s0+$0x14510];
	_ =	sdelay $0x4  }
0xee: {  	[tilespmem:s11+$0x50] =	vst @!p0 v2  }
0xef: {  	v2 =	vld @!p0 [tilespmem:s0+$0x14520];
	_ =	sdelay $0x4  }
0xf0: {  	[tilespmem:s11+$0x60] =	vst @!p0 v2  }
0xf1: {  	v2 =	vld @!p0 [tilespmem:s0+$0x14530];
	_ =	sdelay $0x1  }
0xf2: {  	s0 =	spop (v2sf)  }
0xf3: {  	p1 =	sgt.s32 s0, $0x2  }
0xf4: {  	s0 =	sshll.u32 @!p1 s0, $0x8  }
0xf5: {  	s0 =	sshra.s32 @!p1 s0, $0x2;
	[tilespmem:s11+$0x70] =	vst @!p0 v2  }
0xf6: {  	v2 =	vld @!p1 [tilespmem:s0+$0x14500];
	_ =	sdelay $0x4  }
0xf7: {  	(v2sf) =	vpush v1, $0xB;
	[tilespmem:s11+$0x80] =	vst @!p1 v2  }
0xf8: {  	v2 =	vld @!p1 [tilespmem:s0+$0x14510];
	_ =	sdelay $0x4  }
0xf9: {  	[tilespmem:s11+$0x90] =	vst @!p1 v2  }
0xfa: {  	v2 =	vld @!p1 [tilespmem:s0+$0x14520];
	_ =	sdelay $0x4  }
0xfb: {  	[tilespmem:s11+$0xA0] =	vst @!p1 v2  }
0xfc: {  	v2 =	vld @!p1 [tilespmem:s0+$0x14530];
	_ =	sdelay $0x1  }
0xfd: {  	s0 =	spop (v2sf)  }
0xfe: {  	p0 =	sgt.s32 s0, $0x2  }
0xff: {  	s0 =	sshll.u32 @!p0 s0, $0x8  }
0x100: {  	s0 =	sshra.s32 @!p0 s0, $0x2;
	[tilespmem:s11+$0xB0] =	vst @!p1 v2  }
0x101: {  	v2 =	vld @!p0 [tilespmem:s0+$0x14500];
	_ =	sdelay $0x4  }
0x102: {  	(v2sf) =	vpush v1, $0xC;
	[tilespmem:s11+$0xC0] =	vst @!p0 v2  }
0x103: {  	v2 =	vld @!p0 [tilespmem:s0+$0x14510];
	_ =	sdelay $0x4  }
0x104: {  	[tilespmem:s11+$0xD0] =	vst @!p0 v2  }
0x105: {  	v2 =	vld @!p0 [tilespmem:s0+$0x14520];
	_ =	sdelay $0x4  }
0x106: {  	[tilespmem:s11+$0xE0] =	vst @!p0 v2  }
0x107: {  	v2 =	vld @!p0 [tilespmem:s0+$0x14530];
	_ =	sdelay $0x1  }
0x108: {  	s0 =	spop (v2sf)  }
0x109: {  	p1 =	sgt.s32 s0, $0x2  }
0x10a: {  	s0 =	sshll.u32 @!p1 s0, $0x8  }
0x10b: {  	s0 =	sshra.s32 @!p1 s0, $0x2;
	[tilespmem:s11+$0xF0] =	vst @!p0 v2  }
0x10c: {  	v2 =	vld @!p1 [tilespmem:s0+$0x14500];
	_ =	sdelay $0x4  }
0x10d: {  	(v2sf) =	vpush v1, $0xD;
	[tilespmem:s11+$0x100] =	vst @!p1 v2  }
0x10e: {  	v2 =	vld @!p1 [tilespmem:s0+$0x14510];
	_ =	sdelay $0x4  }
0x10f: {  	[tilespmem:s11+$0x110] =	vst @!p1 v2  }
0x110: {  	v2 =	vld @!p1 [tilespmem:s0+$0x14520];
	_ =	sdelay $0x4  }
0x111: {  	[tilespmem:s11+$0x120] =	vst @!p1 v2  }
0x112: {  	v2 =	vld @!p1 [tilespmem:s0+$0x14530];
	_ =	sdelay $0x1  }
0x113: {  	s0 =	spop (v2sf)  }
0x114: {  	p0 =	sgt.s32 s0, $0x2  }
0x115: {  	s0 =	sshll.u32 @!p0 s0, $0x8  }
0x116: {  	s0 =	sshra.s32 @!p0 s0, $0x2;
	[tilespmem:s11+$0x130] =	vst @!p1 v2  }
0x117: {  	v2 =	vld @!p0 [tilespmem:s0+$0x14500];
	_ =	sdelay $0x4  }
0x118: {  	(v2sf) =	vpush v1, $0xE;
	[tilespmem:s11+$0x140] =	vst @!p0 v2  }
0x119: {  	v2 =	vld @!p0 [tilespmem:s0+$0x14510];
	_ =	sdelay $0x4  }
0x11a: {  	[tilespmem:s11+$0x150] =	vst @!p0 v2  }
0x11b: {  	v2 =	vld @!p0 [tilespmem:s0+$0x14520];
	_ =	sdelay $0x4  }
0x11c: {  	[tilespmem:s11+$0x160] =	vst @!p0 v2  }
0x11d: {  	v2 =	vld @!p0 [tilespmem:s0+$0x14530];
	_ =	sdelay $0x1  }
0x11e: {  	s0 =	spop (v2sf)  }
0x11f: {  	p1 =	sgt.s32 s0, $0x2  }
0x120: {  	s0 =	sshll.u32 @!p1 s0, $0x8  }
0x121: {  	s0 =	sshra.s32 @!p1 s0, $0x2;
	[tilespmem:s11+$0x170] =	vst @!p0 v2  }
0x122: {  	v2 =	vld @!p1 [tilespmem:s0+$0x14500];
	_ =	sdelay $0x4  }
0x123: {  	(v2sf) =	vpush v1, $0xF;
	[tilespmem:s11+$0x180] =	vst @!p1 v2  }
0x124: {  	v1 =	vld @!p1 [tilespmem:s0+$0x14510];
	_ =	sdelay $0x4  }
0x125: {  	[tilespmem:s11+$0x190] =	vst @!p1 v1  }
0x126: {  	v1 =	vld @!p1 [tilespmem:s0+$0x14520];
	_ =	sdelay $0x4  }
0x127: {  	[tilespmem:s11+$0x1A0] =	vst @!p1 v1  }
0x128: {  	v1 =	vld @!p1 [tilespmem:s0+$0x14530];
	_ =	sdelay $0x1  }
0x129: {  	s0 =	spop (v2sf)  }
0x12a: {  	p0 =	sgt.s32 s0, $0x2  }
0x12b: {  	s0 =	sshll.u32 @!p0 s0, $0x8  }
0x12c: {  	s0 =	sshra.s32 @!p0 s0, $0x2;
	[tilespmem:s11+$0x1B0] =	vst @!p1 v1  }
0x12d: {  	v1 =	vld @!p0 [tilespmem:s0+$0x14500];
	_ =	sdelay $0x4  }
0x12e: {  	[tilespmem:s11+$0x1C0] =	vst @!p0 v1  }
0x12f: {  	v1 =	vld @!p0 [tilespmem:s0+$0x14510];
	_ =	sdelay $0x4  }
0x130: {  	[tilespmem:s11+$0x1D0] =	vst @!p0 v1  }
0x131: {  	v1 =	vld @!p0 [tilespmem:s0+$0x14520];
	_ =	sdelay $0x4  }
0x132: {  	[tilespmem:s11+$0x1E0] =	vst @!p0 v1  }
0x133: {  	v1 =	vld @!p0 [tilespmem:s0+$0x14530];
	_ =	sdelay $0x3  }
0x134: {  	s8 =	sadd.s32 $0x40, s8  }
0x135: {  	[tilespmem:s11+$0x1F0] =	vst @!p0 v1;
	p0 =	sne.s32 s8, $0xA00  }
.Ltmp6:
0x136: {  	_ = 	snop;
	(pc) =	sbr.rel @p0 .LBB2_6-.Ltmp6, $2  }
0x137: {  	_ =	sdelay $0x2  }
0x138: {  	s11 =	sadd.s32 $0x400, s11  }
.LBB2_7:
0x139: {  	s0 =	sadd.s32 s4, s6  }
0x13a: {  	s0 =	sshll.u32 s0, $0x4  }
0x13b: {  	p0 =	seq.s32 s21, $0x13;
	s0 =	sadd.s32 s7, s0  }
0x13c: {  	[hbm4b:s0+s16] =	stream.strided.scatter [tilespmem:s15], [sflag:$0x3], $0xA000, s14, s16, $0x38;
	[tilespmem:$0x14600] =	vst v63  }
0x13d: {  	s0 =	simm.s32 @!p0 $0x3  }
0x13e: {  	s1 =	sadd.s32 @!p0 s6, s10;
	_ =	swait.ge @!p0 [sflag:s0], $0xA000  }
0x13f: {  	s1 =	sshrl.u32 @!p0 s1, $0x3;
	[sflag:s0] =	ssyncset.done @!p0 $0x0  }
0x140: {  	[sflag:s0] =	ssyncadd.s32 @!p0 $0xFFFF6000;
	s0 =	sadd.s32 @!p0 s2, s1;
	s1 =	simm.s32 @!p0 $0x0  }
0x141: {  	[tilespmem:s1], [sflag:$0x5] =	stream.linear.gather @!p0 [hbm4b:s0+s1], $0x280, $0x38;
	[tilespmem:$0x14600] =	vst v63  }
0x142: {  	s0 =	simm.s32 @!p0 $0x5  }
0x143: {  	_ =	swait.ge @!p0 [sflag:s0], $0x280  }
0x144: {  	[sflag:s0] =	ssyncset.done @!p0 $0x0  }
0x145: {  	s3 =	simm.s32 @!p0 $0x500;
	[sflag:s0] =	ssyncadd.s32 @!p0 $0xFFFFFD80;
	s0 =	simm.s32 @!p0 $0x80  }
0x146: {  	[tilespmem:s3], [sflag:$0x1] =	stream.indirect.gather @!p0 [hbm4b:s5+s0], $0x40, s1, s0, $0xb8;
	[tilespmem:$0x14600] =	vst v63  }
0x147: {  	s1 =	simm.s32 @!p0 $0x2500  }
0x148: {  	[tilespmem:s1], [sflag:$0x1] =	stream.indirect.gather @!p0 [hbm4b:s5+s0], $0x40, s0, s0, $0xb8;
	[tilespmem:$0x14600] =	vst v63  }
0x149: {  	s3 =	simm.s32 @!p0 $0x4500;
	s1 =	simm.s32 @!p0 $0x100  }
0x14a: {  	[tilespmem:s3], [sflag:$0x1] =	stream.indirect.gather @!p0 [hbm4b:s5+s0], $0x40, s1, s0, $0xb8;
	[tilespmem:$0x14600] =	vst v63  }
0x14b: {  	s1 =	simm.s32 @!p0 $0x180;
	s3 =	simm.s32 @!p0 $0x6500  }
0x14c: {  	[tilespmem:s3], [sflag:$0x1] =	stream.indirect.gather @!p0 [hbm4b:s5+s0], $0x40, s1, s0, $0xb8;
	[tilespmem:$0x14600] =	vst v63  }
0x14d: {  	s31 =	simm.s32 $0x0;
	s1 =	simm.s32 @!p0 $0x200;
	s3 =	simm.s32 @!p0 $0x8500  }
0x14e: {  	[tilespmem:s3], [sflag:$0x1] =	stream.indirect.gather @!p0 [hbm4b:s5+s0], $0x40, s1, s0, $0xb8;
	[tilespmem:$0x14600] =	vst v63  }
0x14f: {  	v2 =	vld [tilespmem:s31+$0x280]  }
0x150: {  	v1 =	vimm.s32 $0x0;
	s6 =	simm.s32 $0x40  }
.LBB2_8:
0x151: {  	p0 =	sne.s32 s6, $0x9C0  }
.Ltmp7:
0x152: {  	_ = 	snop;
	(pc) =	sbr.rel @p0 .LBB2_8-.Ltmp7, $4  }
0x153: {  	_ = 	snop  }
0x154: {  	s0 =	sshra.s32 s6, $0x2;
	s6 =	sadd.s32 $0x40, s6;
	vm0 =	vlt.s32 v2, $0x3  }
0x155: {  	v2 =	vld [tilespmem:s0+$0x280];
	v3 =	vsel vm0, $0x1, v0  }
0x156: {  	v1 =	vor.u32 v3, v1  }
0x157: {  	_ =	sdelay $0x2  }
0x158: {  	vm0 =	vlt.s32 v2, $0x3  }
0x159: {  	v2 =	vsel vm0, $0x1, v0  }
0x15a: {  	v1 =	vor.u32 v2, v1  }
0x15b: {  	(v2sf) =	vpush v1, $0x0  }
0x15c: {  	(v2sf) =	vpush v1, $0x1  }
0x15d: {  	(v2sf) =	vpush v1, $0x2  }
0x15e: {  	(v2sf) =	vpush v1, $0x3  }
0x15f: {  	(v2sf) =	vpush v1, $0x4  }
0x160: {  	(v2sf) =	vpush v1, $0x5  }
0x161: {  	(v2sf) =	vpush v1, $0x6  }
0x162: {  	(v2sf) =	vpush v1, $0x7  }
0x163: {  	(v2sf) =	vpush v1, $0x8  }
0x164: {  	(v2sf) =	vpush v1, $0x9  }
0x165: {  	(v2sf) =	vpush v1, $0xA  }
0x166: {  	(v2sf) =	vpush v1, $0xB  }
0x167: {  	(v2sf) =	vpush v1, $0xC  }
0x168: {  	(v2sf) =	vpush v1, $0xD  }
0x169: {  	(v2sf) =	vpush v1, $0xE  }
0x16a: {  	s0 =	spop (v2sf);
	(v2sf) =	vpush v1, $0xF  }
0x16b: {  	s1 =	spop (v2sf)  }
0x16c: {  	s3 =	spop (v2sf)  }
0x16d: {  	s6 =	spop (v2sf)  }
0x16e: {  	s8 =	spop (v2sf)  }
0x16f: {  	s11 =	spop (v2sf)  }
0x170: {  	s18 =	spop (v2sf)  }
0x171: {  	s19 =	spop (v2sf)  }
0x172: {  	s20 =	spop (v2sf)  }
0x173: {  	s25 =	spop (v2sf)  }
0x174: {  	s0 =	sor.u32 s1, s0;
	s26 =	spop (v2sf)  }
0x175: {  	s0 =	sor.u32 s3, s0;
	s28 =	spop (v2sf)  }
0x176: {  	s0 =	sor.u32 s6, s0;
	s29 =	spop (v2sf)  }
0x177: {  	s0 =	sor.u32 s8, s0;
	s30 =	spop (v2sf)  }
0x178: {  	s0 =	sor.u32 s11, s0;
	s1 =	spop (v2sf)  }
0x179: {  	s0 =	sor.u32 s18, s0;
	s31 =	spop (v2sf)  }
0x17a: {  	s0 =	sor.u32 s19, s0;
	_ =	swait.ge [sflag:s17], $0x2000  }
0x17b: {  	s0 =	sor.u32 s20, s0;
	[sflag:s17] =	ssyncset.done $0x0  }
0x17c: {  	s0 =	sor.u32 s25, s0;
	[sflag:s17] =	ssyncadd.s32 $0xFFFFE000  }
0x17d: {  	s0 =	sor.u32 s26, s0;
	_ =	swait.ge [sflag:s17], $0x2000  }
0x17e: {  	s0 =	sor.u32 s28, s0;
	[sflag:s17] =	ssyncset.done $0x0  }
0x17f: {  	s0 =	sor.u32 s29, s0;
	[sflag:s17] =	ssyncadd.s32 $0xFFFFE000  }
0x180: {  	s0 =	sor.u32 s30, s0;
	_ =	swait.ge [sflag:s17], $0x2000  }
0x181: {  	s0 =	sor.u32 s1, s0;
	[sflag:s17] =	ssyncset.done $0x0  }
0x182: {  	s0 =	sor.u32 s31, s0;
	[sflag:s17] =	ssyncadd.s32 $0xFFFFE000  }
0x183: {  	p0 =	slt.s32 s0, $0x1;
	_ =	swait.ge [sflag:s17], $0x2000  }
.Ltmp8:
0x184: {  	[sflag:s17] =	ssyncset.done $0x0;
	(pc) =	sbr.rel @p0 .LBB2_12-.Ltmp8, $4  }
0x185: {  	[sflag:s17] =	ssyncadd.s32 $0xFFFFE000  }
0x186: {  	_ =	swait.ge [sflag:s17], $0x2000  }
0x187: {  	[sflag:s17] =	ssyncset.done $0x0  }
0x188: {  	[sflag:s17] =	ssyncadd.s32 $0xFFFFE000  }
0x189: {  	s6 =	simm.s32 $0x0;
	s8 =	simm.s32 $0xA700  }
.LBB2_11:
0x18a: {  	s0 =	sshra.s32 s6, $0x2  }
0x18b: {  	v1 =	vld [tilespmem:s0+$0x280];
	_ =	sdelay $0x4  }
0x18c: {  	(v2sf) =	vpush v1, $0x0;
	_ =	sdelay $0xe  }
0x18d: {  	s0 =	spop (v2sf)  }
0x18e: {  	p1 =	sgt.s32 s0, $0x2  }
0x18f: {  	s0 =	sshll.u32 @!p1 s0, $0x8  }
0x190: {  	s0 =	sshra.s32 @!p1 s0, $0x2  }
0x191: {  	v2 =	vld @!p1 [tilespmem:s0+$0x14500];
	_ =	sdelay $0x4  }
0x192: {  	(v2sf) =	vpush v1, $0x1;
	[tilespmem:s8+$0xFFFFFE00] =	vst @!p1 v2  }
0x193: {  	v2 =	vld @!p1 [tilespmem:s0+$0x14510];
	_ =	sdelay $0x4  }
0x194: {  	[tilespmem:s8+$0xFFFFFE10] =	vst @!p1 v2  }
0x195: {  	v2 =	vld @!p1 [tilespmem:s0+$0x14520];
	_ =	sdelay $0x4  }
0x196: {  	[tilespmem:s8+$0xFFFFFE20] =	vst @!p1 v2  }
0x197: {  	v2 =	vld @!p1 [tilespmem:s0+$0x14530];
	_ =	sdelay $0x1  }
0x198: {  	s0 =	spop (v2sf)  }
0x199: {  	p0 =	sgt.s32 s0, $0x2  }
0x19a: {  	s0 =	sshll.u32 @!p0 s0, $0x8  }
0x19b: {  	s0 =	sshra.s32 @!p0 s0, $0x2;
	[tilespmem:s8+$0xFFFFFE30] =	vst @!p1 v2  }
0x19c: {  	v2 =	vld @!p0 [tilespmem:s0+$0x14500];
	_ =	sdelay $0x4  }
0x19d: {  	(v2sf) =	vpush v1, $0x2;
	[tilespmem:s8+$0xFFFFFE40] =	vst @!p0 v2  }
0x19e: {  	v2 =	vld @!p0 [tilespmem:s0+$0x14510];
	_ =	sdelay $0x4  }
0x19f: {  	[tilespmem:s8+$0xFFFFFE50] =	vst @!p0 v2  }
0x1a0: {  	v2 =	vld @!p0 [tilespmem:s0+$0x14520];
	_ =	sdelay $0x4  }
0x1a1: {  	[tilespmem:s8+$0xFFFFFE60] =	vst @!p0 v2  }
0x1a2: {  	v2 =	vld @!p0 [tilespmem:s0+$0x14530];
	_ =	sdelay $0x1  }
0x1a3: {  	s0 =	spop (v2sf)  }
0x1a4: {  	p1 =	sgt.s32 s0, $0x2  }
0x1a5: {  	s0 =	sshll.u32 @!p1 s0, $0x8  }
0x1a6: {  	s0 =	sshra.s32 @!p1 s0, $0x2;
	[tilespmem:s8+$0xFFFFFE70] =	vst @!p0 v2  }
0x1a7: {  	v2 =	vld @!p1 [tilespmem:s0+$0x14500];
	_ =	sdelay $0x4  }
0x1a8: {  	(v2sf) =	vpush v1, $0x3;
	[tilespmem:s8+$0xFFFFFE80] =	vst @!p1 v2  }
0x1a9: {  	v2 =	vld @!p1 [tilespmem:s0+$0x14510];
	_ =	sdelay $0x4  }
0x1aa: {  	[tilespmem:s8+$0xFFFFFE90] =	vst @!p1 v2  }
0x1ab: {  	v2 =	vld @!p1 [tilespmem:s0+$0x14520];
	_ =	sdelay $0x4  }
0x1ac: {  	[tilespmem:s8+$0xFFFFFEA0] =	vst @!p1 v2  }
0x1ad: {  	v2 =	vld @!p1 [tilespmem:s0+$0x14530];
	_ =	sdelay $0x1  }
0x1ae: {  	s0 =	spop (v2sf)  }
0x1af: {  	p0 =	sgt.s32 s0, $0x2  }
0x1b0: {  	s0 =	sshll.u32 @!p0 s0, $0x8  }
0x1b1: {  	s0 =	sshra.s32 @!p0 s0, $0x2;
	[tilespmem:s8+$0xFFFFFEB0] =	vst @!p1 v2  }
0x1b2: {  	v2 =	vld @!p0 [tilespmem:s0+$0x14500];
	_ =	sdelay $0x4  }
0x1b3: {  	(v2sf) =	vpush v1, $0x4;
	[tilespmem:s8+$0xFFFFFEC0] =	vst @!p0 v2  }
0x1b4: {  	v2 =	vld @!p0 [tilespmem:s0+$0x14510];
	_ =	sdelay $0x4  }
0x1b5: {  	[tilespmem:s8+$0xFFFFFED0] =	vst @!p0 v2  }
0x1b6: {  	v2 =	vld @!p0 [tilespmem:s0+$0x14520];
	_ =	sdelay $0x4  }
0x1b7: {  	[tilespmem:s8+$0xFFFFFEE0] =	vst @!p0 v2  }
0x1b8: {  	v2 =	vld @!p0 [tilespmem:s0+$0x14530];
	_ =	sdelay $0x1  }
0x1b9: {  	s0 =	spop (v2sf)  }
0x1ba: {  	p1 =	sgt.s32 s0, $0x2  }
0x1bb: {  	s0 =	sshll.u32 @!p1 s0, $0x8  }
0x1bc: {  	s0 =	sshra.s32 @!p1 s0, $0x2;
	[tilespmem:s8+$0xFFFFFEF0] =	vst @!p0 v2  }
0x1bd: {  	v2 =	vld @!p1 [tilespmem:s0+$0x14500];
	_ =	sdelay $0x4  }
0x1be: {  	(v2sf) =	vpush v1, $0x5;
	[tilespmem:s8+$0xFFFFFF00] =	vst @!p1 v2  }
0x1bf: {  	v2 =	vld @!p1 [tilespmem:s0+$0x14510];
	_ =	sdelay $0x4  }
0x1c0: {  	[tilespmem:s8+$0xFFFFFF10] =	vst @!p1 v2  }
0x1c1: {  	v2 =	vld @!p1 [tilespmem:s0+$0x14520];
	_ =	sdelay $0x4  }
0x1c2: {  	[tilespmem:s8+$0xFFFFFF20] =	vst @!p1 v2  }
0x1c3: {  	v2 =	vld @!p1 [tilespmem:s0+$0x14530];
	_ =	sdelay $0x1  }
0x1c4: {  	s0 =	spop (v2sf)  }
0x1c5: {  	p0 =	sgt.s32 s0, $0x2  }
0x1c6: {  	s0 =	sshll.u32 @!p0 s0, $0x8  }
0x1c7: {  	s0 =	sshra.s32 @!p0 s0, $0x2;
	[tilespmem:s8+$0xFFFFFF30] =	vst @!p1 v2  }
0x1c8: {  	v2 =	vld @!p0 [tilespmem:s0+$0x14500];
	_ =	sdelay $0x4  }
0x1c9: {  	(v2sf) =	vpush v1, $0x6;
	[tilespmem:s8+$0xFFFFFF40] =	vst @!p0 v2  }
0x1ca: {  	v2 =	vld @!p0 [tilespmem:s0+$0x14510];
	_ =	sdelay $0x4  }
0x1cb: {  	[tilespmem:s8+$0xFFFFFF50] =	vst @!p0 v2  }
0x1cc: {  	v2 =	vld @!p0 [tilespmem:s0+$0x14520];
	_ =	sdelay $0x4  }
0x1cd: {  	[tilespmem:s8+$0xFFFFFF60] =	vst @!p0 v2  }
0x1ce: {  	v2 =	vld @!p0 [tilespmem:s0+$0x14530];
	_ =	sdelay $0x1  }
0x1cf: {  	s0 =	spop (v2sf)  }
0x1d0: {  	p1 =	sgt.s32 s0, $0x2  }
0x1d1: {  	s0 =	sshll.u32 @!p1 s0, $0x8  }
0x1d2: {  	s0 =	sshra.s32 @!p1 s0, $0x2;
	[tilespmem:s8+$0xFFFFFF70] =	vst @!p0 v2  }
0x1d3: {  	v2 =	vld @!p1 [tilespmem:s0+$0x14500];
	_ =	sdelay $0x4  }
0x1d4: {  	(v2sf) =	vpush v1, $0x7;
	[tilespmem:s8+$0xFFFFFF80] =	vst @!p1 v2  }
0x1d5: {  	v2 =	vld @!p1 [tilespmem:s0+$0x14510];
	_ =	sdelay $0x4  }
0x1d6: {  	[tilespmem:s8+$0xFFFFFF90] =	vst @!p1 v2  }
0x1d7: {  	v2 =	vld @!p1 [tilespmem:s0+$0x14520];
	_ =	sdelay $0x4  }
0x1d8: {  	[tilespmem:s8+$0xFFFFFFA0] =	vst @!p1 v2  }
0x1d9: {  	v2 =	vld @!p1 [tilespmem:s0+$0x14530];
	_ =	sdelay $0x1  }
0x1da: {  	s0 =	spop (v2sf)  }
0x1db: {  	p0 =	sgt.s32 s0, $0x2  }
0x1dc: {  	s0 =	sshll.u32 @!p0 s0, $0x8  }
0x1dd: {  	s0 =	sshra.s32 @!p0 s0, $0x2;
	[tilespmem:s8+$0xFFFFFFB0] =	vst @!p1 v2  }
0x1de: {  	v2 =	vld @!p0 [tilespmem:s0+$0x14500];
	_ =	sdelay $0x4  }
0x1df: {  	(v2sf) =	vpush v1, $0x8;
	[tilespmem:s8+$0xFFFFFFC0] =	vst @!p0 v2  }
0x1e0: {  	v2 =	vld @!p0 [tilespmem:s0+$0x14510];
	_ =	sdelay $0x4  }
0x1e1: {  	[tilespmem:s8+$0xFFFFFFD0] =	vst @!p0 v2  }
0x1e2: {  	v2 =	vld @!p0 [tilespmem:s0+$0x14520];
	_ =	sdelay $0x4  }
0x1e3: {  	[tilespmem:s8+$0xFFFFFFE0] =	vst @!p0 v2  }
0x1e4: {  	v2 =	vld @!p0 [tilespmem:s0+$0x14530];
	_ =	sdelay $0x1  }
0x1e5: {  	s0 =	spop (v2sf)  }
0x1e6: {  	p1 =	sgt.s32 s0, $0x2  }
0x1e7: {  	s0 =	sshll.u32 @!p1 s0, $0x8  }
0x1e8: {  	s0 =	sshra.s32 @!p1 s0, $0x2;
	[tilespmem:s8+$0xFFFFFFF0] =	vst @!p0 v2  }
0x1e9: {  	v2 =	vld @!p1 [tilespmem:s0+$0x14500];
	_ =	sdelay $0x4  }
0x1ea: {  	(v2sf) =	vpush v1, $0x9;
	[tilespmem:s8+$0x0] =	vst @!p1 v2  }
0x1eb: {  	v2 =	vld @!p1 [tilespmem:s0+$0x14510];
	_ =	sdelay $0x4  }
0x1ec: {  	[tilespmem:s8+$0x10] =	vst @!p1 v2  }
0x1ed: {  	v2 =	vld @!p1 [tilespmem:s0+$0x14520];
	_ =	sdelay $0x4  }
0x1ee: {  	[tilespmem:s8+$0x20] =	vst @!p1 v2  }
0x1ef: {  	v2 =	vld @!p1 [tilespmem:s0+$0x14530];
	_ =	sdelay $0x1  }
0x1f0: {  	s0 =	spop (v2sf)  }
0x1f1: {  	p0 =	sgt.s32 s0, $0x2  }
0x1f2: {  	s0 =	sshll.u32 @!p0 s0, $0x8  }
0x1f3: {  	s0 =	sshra.s32 @!p0 s0, $0x2;
	[tilespmem:s8+$0x30] =	vst @!p1 v2  }
0x1f4: {  	v2 =	vld @!p0 [tilespmem:s0+$0x14500];
	_ =	sdelay $0x4  }
0x1f5: {  	(v2sf) =	vpush v1, $0xA;
	[tilespmem:s8+$0x40] =	vst @!p0 v2  }
0x1f6: {  	v2 =	vld @!p0 [tilespmem:s0+$0x14510];
	_ =	sdelay $0x4  }
0x1f7: {  	[tilespmem:s8+$0x50] =	vst @!p0 v2  }
0x1f8: {  	v2 =	vld @!p0 [tilespmem:s0+$0x14520];
	_ =	sdelay $0x4  }
0x1f9: {  	[tilespmem:s8+$0x60] =	vst @!p0 v2  }
0x1fa: {  	v2 =	vld @!p0 [tilespmem:s0+$0x14530];
	_ =	sdelay $0x1  }
0x1fb: {  	s0 =	spop (v2sf)  }
0x1fc: {  	p1 =	sgt.s32 s0, $0x2  }
0x1fd: {  	s0 =	sshll.u32 @!p1 s0, $0x8  }
0x1fe: {  	s0 =	sshra.s32 @!p1 s0, $0x2;
	[tilespmem:s8+$0x70] =	vst @!p0 v2  }
0x1ff: {  	v2 =	vld @!p1 [tilespmem:s0+$0x14500];
	_ =	sdelay $0x4  }
0x200: {  	(v2sf) =	vpush v1, $0xB;
	[tilespmem:s8+$0x80] =	vst @!p1 v2  }
0x201: {  	v2 =	vld @!p1 [tilespmem:s0+$0x14510];
	_ =	sdelay $0x4  }
0x202: {  	[tilespmem:s8+$0x90] =	vst @!p1 v2  }
0x203: {  	v2 =	vld @!p1 [tilespmem:s0+$0x14520];
	_ =	sdelay $0x4  }
0x204: {  	[tilespmem:s8+$0xA0] =	vst @!p1 v2  }
0x205: {  	v2 =	vld @!p1 [tilespmem:s0+$0x14530];
	_ =	sdelay $0x1  }
0x206: {  	s0 =	spop (v2sf)  }
0x207: {  	p0 =	sgt.s32 s0, $0x2  }
0x208: {  	s0 =	sshll.u32 @!p0 s0, $0x8  }
0x209: {  	s0 =	sshra.s32 @!p0 s0, $0x2;
	[tilespmem:s8+$0xB0] =	vst @!p1 v2  }
0x20a: {  	v2 =	vld @!p0 [tilespmem:s0+$0x14500];
	_ =	sdelay $0x4  }
0x20b: {  	(v2sf) =	vpush v1, $0xC;
	[tilespmem:s8+$0xC0] =	vst @!p0 v2  }
0x20c: {  	v2 =	vld @!p0 [tilespmem:s0+$0x14510];
	_ =	sdelay $0x4  }
0x20d: {  	[tilespmem:s8+$0xD0] =	vst @!p0 v2  }
0x20e: {  	v2 =	vld @!p0 [tilespmem:s0+$0x14520];
	_ =	sdelay $0x4  }
0x20f: {  	[tilespmem:s8+$0xE0] =	vst @!p0 v2  }
0x210: {  	v2 =	vld @!p0 [tilespmem:s0+$0x14530];
	_ =	sdelay $0x1  }
0x211: {  	s0 =	spop (v2sf)  }
0x212: {  	p1 =	sgt.s32 s0, $0x2  }
0x213: {  	s0 =	sshll.u32 @!p1 s0, $0x8  }
0x214: {  	s0 =	sshra.s32 @!p1 s0, $0x2;
	[tilespmem:s8+$0xF0] =	vst @!p0 v2  }
0x215: {  	v2 =	vld @!p1 [tilespmem:s0+$0x14500];
	_ =	sdelay $0x4  }
0x216: {  	(v2sf) =	vpush v1, $0xD;
	[tilespmem:s8+$0x100] =	vst @!p1 v2  }
0x217: {  	v2 =	vld @!p1 [tilespmem:s0+$0x14510];
	_ =	sdelay $0x4  }
0x218: {  	[tilespmem:s8+$0x110] =	vst @!p1 v2  }
0x219: {  	v2 =	vld @!p1 [tilespmem:s0+$0x14520];
	_ =	sdelay $0x4  }
0x21a: {  	[tilespmem:s8+$0x120] =	vst @!p1 v2  }
0x21b: {  	v2 =	vld @!p1 [tilespmem:s0+$0x14530];
	_ =	sdelay $0x1  }
0x21c: {  	s0 =	spop (v2sf)  }
0x21d: {  	p0 =	sgt.s32 s0, $0x2  }
0x21e: {  	s0 =	sshll.u32 @!p0 s0, $0x8  }
0x21f: {  	s0 =	sshra.s32 @!p0 s0, $0x2;
	[tilespmem:s8+$0x130] =	vst @!p1 v2  }
0x220: {  	v2 =	vld @!p0 [tilespmem:s0+$0x14500];
	_ =	sdelay $0x4  }
0x221: {  	(v2sf) =	vpush v1, $0xE;
	[tilespmem:s8+$0x140] =	vst @!p0 v2  }
0x222: {  	v2 =	vld @!p0 [tilespmem:s0+$0x14510];
	_ =	sdelay $0x4  }
0x223: {  	[tilespmem:s8+$0x150] =	vst @!p0 v2  }
0x224: {  	v2 =	vld @!p0 [tilespmem:s0+$0x14520];
	_ =	sdelay $0x4  }
0x225: {  	[tilespmem:s8+$0x160] =	vst @!p0 v2  }
0x226: {  	v2 =	vld @!p0 [tilespmem:s0+$0x14530];
	_ =	sdelay $0x1  }
0x227: {  	s0 =	spop (v2sf)  }
0x228: {  	p1 =	sgt.s32 s0, $0x2  }
0x229: {  	s0 =	sshll.u32 @!p1 s0, $0x8  }
0x22a: {  	s0 =	sshra.s32 @!p1 s0, $0x2;
	[tilespmem:s8+$0x170] =	vst @!p0 v2  }
0x22b: {  	v2 =	vld @!p1 [tilespmem:s0+$0x14500];
	_ =	sdelay $0x4  }
0x22c: {  	(v2sf) =	vpush v1, $0xF;
	[tilespmem:s8+$0x180] =	vst @!p1 v2  }
0x22d: {  	v1 =	vld @!p1 [tilespmem:s0+$0x14510];
	_ =	sdelay $0x4  }
0x22e: {  	[tilespmem:s8+$0x190] =	vst @!p1 v1  }
0x22f: {  	v1 =	vld @!p1 [tilespmem:s0+$0x14520];
	_ =	sdelay $0x4  }
0x230: {  	[tilespmem:s8+$0x1A0] =	vst @!p1 v1  }
0x231: {  	v1 =	vld @!p1 [tilespmem:s0+$0x14530];
	_ =	sdelay $0x1  }
0x232: {  	s0 =	spop (v2sf)  }
0x233: {  	p0 =	sgt.s32 s0, $0x2  }
0x234: {  	s0 =	sshll.u32 @!p0 s0, $0x8  }
0x235: {  	s0 =	sshra.s32 @!p0 s0, $0x2;
	[tilespmem:s8+$0x1B0] =	vst @!p1 v1  }
0x236: {  	v1 =	vld @!p0 [tilespmem:s0+$0x14500];
	_ =	sdelay $0x4  }
0x237: {  	[tilespmem:s8+$0x1C0] =	vst @!p0 v1  }
0x238: {  	v1 =	vld @!p0 [tilespmem:s0+$0x14510];
	_ =	sdelay $0x4  }
0x239: {  	[tilespmem:s8+$0x1D0] =	vst @!p0 v1  }
0x23a: {  	v1 =	vld @!p0 [tilespmem:s0+$0x14520];
	_ =	sdelay $0x4  }
0x23b: {  	[tilespmem:s8+$0x1E0] =	vst @!p0 v1  }
0x23c: {  	v1 =	vld @!p0 [tilespmem:s0+$0x14530];
	_ =	sdelay $0x3  }
0x23d: {  	s6 =	sadd.s32 $0x40, s6  }
0x23e: {  	[tilespmem:s8+$0x1F0] =	vst @!p0 v1;
	p0 =	sne.s32 s6, $0xA00  }
.Ltmp9:
0x23f: {  	_ = 	snop;
	(pc) =	sbr.rel @p0 .LBB2_11-.Ltmp9, $2  }
0x240: {  	_ =	sdelay $0x2  }
0x241: {  	s8 =	sadd.s32 $0x400, s8  }
.Ltmp10:
0x242: {  	_ = 	snop;
	(pc) =	sbr.rel .LBB2_12-.Ltmp10, $1  }
0x243: {  	_ =	sdelay $0x3  }
.LBB2_14:
0x244: {  	_ =	sfence.sel $0x180000  }
0x245: {  	[bflag:$0x0] =	sbarrier.arrive $0xFFFF  }
0x246: {  	_ =	strace $0x90000047  }
0x247: {  	s0 =	stileid.u32;
	[bflag:$0x2] =	sbarrier.arrive $0xFFFF  }
0x248: {  	p0 =	sne.s32 s0, $0x0;
	s0 =	rddreg [dreg:$0x2]  }
0x249: {  	s0 =	sadd.s32 @!p0 $0x100000, s0  }
0x24a: {  	[sflag:s0] =	ssyncadd.tile.s32 @!p0 $0x1;
	_ =	shalt  }
.Lfunc_end2:
_tile_overlayer_lowered:
.L_overlay_start_2:
0x24b: {  	(tag) =	ssettag $0x2  }
0x24c: {  	s0 =	rddreg [dreg:$0x0];
	s2 =	stileid.u32  }
0x24d: {  	s1 =	rddreg [dreg:$0x1];
	p0 =	sne.s32 s2, $0x0  }
0x24e: {  	s3 =	rddreg [dreg:$0x2];
	[bflag:$0x3] =	sbarrier.arrive $0xFFFF;
	s2 =	simm.s32 @!p0 $0x1C05  }
0x24f: {  	[timem:s3], [sflag:s2] =	dma.local @!p0 [hbm:s0], s1  }
0x250: {  	s0 =	simm.s32 @!p0 $0x5  }
0x251: {  	_ =	swait.ge @!p0 [sflag:s0], s1  }
0x252: {  	s1 =	ssub.s32 @!p0 $0x0, s1;
	[sflag:s0] =	ssyncset.done @!p0 $0x0  }
0x253: {  	[sflag:s0] =	ssyncadd.s32 @!p0 s1  }
0x254: {  	[bflag:$0x3] =	sbarrier.arrive $0xFFFF  }
0x255: {  	_ =	shalt  }

// kernel: sparse-core-data-format-call.cloned.1.call-start
scs
called_computation_lowered:
.L_overlay_start_0:
0x0: {  	s2 =	sld [smem:$0x3FD9]  }
0x1: {  	s3 =	sld [smem:$0x3FFE];
	_ =	sdelay $0x1  }
0x2: {  	s1 =	srdreg.scid  }
0x3: {  	s0 =	sand.u32 $0x1, s1  }
0x4: {  	s18 =	sshll.u32 s0, $0xA;
	s2 =	sadd.s32 s3, s2  }
0x5: {  	s2 =	sadd.s32 s2, s18  }
0x6: {  	[smem:$0x3FC3] =	sst s2  }
0x7: {  	_ = 	snop  }
0x8: {  	s2 =	sld [smem:$0x3FD0];
	(tm) =	ssettm $0x1  }
0x9: {  	s19 =	sld [smem:$0x3FFB];
	_ =	sdelay $0x3  }
0xa: {  	_ =	strace s19  }
0xb: {  	s3 =	sld [smem:$0x3FFC];
	_ =	sdelay $0x3  }
0xc: {  	_ =	strace s3  }
0xd: {  	s3 =	sld [smem:$0x3FFD];
	_ =	sdelay $0x3  }
0xe: {  	_ =	strace s3  }
0xf: {  	_ =	strace $0x8FFFFFFF  }
0x10: {  	s20 =	sld [smem:$0x3FDB];
	_ =	sdelay $0x1  }
0x11: {  	s4 =	simm.s32 $_scs_section_size  }
0x12: {  	s5 =	simm.s32 $_size__tile_overlayer_lowered;
	s6 =	simm.s32 $_tile_overlayer_lowered  }
0x13: {  	s23 =	simm.s32 $0x1BFF;
	s22 =	sshll.u32 s6, $0x1;
	s3 =	sadd.s32 s4, s20  }
0x14: {  	s7 =	simm.s32 $0x0;
	s21 =	sshll.u32 s5, $0x1;
	s5 =	sadd.s32 s22, s3  }
0x15: {  	[timem:s7], [sflag:s23] =	dma.local [hbm:s5], s21  }
0x16: {  	_ =	swait.ge [sflag:s23], s21  }
0x17: {  	s4 =	ssub.s32 $0x0, s21;
	[sflag:s23] =	ssyncset.done $0x0  }
0x18: {  	[sflag:s23] =	ssyncadd.s32 s4;
	_ =	sdelay $0x1  }
0x19: {  	s24 =	simm.s32 $0x1B8B  }
0x1a: {  	_ =	swait.ge [sflag:s24], $0x1  }
0x1b: {  	[sflag:s24] =	ssyncset.done $0x0  }
0x1c: {  	s26 =	simm.s32 $0x1B8E;
	s25 =	sld [smem:$0x3FFE];
	[sflag:s24] =	ssyncadd.s32 $0xFFFFFFFF  }
0x1d: {  	s27 =	simm.s32 $execute0_lowered;
	[smem:$0x3FD2] =	sst s26  }
0x1e: {  	s5 =	sshll.u32 s27, $0x1;
	_ =	strace $0x80000049;
	[dreg:$0x1] =	wrdreg $0xFFFFFFFF  }
0x1f: {  	s28 =	simm.s32 $_size_execute0_lowered;
	s3 =	sadd.s32 s3, s5;
	[dreg:$0x0] =	wrdreg $0x0  }
0x20: {  	s5 =	sshll.u32 s28, $0x1;
	[dreg:$0x2] =	wrdreg s3  }
0x21: {  	[dreg:$0x3] =	wrdreg s5  }
0x22: {  	[dreg:$0x4] =	wrdreg $0xC0  }
0x23: {  	_ =	task [dreg:s7], $0x5FFFF  }
0x24: {  	[dreg:$0x1] =	wrdreg $0xFFFFFFFF  }
0x25: {  	[dreg:$0x0] =	wrdreg $0x60  }
0x26: {  	[dreg:$0x2] =	wrdreg s25  }
0x27: {  	[dreg:$0x3] =	wrdreg s2  }
0x28: {  	[dreg:$0x4] =	wrdreg $0x9  }
0x29: {  	_ =	task.clear_ibuf [dreg:s7], $0x5FFFF;
	_ =	strace $0x90000049  }
0x2a: {  	s29 =	simm.s32 $0x9;
	_ =	strace $0x8000004B  }
0x2b: {  	_ =	swait.ge [sflag:s29], $0x1  }
0x2c: {  	[sflag:s29] =	ssyncadd.s32 $0xFFFFFFFF  }
0x2d: {  	_ =	strace $0x9000004B  }
0x2e: {  	_ =	sfence  }
0x2f: {  	s30 =	sld [smem:$0x0];
	_ =	sdelay $0x2  }
0x30: {  	s31 =	sshll.u32 s1, $0xD;
	s1 =	sshrl.u32 s1, $0x2  }
0x31: {  	s3 =	sand.u32 $0x4000, s31;
	s1 =	sadd.s32 s1, s30  }
0x32: {  	s0 =	sor.u32 s3, s0;
	s1 =	sshll.u32 s1, $0x11  }
0x33: {  	s0 =	sor.u32 s1, s0  }
0x34: {  	s0 =	sadd.s32 $0x8F2B, s0  }
0x35: {  	[sflag:s0] =	ssyncadd.remote.s32 $0x1  }
0x36: {  	_ =	sfence.sel $0xFFFF  }
0x37: {  	[dreg:$0x0] =	wrdreg $0xFFFFFFFF;
	(pc) =	sbr.abs _section_cstart, $3  }
0x38: {  	[dreg:$0x1] =	wrdreg $0xFFFFFFFF  }
0x39: {  	_ =	task.clear_ibuf [dreg:s7], $0x2FFFF;
	_ =	strace $0x9FFFFFFF  }
0x3a: {  	(tm) =	ssettm $0x7FFFFFFF  }
0x3b: {  	_ =	shalt  }
tec
execute0_lowered:
.L_overlay_start_1:
0x0: {  	(tag) =	ssettag $0x1  }
0x1: {  	s0 =	srdreg.scid  }
0x2: {  	s1 =	sshll.u32 s0, $0x4  }
0x3: {  	s0 =	stileid.u32;
	s1 =	sand.u32 $0x10, s1  }
0x4: {  	s1 =	sor.u32 s0, s1  }
0x5: {  	s6 =	rddreg [dreg:$0x0];
	s4 =	simm.s32 $0x1;
	s2 =	sshll.u32 s1, $0x7  }
0x6: {  	s7 =	simm.s32 $0x2;
	s12 =	simm.s32 $0x0;
	s1 =	ssub.s32 $0x1000, s2  }
0x7: {  	s8 =	simm.s32 $0x8000;
	s13 =	simm.s32 $0x0;
	s3 =	sand.u32 $0xF80, s1  }
0x8: {  	s9 =	simm.s32 $0x0;
	s5 =	sshrl.u32 s1, $0xC;
	p0 =	sne.s32 s3, $0x0  }
.Ltmp0:
0x9: {  	s1 =	rddreg [dreg:$0x2];
	s4 =	simm.s32 @!p0 $0x0;
	(pc) =	sbr.rel .LBB1_1-.Ltmp0, $4  }
0xa: {  	s11 =	simm.s32 $0x0;
	s3 =	rddreg [dreg:$0x1];
	s5 =	sadd.s32 s4, s5  }
0xb: {  	_ =	strace $0x8000004A;
	s4 =	simm.s32 $0x1;
	s5 =	smul.u32 $0xC8, s5  }
0xc: {  	s6 =	sadd.s32 $0x1200, s6;
	s10 =	smov.u32 s2;
	[sflag:s4] =	ssyncpa.u1 $0x0  }
0xd: {  	p0 =	por $0x0, $0x0;
	[sflag:s7] =	ssyncpa.u1 $0x0;
	s7 =	sor.u32 $0x1, s5  }
.LBB1_4:
0xe: {  	s16 =	sshll.u32 s13, $0x3;
	s17 =	sand.u32 $0x78, s13  }
0xf: {  	s30 =	sand.u32 $0x7E00, s13;
	s12 =	sshll.u32 s12, $0xF;
	s16 =	sand.u32 $0xC00, s16  }
0x10: {  	[tilespmem:s15+$0x810 ss:$0x81] =	vst.msk $0xffff, v2;
	s31 =	sand.u32 $0x7, s13;
	s16 =	sor.u32 s17, s16;
	s17 =	sadd.s32 s3, s30  }
0x11: {  	[tilespmem:s15+$0x1020 ss:$0x81] =	vst.msk $0xffff, v0;
	s13 =	sshll.u32 s31, $0x12;
	s12 =	sadd.s32 s12, s17;
	s16 =	sshrl.u32 s16, $0x3  }
0x12: {  	[tilespmem:s15+$0x0 ss:$0x81] =	vst.msk $0xffff, v1;
	s13 =	sor.u32 $0x400, s13;
	s12 =	sadd.s32 s16, s12  }
0x13: {  	[hbm4b:s12+s13] =	stream.strided.scatter [tilespmem:s14], [sflag:$0x2], $0x2000, s8, s13, $0x20;
	[tilespmem:$0x8080] =	vst v63  }
.LBB1_5:
0x14: {  	s14 =	sadd.s32 $0x1, s9  }
0x15: {  	s12 =	sadd.s32 $0x1000, s10;
	s16 =	smov.u32 s10;
	p2 =	sgt.s32 s14, $0xC7  }
0x16: {  	s16 =	smov.u32 @p2 s12  }
0x17: {  	s14 =	simm.s32 @p2 $0x0;
	p2 =	sgt.s32 s16, $0xFFF  }
0x18: {  	s16 =	smov.u32 @p2 s2;
	p2 =	sne.s32 s11, s7  }
.Ltmp1:
0x19: {  	p1 =	slt.u32 s11, $0x2;
	(pc) =	sbr.rel @!p2 .LBB1_6-.Ltmp1, $4  }
0x1a: {  	s15 =	simm.s32 @!p1 $0x2  }
0x1b: {  	s13 =	smov.u32 s10;
	p0 =	por !p0, !p0;
	_ =	swait.ge @!p1 [sflag:s15], $0x2000  }
0x1c: {  	s12 =	smov.u32 s9;
	[sflag:s15] =	ssyncset.done @!p1 $0x0;
	s9 =	smov.u32 s14  }
0x1d: {  	s11 =	sadd.s32 $0x1, s11;
	[sflag:s15] =	ssyncadd.s32 @!p1 $0xFFFFE000;
	s10 =	smov.u32 s16  }
.LBB1_1:
0x1e: {  	p1 =	sge.u32 s11, s5  }
0x1f: {  	s14 =	sand.u32 @!p1 $0x1FFFFFF, s9  }
0x20: {  	s15 =	smulhi.u32 @!p1 $0x147AE15, s14;
	_ =	sdelay $0x1  }
0x21: {  	s15 =	smul.u32 @!p1 $0xC8, s15  }
0x22: {  	s16 =	sxor.u32 @!p1 $0xFFFFFFFF, s11;
	s17 =	smul.u32 @!p1 $0xC80, s10  }
0x23: {  	s31 =	sadd.s32 $0xFFFFFFFF, s11;
	s16 =	sshll.u32 @!p1 s16, $0xD;
	s14 =	ssub.s32 @!p1 s14, s15  }
0x24: {  	s15 =	sand.u32 @!p1 $0x2000, s16;
	s16 =	sadd.s32 @!p1 s6, s17;
	s14 =	sshll.u32 @!p1 s14, $0x4  }
0x25: {  	s17 =	simm.s32 @!p1 $0x6400;
	s14 =	sadd.s32 @!p1 s14, s16;
	s16 =	simm.s32 @!p1 $0x40  }
0x26: {  	[tilespmem:s15], [sflag:$0x1] =	stream.strided.gather @!p1 [hbm4b:s14+s16], $0x2000, s17, s16, $0x38;
	[tilespmem:$0x8080] =	vst v63  }
0x27: {  	p1 =	sge.u32 s31, s5  }
.Ltmp2:
0x28: {  	_ = 	snop;
	(pc) =	sbr.rel @p1 .LBB1_5-.Ltmp2, $1  }
0x29: {  	_ =	sdelay $0x3  }
0x2a: {  	s14 =	simm.s32 $0x1  }
0x2b: {  	_ =	swait.ge [sflag:s4], $0x2000;
	s14 =	simm.s32 @!p0 $0x0  }
0x2c: {  	[sflag:s4] =	ssyncset.done $0x0;
	s15 =	sshll.u32 s14, $0xD  }
0x2d: {  	[sflag:s4] =	ssyncadd.s32 $0xFFFFE000;
	s18 =	sor.u32 $0x20, s15  }
0x2e: {  	s14 =	smul.u32 $0x8100, s14;
	v3 =	vld [tilespmem:s18+$0x10]  }
0x2f: {  	s30 =	sand.u32 $0x1, s11;
	v2 =	vld [tilespmem:s18+$0xFFFFFFF0]  }
0x30: {  	s15 =	smul.u32 $0x8100, s30;
	s14 =	sshrl.u32 s14, $0x2;
	v0 =	vld [tilespmem:s18+$0x0]  }
0x31: {  	v1 =	vld [tilespmem:s18+$0xFFFFFFE0];
	s16 =	sor.u32 $0x4000, s14  }
0x32: {  	s31 =	sshrl.u32 s15, $0x2;
	s15 =	sadd.s32 $0x0, s16  }
0x33: {  	s17 =	simm.s32 $0x4;
	s18 =	sadd.s32 $0x40, s18;
	s14 =	sor.u32 $0x4000, s31;
	[tilespmem:s15+$0x1830 ss:$0x81] =	vst.msk $0xffff, v3  }
.LBB1_3:
0x34: {  	v3 =	vld [tilespmem:s18+$0x10];
	p1 =	sne.s32 s17, $0x1FC;
	[tilespmem:s15+$0x810 ss:$0x81] =	vst.msk $0xffff, v2;
	s19 =	smov.u32 s17;
	s17 =	sadd.s32 $0x4, s17  }
.Ltmp3:
0x35: {  	v2 =	vld [tilespmem:s18+$0xFFFFFFF0];
	[tilespmem:s15+$0x1020 ss:$0x81] =	vst.msk $0xffff, v0;
	(pc) =	sbr.rel @p1 .LBB1_3-.Ltmp3, $4  }
0x36: {  	v0 =	vld [tilespmem:s18+$0x0];
	[tilespmem:s15+$0x0 ss:$0x81] =	vst.msk $0xffff, v1  }
0x37: {  	s15 =	sshra.s32 s19, $0x2;
	v1 =	vld [tilespmem:s18+$0xFFFFFFE0]  }
0x38: {  	s15 =	sadd.s32 s15, s16  }
0x39: {  	s18 =	sadd.s32 $0x40, s18;
	[tilespmem:s15+$0x1830 ss:$0x81] =	vst.msk $0xffff, v3  }
.Ltmp4:
0x3a: {  	_ = 	snop;
	(pc) =	sbr.rel .LBB1_4-.Ltmp4, $1  }
0x3b: {  	_ =	sdelay $0x3  }
.LBB1_6:
0x3c: {  	_ =	sfence.sel $0x180000  }
0x3d: {  	s2 =	simm.s32 $0x1;
	[bflag:$0x0] =	sbarrier.arrive $0xFFFF  }
0x3e: {  	s31 =	simm.s32 $0x2;
	[sflag:s2] =	ssyncpa.u1 $0x1  }
0x3f: {  	[sflag:s31] =	ssyncpa.u1 $0x1  }
0x40: {  	p0 =	sne.s32 s0, $0x0;
	_ =	strace $0x9000004A  }
0x41: {  	s0 =	sadd.s32 @!p0 $0x100000, s1;
	[bflag:$0x2] =	sbarrier.arrive $0xFFFF  }
0x42: {  	[sflag:s0] =	ssyncadd.tile.s32 @!p0 $0x1;
	_ =	shalt  }
.Lfunc_end1:
_tile_overlayer_lowered:
.L_overlay_start_2:
0x43: {  	(tag) =	ssettag $0x2  }
0x44: {  	s0 =	rddreg [dreg:$0x0];
	s2 =	stileid.u32  }
0x45: {  	s1 =	rddreg [dreg:$0x1];
	p0 =	sne.s32 s2, $0x0  }
0x46: {  	s3 =	rddreg [dreg:$0x2];
	[bflag:$0x3] =	sbarrier.arrive $0xFFFF;
	s2 =	simm.s32 @!p0 $0x1C01  }
0x47: {  	[timem:s3], [sflag:s2] =	dma.local @!p0 [hbm:s0], s1  }
0x48: {  	s0 =	simm.s32 @!p0 $0x1  }
0x49: {  	_ =	swait.ge @!p0 [sflag:s0], s1  }
0x4a: {  	s1 =	ssub.s32 @!p0 $0x0, s1;
	[sflag:s0] =	ssyncset.done @!p0 $0x0  }
0x4b: {  	[sflag:s0] =	ssyncadd.s32 @!p0 s1  }
0x4c: {  	[bflag:$0x3] =	sbarrier.arrive $0xFFFF  }
0x4d: {  	_ =	shalt  }

</sc_bundles>
